<compile_context>
chip_gen: v7x
topology: tpu7x:2x2x1
jax: 0.10.2.dev20260603
libtpu: 0.0.44.dev20260713+nightly
codegen_flags: <defaults>
</compile_context>

<pallas_src>
import functools

import jax
import jax.numpy as jnp
from jax import lax
from jax.experimental import pallas as pl
from jax.experimental.pallas import tpu as pltpu
from jax.experimental.pallas import tpu_sc as plsc

_B = 4096
_L = 200
_D = 64
_DP = 128
_NW = 32
_BPW = _B // _NW
_NSLOT = 3
_LEAD = 2


def _make_sc_call():
  mesh = plsc.VectorSubcoreMesh(core_axis_name="c", subcore_axis_name="s")

  @functools.partial(
      pl.kernel,
      out_type=jax.ShapeDtypeStruct((_L * _D, _B), jnp.float32),
      mesh=mesh,
      compiler_params=pltpu.CompilerParams(use_tc_tiling_on_sc=True,
                                           needs_layout_passes=False),
      scratch_types=[
          pltpu.VMEM((_L, _BPW), jnp.int32),
          pltpu.VMEM((_L, _D), jnp.float32),
      ] + [pltpu.VMEM((_BPW, _DP), jnp.float32) for _ in range(_NSLOT)]
        + [pltpu.VMEM((_D, _BPW), jnp.float32) for _ in range(_NSLOT)]
        + [pltpu.SemaphoreType.DMA for _ in range(2 * _NSLOT)],
  )
  def sc_embed(xt_hbm, tok_hbm, pos_hbm, out_hbm, idx_v, pos_v, *bufs_sems):
    rows = bufs_sems[:_NSLOT]
    tbuf = bufs_sems[_NSLOT:2 * _NSLOT]
    gsem = bufs_sems[2 * _NSLOT:3 * _NSLOT]
    wsem = bufs_sems[3 * _NSLOT:]
    nc = 2
    wid = lax.axis_index("s") * nc + lax.axis_index("c")
    b_base = wid * _BPW

    pltpu.sync_copy(xt_hbm.at[:, pl.ds(b_base, _BPW)], idx_v)
    pltpu.sync_copy(pos_hbm.at[pl.ds(0, _L)], pos_v)

    lane = lax.iota(jnp.int32, 16)

    def process(l, rows_s, tb):
      lsplat = jnp.full((16,), l, jnp.int32)

      @plsc.parallel_loop(0, _D, 1, unroll=4)
      def pass_body(t):
        d0 = (t // 16) * 16
        j = t - (t // 16) * 16
        dcol = d0 + lax.rem(lane + j, 16)
        pv = plsc.load_gather(pos_v, [lsplat, dcol])
        for bb in range(_BPW // 16):
          brow = lane + bb * 16
          v = plsc.load_gather(rows_s, [brow, dcol])
          plsc.store_scatter(tb, [dcol, brow], v + pv)

    def gather(c, s):
      pltpu.async_copy(tok_hbm.at[idx_v.at[c]], rows[s], gsem[s])

    def gwait(c, s):
      pltpu.make_async_copy(tok_hbm.at[idx_v.at[c]], rows[s], gsem[s]).wait()

    def wstart(c, s):
      pltpu.async_copy(
          tbuf[s], out_hbm.at[pl.ds(c * _D, _D), pl.ds(b_base, _BPW)],
          wsem[s])

    def wwait(c, s):
      pltpu.make_async_copy(
          tbuf[s], out_hbm.at[pl.ds(c * _D, _D), pl.ds(b_base, _BPW)],
          wsem[s]).wait()

    for s in range(_LEAD):
      gather(s, s)


    def group_body(g, _):
      for s0 in range(_NSLOT):
        c = g * _NSLOT + s0
        sl = (s0 + _LEAD) % _NSLOT
        cl = c + _LEAD

        @pl.when(cl < _L)
        def _():
          gather(cl, sl)

        gwait(c, s0)

        @pl.when(c >= _NSLOT)
        def _():
          wwait(c - _NSLOT, s0)

        process(c, rows[s0], tbuf[s0])
        wstart(c, s0)
      return 0

    lax.fori_loop(0, _L // _NSLOT, group_body, 0)
    for t in range(_L - (_L // _NSLOT) * _NSLOT):
      c = (_L // _NSLOT) * _NSLOT + t
      s0 = c % _NSLOT
      gwait(c, s0)
      wwait(c - _NSLOT, s0)
      process(c, rows[s0], tbuf[s0])
      wstart(c, s0)

    for t in range(_NSLOT):
      c = _L - _NSLOT + t
      wwait(c, c % _NSLOT)

  return sc_embed


_sc_embed = _make_sc_call()


@jax.jit
def kernel(x, tok_emb, pos_emb):
  xt = x.astype(jnp.int32).T
  tok128 = jnp.pad(tok_emb, ((0, 0), (0, _DP - _D)))
  out_t = _sc_embed(xt, tok128, pos_emb)
  return out_t.reshape(_L, _D, _B).transpose(2, 0, 1)

# --- scband reference (transcript-rebuilt; emitter-appended) ---
"""Pipeline reference for scband-embedding-layer-65910568124845 (READ-ONLY COPY).

The authoritative reference and input builder live on the scoring server;
editing this copy changes nothing except your own understanding.
"""

import jax, jax.numpy as jnp
import numpy as np

VOCAB = 1000000
EMBED = 64
MAX_LEN = 512
B = 4096
L = 200

def setup_inputs(seed: int = 0) -> dict:
    key = jax.random.key(seed)
    k1, k2, k3 = jax.random.split(key, 3)
    x = jax.random.randint(k1, (B, L), 0, VOCAB, dtype=jnp.int64 if jax.config.jax_enable_x64 else jnp.int32)
    tok_emb = jax.random.normal(k2, (VOCAB, EMBED), dtype=jnp.float32) * 0.02
    pos_emb = jax.random.normal(k3, (MAX_LEN, EMBED), dtype=jnp.float32) * 0.02
    return {"x": x, "tok_emb": tok_emb, "pos_emb": pos_emb}

def reference(x, tok_emb, pos_emb):
    # positions = torch.arange(0, x.size(1)).unsqueeze(0)
    positions = jnp.arange(0, x.shape[1])[None, :]
    tok = jnp.take(tok_emb, x, axis=0)
    pos = jnp.take(pos_emb, positions, axis=0)
    return tok + pos

if __name__ == "__main__":
    import jax
    _d = setup_inputs()
    print(jax.jit(kernel)(*tuple(_d.values())))

</pallas_src>

<mosaic_0001>
#map = affine_map<(d0, d1) -> (0, 0)>
module attributes {stable_mosaic.version = 14 : i64} {
  func.func @sc_embed(%arg0: i32, %arg1: i32, %arg2: memref<200x4096xi32, #tpu.memory_space<hbm>>, %arg3: memref<1000000x128xf32, #tpu.memory_space<hbm>>, %arg4: memref<512x64xf32, #tpu.memory_space<hbm>>, %arg5: memref<12800x4096xf32, #tpu.memory_space<hbm>>, %arg6: memref<200x128xi32, #tpu.memory_space<vmem>>, %arg7: memref<200x64xf32, #tpu.memory_space<vmem>>, %arg8: memref<128x128xf32, #tpu.memory_space<vmem>>, %arg9: memref<128x128xf32, #tpu.memory_space<vmem>>, %arg10: memref<128x128xf32, #tpu.memory_space<vmem>>, %arg11: memref<64x128xf32, #tpu.memory_space<vmem>>, %arg12: memref<64x128xf32, #tpu.memory_space<vmem>>, %arg13: memref<64x128xf32, #tpu.memory_space<vmem>>, %arg14: memref<!tpu.dma_semaphore, #tpu.memory_space<semaphore_mem>>, %arg15: memref<!tpu.dma_semaphore, #tpu.memory_space<semaphore_mem>>, %arg16: memref<!tpu.dma_semaphore, #tpu.memory_space<semaphore_mem>>, %arg17: memref<!tpu.dma_semaphore, #tpu.memory_space<semaphore_mem>>, %arg18: memref<!tpu.dma_semaphore, #tpu.memory_space<semaphore_mem>>, %arg19: memref<!tpu.dma_semaphore, #tpu.memory_space<semaphore_mem>>) attributes {dimension_semantics = [#tpu.dimension_semantics<core_parallel>, #tpu.dimension_semantics<subcore_parallel>], iteration_bounds = array<i64: 2, 16>, scalar_prefetch = 0 : i64, scratch_operands = 14 : i64, tpu.core_type = #tpu.core_type<sc_vector_subcore>, window_params = [{transform_indices = #map}, {transform_indices = #map}, {transform_indices = #map}, {transform_indices = #map}]} {
    %mul3A = arith.constant 2 : i32
    %mul3A_0 = arith.muli %arg1, %mul3A : i32
    %add3A = arith.addi %mul3A_0, %arg0 : i32
    %mul3A_1 = arith.constant 128 : i32
    %mul3A_2 = arith.muli %add3A, %mul3A_1 : i32
    "tpu.region"() ({
      %run_scoped3A = tpu.sem_alloc : memref<!tpu.dma_semaphore, #tpu.memory_space<semaphore_mem>>
      %dma_start3A_71 = arith.constant 0 : i32
      %dma_start3A_72 = tpu.memref_slice %arg2[%dma_start3A_71, %mul3A_2] : memref<200x4096xi32, #tpu.memory_space<hbm>> -> memref<200x128xi32, #tpu.memory_space<hbm>>
      %dma_start3A_73 = arith.constant 0 : i32
      %dma_start3A_74 = tpu.memref_slice %arg2[%dma_start3A_73, %mul3A_2] : memref<200x4096xi32, #tpu.memory_space<hbm>> -> memref<200x128xi32, #tpu.memory_space<hbm>>
      tpu.enqueue_dma source(%dma_start3A_74 : memref<200x128xi32, #tpu.memory_space<hbm>>) target(%arg6 : memref<200x128xi32, #tpu.memory_space<vmem>>) target_semaphore(%run_scoped3A : memref<!tpu.dma_semaphore, #tpu.memory_space<semaphore_mem>>)
      %dma_wait3A_75 = arith.constant 0 : i32
      %dma_wait3A_76 = tpu.memref_slice %arg2[%dma_wait3A_75, %mul3A_2] : memref<200x4096xi32, #tpu.memory_space<hbm>> -> memref<200x128xi32, #tpu.memory_space<hbm>>
      %dma_wait3A_77 = arith.constant 0 : i32
      %dma_wait3A_78 = tpu.memref_slice %arg2[%dma_wait3A_77, %mul3A_2] : memref<200x4096xi32, #tpu.memory_space<hbm>> -> memref<200x128xi32, #tpu.memory_space<hbm>>
      tpu.wait_dma2 semaphore(%run_scoped3A : memref<!tpu.dma_semaphore, #tpu.memory_space<semaphore_mem>>) src(%dma_wait3A_78 : memref<200x128xi32, #tpu.memory_space<hbm>>) dst(%arg6 : memref<200x128xi32, #tpu.memory_space<vmem>>)
      tpu.yield
    }) : () -> ()
    "tpu.region"() ({
      %run_scoped3A = tpu.sem_alloc : memref<!tpu.dma_semaphore, #tpu.memory_space<semaphore_mem>>
      %dma_start3A_71 = arith.constant 0 : i32
      %dma_start3A_72 = arith.constant 0 : i32
      %dma_start3A_73 = tpu.memref_slice %arg4[%dma_start3A_71, %dma_start3A_72] : memref<512x64xf32, #tpu.memory_space<hbm>> -> memref<200x64xf32, #tpu.memory_space<hbm>>
      %dma_start3A_74 = arith.constant 0 : i32
      %dma_start3A_75 = arith.constant 0 : i32
      %dma_start3A_76 = tpu.memref_slice %arg4[%dma_start3A_74, %dma_start3A_75] : memref<512x64xf32, #tpu.memory_space<hbm>> -> memref<200x64xf32, #tpu.memory_space<hbm>>
      tpu.enqueue_dma source(%dma_start3A_76 : memref<200x64xf32, #tpu.memory_space<hbm>>) target(%arg7 : memref<200x64xf32, #tpu.memory_space<vmem>>) target_semaphore(%run_scoped3A : memref<!tpu.dma_semaphore, #tpu.memory_space<semaphore_mem>>)
      %dma_wait3A_77 = arith.constant 0 : i32
      %dma_wait3A_78 = arith.constant 0 : i32
      %dma_wait3A_79 = tpu.memref_slice %arg4[%dma_wait3A_77, %dma_wait3A_78] : memref<512x64xf32, #tpu.memory_space<hbm>> -> memref<200x64xf32, #tpu.memory_space<hbm>>
      %dma_wait3A_80 = arith.constant 0 : i32
      %dma_wait3A_81 = arith.constant 0 : i32
      %dma_wait3A_82 = tpu.memref_slice %arg4[%dma_wait3A_80, %dma_wait3A_81] : memref<512x64xf32, #tpu.memory_space<hbm>> -> memref<200x64xf32, #tpu.memory_space<hbm>>
      tpu.wait_dma2 semaphore(%run_scoped3A : memref<!tpu.dma_semaphore, #tpu.memory_space<semaphore_mem>>) src(%dma_wait3A_82 : memref<200x64xf32, #tpu.memory_space<hbm>>) dst(%arg7 : memref<200x64xf32, #tpu.memory_space<vmem>>)
      tpu.yield
    }) : () -> ()
    %iota3A = tpu.iota {dimensions = array<i32: 0>} : vector<16xi32>
    %dma_start3A = arith.constant 0 : i32
    %dma_start3A_3 = arith.constant 0 : i32
    %dma_start3A_4 = tpu.memref_slice %arg6[%dma_start3A, %dma_start3A_3] : memref<200x128xi32, #tpu.memory_space<vmem>> -> memref<1x128xi32, #tpu.memory_space<vmem>>
    %dma_start3A_5 = tpu.memref_squeeze %dma_start3A_4 : memref<1x128xi32, #tpu.memory_space<vmem>> -> memref<128xi32, #tpu.memory_space<vmem>>
    %dma_start3A_6 = arith.constant 0 : i32
    %dma_start3A_7 = arith.constant 0 : i32
    %dma_start3A_8 = tpu.memref_slice %arg3[%dma_start3A_6, %dma_start3A_7] : memref<1000000x128xf32, #tpu.memory_space<hbm>> -> memref<1000000x128xf32, #tpu.memory_space<hbm>>
    tpu.enqueue_indirect_dma source(%dma_start3A_8 : memref<1000000x128xf32, #tpu.memory_space<hbm>>) target(%arg8 : memref<128x128xf32, #tpu.memory_space<vmem>>) offsets(%dma_start3A_5 : memref<128xi32, #tpu.memory_space<vmem>>) semaphore(%arg14 : memref<!tpu.dma_semaphore, #tpu.memory_space<semaphore_mem>>)
    %dma_start3A_9 = arith.constant 1 : i32
    %dma_start3A_10 = arith.constant 0 : i32
    %dma_start3A_11 = tpu.memref_slice %arg6[%dma_start3A_9, %dma_start3A_10] : memref<200x128xi32, #tpu.memory_space<vmem>> -> memref<1x128xi32, #tpu.memory_space<vmem>>
    %dma_start3A_12 = tpu.memref_squeeze %dma_start3A_11 : memref<1x128xi32, #tpu.memory_space<vmem>> -> memref<128xi32, #tpu.memory_space<vmem>>
    %dma_start3A_13 = arith.constant 0 : i32
    %dma_start3A_14 = arith.constant 0 : i32
    %dma_start3A_15 = tpu.memref_slice %arg3[%dma_start3A_13, %dma_start3A_14] : memref<1000000x128xf32, #tpu.memory_space<hbm>> -> memref<1000000x128xf32, #tpu.memory_space<hbm>>
    tpu.enqueue_indirect_dma source(%dma_start3A_15 : memref<1000000x128xf32, #tpu.memory_space<hbm>>) target(%arg9 : memref<128x128xf32, #tpu.memory_space<vmem>>) offsets(%dma_start3A_12 : memref<128xi32, #tpu.memory_space<vmem>>) semaphore(%arg15 : memref<!tpu.dma_semaphore, #tpu.memory_space<semaphore_mem>>)
    %scan3A = arith.constant 0 : i32
    %scan3A_16 = arith.constant 0 : i32
    %scan3A_17 = arith.constant 66 : i32
    %scan3A_18 = arith.addi %scan3A_16, %scan3A_17 : i32
    %scan3A_19 = arith.constant 1 : i32
    %scan3A_20 = scf.for %scan3A_71 = %scan3A_16 to %scan3A_18 step %scan3A_19 iter_args(%scan3A_72 = %scan3A) -> (i32)  : i32 {
      %mul3A_73 = arith.constant 3 : i32
      %mul3A_74 = arith.muli %scan3A_71, %mul3A_73 : i32
      %add3A_75 = arith.constant 0 : i32
      %add3A_76 = arith.addi %mul3A_74, %add3A_75 : i32
      %add3A_77 = arith.constant 2 : i32
      %add3A_78 = arith.addi %add3A_76, %add3A_77 : i32
      %lt3A = arith.constant 200 : i32
      %lt3A_79 = arith.cmpi slt, %add3A_78, %lt3A : i32
      %convert_element_type3A = arith.extui %lt3A_79 : i1 to i32
      %cond3A = arith.constant 0 : i32
      %cond3A_80 = arith.cmpi ne, %convert_element_type3A, %cond3A : i32
      scf.if %cond3A_80 {
        %dma_start3A_160 = arith.constant 0 : i32
        %dma_start3A_161 = tpu.memref_slice %arg6[%add3A_78, %dma_start3A_160] : memref<200x128xi32, #tpu.memory_space<vmem>> -> memref<1x128xi32, #tpu.memory_space<vmem>>
        %dma_start3A_162 = tpu.memref_squeeze %dma_start3A_161 : memref<1x128xi32, #tpu.memory_space<vmem>> -> memref<128xi32, #tpu.memory_space<vmem>>
        %dma_start3A_163 = arith.constant 0 : i32
        %dma_start3A_164 = arith.constant 0 : i32
        %dma_start3A_165 = tpu.memref_slice %arg3[%dma_start3A_163, %dma_start3A_164] : memref<1000000x128xf32, #tpu.memory_space<hbm>> -> memref<1000000x128xf32, #tpu.memory_space<hbm>>
        tpu.enqueue_indirect_dma source(%dma_start3A_165 : memref<1000000x128xf32, #tpu.memory_space<hbm>>) target(%arg10 : memref<128x128xf32, #tpu.memory_space<vmem>>) offsets(%dma_start3A_162 : memref<128xi32, #tpu.memory_space<vmem>>) semaphore(%arg16 : memref<!tpu.dma_semaphore, #tpu.memory_space<semaphore_mem>>)
      } else {
      }
      %dma_wait3A_81 = arith.constant 0 : i32
      %dma_wait3A_82 = tpu.memref_slice %arg6[%add3A_76, %dma_wait3A_81] : memref<200x128xi32, #tpu.memory_space<vmem>> -> memref<1x128xi32, #tpu.memory_space<vmem>>
      %dma_wait3A_83 = tpu.memref_squeeze %dma_wait3A_82 : memref<1x128xi32, #tpu.memory_space<vmem>> -> memref<128xi32, #tpu.memory_space<vmem>>
      %dma_wait3A_84 = arith.constant 0 : i32
      %dma_wait3A_85 = arith.constant 0 : i32
      %dma_wait3A_86 = tpu.memref_slice %arg3[%dma_wait3A_84, %dma_wait3A_85] : memref<1000000x128xf32, #tpu.memory_space<hbm>> -> memref<1000000x128xf32, #tpu.memory_space<hbm>>
      tpu.wait_indirect_dma semaphore(%arg14 : memref<!tpu.dma_semaphore, #tpu.memory_space<semaphore_mem>>) src(%dma_wait3A_86 : memref<1000000x128xf32, #tpu.memory_space<hbm>>) dst(%arg8 : memref<128x128xf32, #tpu.memory_space<vmem>>)
      %ge3A = arith.constant 3 : i32
      %ge3A_87 = arith.cmpi sge, %add3A_76, %ge3A : i32
      %convert_element_type3A_88 = arith.extui %ge3A_87 : i1 to i32
      %cond3A_89 = arith.constant 0 : i32
      %cond3A_90 = arith.cmpi ne, %convert_element_type3A_88, %cond3A_89 : i32
      scf.if %cond3A_90 {
        %sub3A = arith.constant 3 : i32
        %sub3A_160 = arith.subi %add3A_76, %sub3A : i32
        %mul3A_161 = arith.constant 64 : i32
        %mul3A_162 = arith.muli %sub3A_160, %mul3A_161 : i32
        %dma_wait3A_163 = tpu.memref_slice %arg5[%mul3A_162, %mul3A_2] : memref<12800x4096xf32, #tpu.memory_space<hbm>> -> memref<64x128xf32, #tpu.memory_space<hbm>>
        %dma_wait3A_164 = tpu.memref_slice %arg5[%mul3A_162, %mul3A_2] : memref<12800x4096xf32, #tpu.memory_space<hbm>> -> memref<64x128xf32, #tpu.memory_space<hbm>>
        tpu.wait_dma2 semaphore(%arg17 : memref<!tpu.dma_semaphore, #tpu.memory_space<semaphore_mem>>) src(%arg11 : memref<64x128xf32, #tpu.memory_space<vmem>>) dst(%dma_wait3A_164 : memref<64x128xf32, #tpu.memory_space<hbm>>)
      } else {
      }
      %broadcast_in_dim3A_91 = vector.broadcast %add3A_76 : i32 to vector<16xi32>
      %parallel_loop3A_92 = arith.constant 0 : i32
      %parallel_loop3A_93 = arith.constant 64 : i32
      %parallel_loop3A_94 = arith.constant 1 : i32
      scf.for %parallel_loop3A_160 = %parallel_loop3A_92 to %parallel_loop3A_93 step %parallel_loop3A_94  : i32 {
        %parallel_loop3A_161 = arith.constant 16 : i32
        %parallel_loop3A_162 = arith.divsi %parallel_loop3A_160, %parallel_loop3A_161 : i32
        %parallel_loop3A_163 = arith.constant 0 : i32
        %parallel_loop3A_164 = arith.cmpi sgt, %parallel_loop3A_160, %parallel_loop3A_163 : i32
        %parallel_loop3A_165 = arith.extui %parallel_loop3A_164 : i1 to i32
        %parallel_loop3A_166 = arith.constant 0 : i32
        %parallel_loop3A_167 = arith.cmpi slt, %parallel_loop3A_160, %parallel_loop3A_166 : i32
        %parallel_loop3A_168 = arith.extui %parallel_loop3A_167 : i1 to i32
        %parallel_loop3A_169 = arith.subi %parallel_loop3A_165, %parallel_loop3A_168 : i32
        %parallel_loop3A_170 = arith.constant 0 : i32
        %parallel_loop3A_171 = arith.cmpi sgt, %parallel_loop3A_161, %parallel_loop3A_170 : i32
        %parallel_loop3A_172 = arith.extui %parallel_loop3A_171 : i1 to i32
        %parallel_loop3A_173 = arith.constant 0 : i32
        %parallel_loop3A_174 = arith.cmpi slt, %parallel_loop3A_161, %parallel_loop3A_173 : i32
        %parallel_loop3A_175 = arith.extui %parallel_loop3A_174 : i1 to i32
        %parallel_loop3A_176 = arith.subi %parallel_loop3A_172, %parallel_loop3A_175 : i32
        %parallel_loop3A_177 = arith.cmpi ne, %parallel_loop3A_169, %parallel_loop3A_176 : i32
        %parallel_loop3A_178 = arith.remsi %parallel_loop3A_160, %parallel_loop3A_161 : i32
        %parallel_loop3A_179 = arith.constant 0 : i32
        %parallel_loop3A_180 = arith.cmpi ne, %parallel_loop3A_178, %parallel_loop3A_179 : i32
        %parallel_loop3A_181 = arith.andi %parallel_loop3A_177, %parallel_loop3A_180 : i1
        %parallel_loop3A_182 = arith.constant 1 : i32
        %parallel_loop3A_183 = arith.subi %parallel_loop3A_162, %parallel_loop3A_182 : i32
        %parallel_loop3A_184 = arith.select %parallel_loop3A_181, %parallel_loop3A_183, %parallel_loop3A_162 : i32
        %parallel_loop3A_185 = arith.constant 16 : i32
        %parallel_loop3A_186 = arith.muli %parallel_loop3A_184, %parallel_loop3A_185 : i32
        %parallel_loop3A_187 = arith.constant 16 : i32
        %parallel_loop3A_188 = arith.divsi %parallel_loop3A_160, %parallel_loop3A_187 : i32
        %parallel_loop3A_189 = arith.constant 0 : i32
        %parallel_loop3A_190 = arith.cmpi sgt, %parallel_loop3A_160, %parallel_loop3A_189 : i32
        %parallel_loop3A_191 = arith.extui %parallel_loop3A_190 : i1 to i32
        %parallel_loop3A_192 = arith.constant 0 : i32
        %parallel_loop3A_193 = arith.cmpi slt, %parallel_loop3A_160, %parallel_loop3A_192 : i32
        %parallel_loop3A_194 = arith.extui %parallel_loop3A_193 : i1 to i32
        %parallel_loop3A_195 = arith.subi %parallel_loop3A_191, %parallel_loop3A_194 : i32
        %parallel_loop3A_196 = arith.constant 0 : i32
        %parallel_loop3A_197 = arith.cmpi sgt, %parallel_loop3A_187, %parallel_loop3A_196 : i32
        %parallel_loop3A_198 = arith.extui %parallel_loop3A_197 : i1 to i32
        %parallel_loop3A_199 = arith.constant 0 : i32
        %parallel_loop3A_200 = arith.cmpi slt, %parallel_loop3A_187, %parallel_loop3A_199 : i32
        %parallel_loop3A_201 = arith.extui %parallel_loop3A_200 : i1 to i32
        %parallel_loop3A_202 = arith.subi %parallel_loop3A_198, %parallel_loop3A_201 : i32
        %parallel_loop3A_203 = arith.cmpi ne, %parallel_loop3A_195, %parallel_loop3A_202 : i32
        %parallel_loop3A_204 = arith.remsi %parallel_loop3A_160, %parallel_loop3A_187 : i32
        %parallel_loop3A_205 = arith.constant 0 : i32
        %parallel_loop3A_206 = arith.cmpi ne, %parallel_loop3A_204, %parallel_loop3A_205 : i32
        %parallel_loop3A_207 = arith.andi %parallel_loop3A_203, %parallel_loop3A_206 : i1
        %parallel_loop3A_208 = arith.constant 1 : i32
        %parallel_loop3A_209 = arith.subi %parallel_loop3A_188, %parallel_loop3A_208 : i32
        %parallel_loop3A_210 = arith.select %parallel_loop3A_207, %parallel_loop3A_209, %parallel_loop3A_188 : i32
        %parallel_loop3A_211 = arith.constant 16 : i32
        %parallel_loop3A_212 = arith.muli %parallel_loop3A_210, %parallel_loop3A_211 : i32
        %parallel_loop3A_213 = arith.subi %parallel_loop3A_160, %parallel_loop3A_212 : i32
        %parallel_loop3A_214 = vector.broadcast %parallel_loop3A_213 : i32 to vector<16xi32>
        %parallel_loop3A_215 = arith.addi %iota3A, %parallel_loop3A_214 : vector<16xi32>
        %parallel_loop3A_216 = arith.constant 16 : i32
        %parallel_loop3A_217 = vector.broadcast %parallel_loop3A_216 : i32 to vector<16xi32>
        %parallel_loop3A_218 = arith.remsi %parallel_loop3A_215, %parallel_loop3A_217 : vector<16xi32>
        %parallel_loop3A_219 = vector.broadcast %parallel_loop3A_186 : i32 to vector<16xi32>
        %parallel_loop3A_220 = arith.addi %parallel_loop3A_219, %parallel_loop3A_218 : vector<16xi32>
        %parallel_loop3A_221 = tpu.vector_load_idx %arg7[%broadcast_in_dim3A_91, %parallel_loop3A_220] : memref<200x64xf32, #tpu.memory_space<vmem>>[vector<16xi32>, vector<16xi32>], vector<16xf32>,
        %parallel_loop3A_222 = arith.constant 0 : i32
        %parallel_loop3A_223 = vector.broadcast %parallel_loop3A_222 : i32 to vector<16xi32>
        %parallel_loop3A_224 = arith.addi %iota3A, %parallel_loop3A_223 : vector<16xi32>
        %parallel_loop3A_225 = tpu.vector_load_idx %arg8[%parallel_loop3A_224, %parallel_loop3A_220] : memref<128x128xf32, #tpu.memory_space<vmem>>[vector<16xi32>, vector<16xi32>], vector<16xf32>,
        %parallel_loop3A_226 = arith.addf %parallel_loop3A_225, %parallel_loop3A_221 : vector<16xf32>
        tpu.vector_store_idx %arg11[%parallel_loop3A_220, %parallel_loop3A_224], %parallel_loop3A_226 : memref<64x128xf32, #tpu.memory_space<vmem>>[vector<16xi32>, vector<16xi32>], vector<16xf32>,
        %parallel_loop3A_227 = arith.constant 16 : i32
        %parallel_loop3A_228 = vector.broadcast %parallel_loop3A_227 : i32 to vector<16xi32>
        %parallel_loop3A_229 = arith.addi %iota3A, %parallel_loop3A_228 : vector<16xi32>
        %parallel_loop3A_230 = tpu.vector_load_idx %arg8[%parallel_loop3A_229, %parallel_loop3A_220] : memref<128x128xf32, #tpu.memory_space<vmem>>[vector<16xi32>, vector<16xi32>], vector<16xf32>,
        %parallel_loop3A_231 = arith.addf %parallel_loop3A_230, %parallel_loop3A_221 : vector<16xf32>
        tpu.vector_store_idx %arg11[%parallel_loop3A_220, %parallel_loop3A_229], %parallel_loop3A_231 : memref<64x128xf32, #tpu.memory_space<vmem>>[vector<16xi32>, vector<16xi32>], vector<16xf32>,
        %parallel_loop3A_232 = arith.constant 32 : i32
        %parallel_loop3A_233 = vector.broadcast %parallel_loop3A_232 : i32 to vector<16xi32>
        %parallel_loop3A_234 = arith.addi %iota3A, %parallel_loop3A_233 : vector<16xi32>
        %parallel_loop3A_235 = tpu.vector_load_idx %arg8[%parallel_loop3A_234, %parallel_loop3A_220] : memref<128x128xf32, #tpu.memory_space<vmem>>[vector<16xi32>, vector<16xi32>], vector<16xf32>,
        %parallel_loop3A_236 = arith.addf %parallel_loop3A_235, %parallel_loop3A_221 : vector<16xf32>
        tpu.vector_store_idx %arg11[%parallel_loop3A_220, %parallel_loop3A_234], %parallel_loop3A_236 : memref<64x128xf32, #tpu.memory_space<vmem>>[vector<16xi32>, vector<16xi32>], vector<16xf32>,
        %parallel_loop3A_237 = arith.constant 48 : i32
        %parallel_loop3A_238 = vector.broadcast %parallel_loop3A_237 : i32 to vector<16xi32>
        %parallel_loop3A_239 = arith.addi %iota3A, %parallel_loop3A_238 : vector<16xi32>
        %parallel_loop3A_240 = tpu.vector_load_idx %arg8[%parallel_loop3A_239, %parallel_loop3A_220] : memref<128x128xf32, #tpu.memory_space<vmem>>[vector<16xi32>, vector<16xi32>], vector<16xf32>,
        %parallel_loop3A_241 = arith.addf %parallel_loop3A_240, %parallel_loop3A_221 : vector<16xf32>
        tpu.vector_store_idx %arg11[%parallel_loop3A_220, %parallel_loop3A_239], %parallel_loop3A_241 : memref<64x128xf32, #tpu.memory_space<vmem>>[vector<16xi32>, vector<16xi32>], vector<16xf32>,
        %parallel_loop3A_242 = arith.constant 64 : i32
        %parallel_loop3A_243 = vector.broadcast %parallel_loop3A_242 : i32 to vector<16xi32>
        %parallel_loop3A_244 = arith.addi %iota3A, %parallel_loop3A_243 : vector<16xi32>
        %parallel_loop3A_245 = tpu.vector_load_idx %arg8[%parallel_loop3A_244, %parallel_loop3A_220] : memref<128x128xf32, #tpu.memory_space<vmem>>[vector<16xi32>, vector<16xi32>], vector<16xf32>,
        %parallel_loop3A_246 = arith.addf %parallel_loop3A_245, %parallel_loop3A_221 : vector<16xf32>
        tpu.vector_store_idx %arg11[%parallel_loop3A_220, %parallel_loop3A_244], %parallel_loop3A_246 : memref<64x128xf32, #tpu.memory_space<vmem>>[vector<16xi32>, vector<16xi32>], vector<16xf32>,
        %parallel_loop3A_247 = arith.constant 80 : i32
        %parallel_loop3A_248 = vector.broadcast %parallel_loop3A_247 : i32 to vector<16xi32>
        %parallel_loop3A_249 = arith.addi %iota3A, %parallel_loop3A_248 : vector<16xi32>
        %parallel_loop3A_250 = tpu.vector_load_idx %arg8[%parallel_loop3A_249, %parallel_loop3A_220] : memref<128x128xf32, #tpu.memory_space<vmem>>[vector<16xi32>, vector<16xi32>], vector<16xf32>,
        %parallel_loop3A_251 = arith.addf %parallel_loop3A_250, %parallel_loop3A_221 : vector<16xf32>
        tpu.vector_store_idx %arg11[%parallel_loop3A_220, %parallel_loop3A_249], %parallel_loop3A_251 : memref<64x128xf32, #tpu.memory_space<vmem>>[vector<16xi32>, vector<16xi32>], vector<16xf32>,
        %parallel_loop3A_252 = arith.constant 96 : i32
        %parallel_loop3A_253 = vector.broadcast %parallel_loop3A_252 : i32 to vector<16xi32>
        %parallel_loop3A_254 = arith.addi %iota3A, %parallel_loop3A_253 : vector<16xi32>
        %parallel_loop3A_255 = tpu.vector_load_idx %arg8[%parallel_loop3A_254, %parallel_loop3A_220] : memref<128x128xf32, #tpu.memory_space<vmem>>[vector<16xi32>, vector<16xi32>], vector<16xf32>,
        %parallel_loop3A_256 = arith.addf %parallel_loop3A_255, %parallel_loop3A_221 : vector<16xf32>
        tpu.vector_store_idx %arg11[%parallel_loop3A_220, %parallel_loop3A_254], %parallel_loop3A_256 : memref<64x128xf32, #tpu.memory_space<vmem>>[vector<16xi32>, vector<16xi32>], vector<16xf32>,
        %parallel_loop3A_257 = arith.constant 112 : i32
        %parallel_loop3A_258 = vector.broadcast %parallel_loop3A_257 : i32 to vector<16xi32>
        %parallel_loop3A_259 = arith.addi %iota3A, %parallel_loop3A_258 : vector<16xi32>
        %parallel_loop3A_260 = tpu.vector_load_idx %arg8[%parallel_loop3A_259, %parallel_loop3A_220] : memref<128x128xf32, #tpu.memory_space<vmem>>[vector<16xi32>, vector<16xi32>], vector<16xf32>,
        %parallel_loop3A_261 = arith.addf %parallel_loop3A_260, %parallel_loop3A_221 : vector<16xf32>
        tpu.vector_store_idx %arg11[%parallel_loop3A_220, %parallel_loop3A_259], %parallel_loop3A_261 : memref<64x128xf32, #tpu.memory_space<vmem>>[vector<16xi32>, vector<16xi32>], vector<16xf32>,
      } {sc.loop_unroll_factor = 4 : i64, sc.parallel_access}
      %mul3A_95 = arith.constant 64 : i32
      %mul3A_96 = arith.muli %add3A_76, %mul3A_95 : i32
      %dma_start3A_97 = tpu.memref_slice %arg5[%mul3A_96, %mul3A_2] : memref<12800x4096xf32, #tpu.memory_space<hbm>> -> memref<64x128xf32, #tpu.memory_space<hbm>>
      %dma_start3A_98 = tpu.memref_slice %arg5[%mul3A_96, %mul3A_2] : memref<12800x4096xf32, #tpu.memory_space<hbm>> -> memref<64x128xf32, #tpu.memory_space<hbm>>
      tpu.enqueue_dma source(%arg11 : memref<64x128xf32, #tpu.memory_space<vmem>>) target(%dma_start3A_98 : memref<64x128xf32, #tpu.memory_space<hbm>>) target_semaphore(%arg17 : memref<!tpu.dma_semaphore, #tpu.memory_space<semaphore_mem>>)
      %mul3A_99 = arith.constant 3 : i32
      %mul3A_100 = arith.muli %scan3A_71, %mul3A_99 : i32
      %add3A_101 = arith.constant 1 : i32
      %add3A_102 = arith.addi %mul3A_100, %add3A_101 : i32
      %add3A_103 = arith.constant 2 : i32
      %add3A_104 = arith.addi %add3A_102, %add3A_103 : i32
      %lt3A_105 = arith.constant 200 : i32
      %lt3A_106 = arith.cmpi slt, %add3A_104, %lt3A_105 : i32
      %convert_element_type3A_107 = arith.extui %lt3A_106 : i1 to i32
      %cond3A_108 = arith.constant 0 : i32
      %cond3A_109 = arith.cmpi ne, %convert_element_type3A_107, %cond3A_108 : i32
      scf.if %cond3A_109 {
        %dma_start3A_160 = arith.constant 0 : i32
        %dma_start3A_161 = tpu.memref_slice %arg6[%add3A_104, %dma_start3A_160] : memref<200x128xi32, #tpu.memory_space<vmem>> -> memref<1x128xi32, #tpu.memory_space<vmem>>
        %dma_start3A_162 = tpu.memref_squeeze %dma_start3A_161 : memref<1x128xi32, #tpu.memory_space<vmem>> -> memref<128xi32, #tpu.memory_space<vmem>>
        %dma_start3A_163 = arith.constant 0 : i32
        %dma_start3A_164 = arith.constant 0 : i32
        %dma_start3A_165 = tpu.memref_slice %arg3[%dma_start3A_163, %dma_start3A_164] : memref<1000000x128xf32, #tpu.memory_space<hbm>> -> memref<1000000x128xf32, #tpu.memory_space<hbm>>
        tpu.enqueue_indirect_dma source(%dma_start3A_165 : memref<1000000x128xf32, #tpu.memory_space<hbm>>) target(%arg8 : memref<128x128xf32, #tpu.memory_space<vmem>>) offsets(%dma_start3A_162 : memref<128xi32, #tpu.memory_space<vmem>>) semaphore(%arg14 : memref<!tpu.dma_semaphore, #tpu.memory_space<semaphore_mem>>)
      } else {
      }
      %dma_wait3A_110 = arith.constant 0 : i32
      %dma_wait3A_111 = tpu.memref_slice %arg6[%add3A_102, %dma_wait3A_110] : memref<200x128xi32, #tpu.memory_space<vmem>> -> memref<1x128xi32, #tpu.memory_space<vmem>>
      %dma_wait3A_112 = tpu.memref_squeeze %dma_wait3A_111 : memref<1x128xi32, #tpu.memory_space<vmem>> -> memref<128xi32, #tpu.memory_space<vmem>>
      %dma_wait3A_113 = arith.constant 0 : i32
      %dma_wait3A_114 = arith.constant 0 : i32
      %dma_wait3A_115 = tpu.memref_slice %arg3[%dma_wait3A_113, %dma_wait3A_114] : memref<1000000x128xf32, #tpu.memory_space<hbm>> -> memref<1000000x128xf32, #tpu.memory_space<hbm>>
      tpu.wait_indirect_dma semaphore(%arg15 : memref<!tpu.dma_semaphore, #tpu.memory_space<semaphore_mem>>) src(%dma_wait3A_115 : memref<1000000x128xf32, #tpu.memory_space<hbm>>) dst(%arg9 : memref<128x128xf32, #tpu.memory_space<vmem>>)
      %ge3A_116 = arith.constant 3 : i32
      %ge3A_117 = arith.cmpi sge, %add3A_102, %ge3A_116 : i32
      %convert_element_type3A_118 = arith.extui %ge3A_117 : i1 to i32
      %cond3A_119 = arith.constant 0 : i32
      %cond3A_120 = arith.cmpi ne, %convert_element_type3A_118, %cond3A_119 : i32
      scf.if %cond3A_120 {
        %sub3A = arith.constant 3 : i32
        %sub3A_160 = arith.subi %add3A_102, %sub3A : i32
        %mul3A_161 = arith.constant 64 : i32
        %mul3A_162 = arith.muli %sub3A_160, %mul3A_161 : i32
        %dma_wait3A_163 = tpu.memref_slice %arg5[%mul3A_162, %mul3A_2] : memref<12800x4096xf32, #tpu.memory_space<hbm>> -> memref<64x128xf32, #tpu.memory_space<hbm>>
        %dma_wait3A_164 = tpu.memref_slice %arg5[%mul3A_162, %mul3A_2] : memref<12800x4096xf32, #tpu.memory_space<hbm>> -> memref<64x128xf32, #tpu.memory_space<hbm>>
        tpu.wait_dma2 semaphore(%arg18 : memref<!tpu.dma_semaphore, #tpu.memory_space<semaphore_mem>>) src(%arg12 : memref<64x128xf32, #tpu.memory_space<vmem>>) dst(%dma_wait3A_164 : memref<64x128xf32, #tpu.memory_space<hbm>>)
      } else {
      }
      %broadcast_in_dim3A_121 = vector.broadcast %add3A_102 : i32 to vector<16xi32>
      %parallel_loop3A_122 = arith.constant 0 : i32
      %parallel_loop3A_123 = arith.constant 64 : i32
      %parallel_loop3A_124 = arith.constant 1 : i32
      scf.for %parallel_loop3A_160 = %parallel_loop3A_122 to %parallel_loop3A_123 step %parallel_loop3A_124  : i32 {
        %parallel_loop3A_161 = arith.constant 16 : i32
        %parallel_loop3A_162 = arith.divsi %parallel_loop3A_160, %parallel_loop3A_161 : i32
        %parallel_loop3A_163 = arith.constant 0 : i32
        %parallel_loop3A_164 = arith.cmpi sgt, %parallel_loop3A_160, %parallel_loop3A_163 : i32
        %parallel_loop3A_165 = arith.extui %parallel_loop3A_164 : i1 to i32
        %parallel_loop3A_166 = arith.constant 0 : i32
        %parallel_loop3A_167 = arith.cmpi slt, %parallel_loop3A_160, %parallel_loop3A_166 : i32
        %parallel_loop3A_168 = arith.extui %parallel_loop3A_167 : i1 to i32
        %parallel_loop3A_169 = arith.subi %parallel_loop3A_165, %parallel_loop3A_168 : i32
        %parallel_loop3A_170 = arith.constant 0 : i32
        %parallel_loop3A_171 = arith.cmpi sgt, %parallel_loop3A_161, %parallel_loop3A_170 : i32
        %parallel_loop3A_172 = arith.extui %parallel_loop3A_171 : i1 to i32
        %parallel_loop3A_173 = arith.constant 0 : i32
        %parallel_loop3A_174 = arith.cmpi slt, %parallel_loop3A_161, %parallel_loop3A_173 : i32
        %parallel_loop3A_175 = arith.extui %parallel_loop3A_174 : i1 to i32
        %parallel_loop3A_176 = arith.subi %parallel_loop3A_172, %parallel_loop3A_175 : i32
        %parallel_loop3A_177 = arith.cmpi ne, %parallel_loop3A_169, %parallel_loop3A_176 : i32
        %parallel_loop3A_178 = arith.remsi %parallel_loop3A_160, %parallel_loop3A_161 : i32
        %parallel_loop3A_179 = arith.constant 0 : i32
        %parallel_loop3A_180 = arith.cmpi ne, %parallel_loop3A_178, %parallel_loop3A_179 : i32
        %parallel_loop3A_181 = arith.andi %parallel_loop3A_177, %parallel_loop3A_180 : i1
        %parallel_loop3A_182 = arith.constant 1 : i32
        %parallel_loop3A_183 = arith.subi %parallel_loop3A_162, %parallel_loop3A_182 : i32
        %parallel_loop3A_184 = arith.select %parallel_loop3A_181, %parallel_loop3A_183, %parallel_loop3A_162 : i32
        %parallel_loop3A_185 = arith.constant 16 : i32
        %parallel_loop3A_186 = arith.muli %parallel_loop3A_184, %parallel_loop3A_185 : i32
        %parallel_loop3A_187 = arith.constant 16 : i32
        %parallel_loop3A_188 = arith.divsi %parallel_loop3A_160, %parallel_loop3A_187 : i32
        %parallel_loop3A_189 = arith.constant 0 : i32
        %parallel_loop3A_190 = arith.cmpi sgt, %parallel_loop3A_160, %parallel_loop3A_189 : i32
        %parallel_loop3A_191 = arith.extui %parallel_loop3A_190 : i1 to i32
        %parallel_loop3A_192 = arith.constant 0 : i32
        %parallel_loop3A_193 = arith.cmpi slt, %parallel_loop3A_160, %parallel_loop3A_192 : i32
        %parallel_loop3A_194 = arith.extui %parallel_loop3A_193 : i1 to i32
        %parallel_loop3A_195 = arith.subi %parallel_loop3A_191, %parallel_loop3A_194 : i32
        %parallel_loop3A_196 = arith.constant 0 : i32
        %parallel_loop3A_197 = arith.cmpi sgt, %parallel_loop3A_187, %parallel_loop3A_196 : i32
        %parallel_loop3A_198 = arith.extui %parallel_loop3A_197 : i1 to i32
        %parallel_loop3A_199 = arith.constant 0 : i32
        %parallel_loop3A_200 = arith.cmpi slt, %parallel_loop3A_187, %parallel_loop3A_199 : i32
        %parallel_loop3A_201 = arith.extui %parallel_loop3A_200 : i1 to i32
        %parallel_loop3A_202 = arith.subi %parallel_loop3A_198, %parallel_loop3A_201 : i32
        %parallel_loop3A_203 = arith.cmpi ne, %parallel_loop3A_195, %parallel_loop3A_202 : i32
        %parallel_loop3A_204 = arith.remsi %parallel_loop3A_160, %parallel_loop3A_187 : i32
        %parallel_loop3A_205 = arith.constant 0 : i32
        %parallel_loop3A_206 = arith.cmpi ne, %parallel_loop3A_204, %parallel_loop3A_205 : i32
        %parallel_loop3A_207 = arith.andi %parallel_loop3A_203, %parallel_loop3A_206 : i1
        %parallel_loop3A_208 = arith.constant 1 : i32
        %parallel_loop3A_209 = arith.subi %parallel_loop3A_188, %parallel_loop3A_208 : i32
        %parallel_loop3A_210 = arith.select %parallel_loop3A_207, %parallel_loop3A_209, %parallel_loop3A_188 : i32
        %parallel_loop3A_211 = arith.constant 16 : i32
        %parallel_loop3A_212 = arith.muli %parallel_loop3A_210, %parallel_loop3A_211 : i32
        %parallel_loop3A_213 = arith.subi %parallel_loop3A_160, %parallel_loop3A_212 : i32
        %parallel_loop3A_214 = vector.broadcast %parallel_loop3A_213 : i32 to vector<16xi32>
        %parallel_loop3A_215 = arith.addi %iota3A, %parallel_loop3A_214 : vector<16xi32>
        %parallel_loop3A_216 = arith.constant 16 : i32
        %parallel_loop3A_217 = vector.broadcast %parallel_loop3A_216 : i32 to vector<16xi32>
        %parallel_loop3A_218 = arith.remsi %parallel_loop3A_215, %parallel_loop3A_217 : vector<16xi32>
        %parallel_loop3A_219 = vector.broadcast %parallel_loop3A_186 : i32 to vector<16xi32>
        %parallel_loop3A_220 = arith.addi %parallel_loop3A_219, %parallel_loop3A_218 : vector<16xi32>
        %parallel_loop3A_221 = tpu.vector_load_idx %arg7[%broadcast_in_dim3A_121, %parallel_loop3A_220] : memref<200x64xf32, #tpu.memory_space<vmem>>[vector<16xi32>, vector<16xi32>], vector<16xf32>,
        %parallel_loop3A_222 = arith.constant 0 : i32
        %parallel_loop3A_223 = vector.broadcast %parallel_loop3A_222 : i32 to vector<16xi32>
        %parallel_loop3A_224 = arith.addi %iota3A, %parallel_loop3A_223 : vector<16xi32>
        %parallel_loop3A_225 = tpu.vector_load_idx %arg9[%parallel_loop3A_224, %parallel_loop3A_220] : memref<128x128xf32, #tpu.memory_space<vmem>>[vector<16xi32>, vector<16xi32>], vector<16xf32>,
        %parallel_loop3A_226 = arith.addf %parallel_loop3A_225, %parallel_loop3A_221 : vector<16xf32>
        tpu.vector_store_idx %arg12[%parallel_loop3A_220, %parallel_loop3A_224], %parallel_loop3A_226 : memref<64x128xf32, #tpu.memory_space<vmem>>[vector<16xi32>, vector<16xi32>], vector<16xf32>,
        %parallel_loop3A_227 = arith.constant 16 : i32
        %parallel_loop3A_228 = vector.broadcast %parallel_loop3A_227 : i32 to vector<16xi32>
        %parallel_loop3A_229 = arith.addi %iota3A, %parallel_loop3A_228 : vector<16xi32>
        %parallel_loop3A_230 = tpu.vector_load_idx %arg9[%parallel_loop3A_229, %parallel_loop3A_220] : memref<128x128xf32, #tpu.memory_space<vmem>>[vector<16xi32>, vector<16xi32>], vector<16xf32>,
        %parallel_loop3A_231 = arith.addf %parallel_loop3A_230, %parallel_loop3A_221 : vector<16xf32>
        tpu.vector_store_idx %arg12[%parallel_loop3A_220, %parallel_loop3A_229], %parallel_loop3A_231 : memref<64x128xf32, #tpu.memory_space<vmem>>[vector<16xi32>, vector<16xi32>], vector<16xf32>,
        %parallel_loop3A_232 = arith.constant 32 : i32
        %parallel_loop3A_233 = vector.broadcast %parallel_loop3A_232 : i32 to vector<16xi32>
        %parallel_loop3A_234 = arith.addi %iota3A, %parallel_loop3A_233 : vector<16xi32>
        %parallel_loop3A_235 = tpu.vector_load_idx %arg9[%parallel_loop3A_234, %parallel_loop3A_220] : memref<128x128xf32, #tpu.memory_space<vmem>>[vector<16xi32>, vector<16xi32>], vector<16xf32>,
        %parallel_loop3A_236 = arith.addf %parallel_loop3A_235, %parallel_loop3A_221 : vector<16xf32>
        tpu.vector_store_idx %arg12[%parallel_loop3A_220, %parallel_loop3A_234], %parallel_loop3A_236 : memref<64x128xf32, #tpu.memory_space<vmem>>[vector<16xi32>, vector<16xi32>], vector<16xf32>,
        %parallel_loop3A_237 = arith.constant 48 : i32
        %parallel_loop3A_238 = vector.broadcast %parallel_loop3A_237 : i32 to vector<16xi32>
        %parallel_loop3A_239 = arith.addi %iota3A, %parallel_loop3A_238 : vector<16xi32>
        %parallel_loop3A_240 = tpu.vector_load_idx %arg9[%parallel_loop3A_239, %parallel_loop3A_220] : memref<128x128xf32, #tpu.memory_space<vmem>>[vector<16xi32>, vector<16xi32>], vector<16xf32>,
        %parallel_loop3A_241 = arith.addf %parallel_loop3A_240, %parallel_loop3A_221 : vector<16xf32>
        tpu.vector_store_idx %arg12[%parallel_loop3A_220, %parallel_loop3A_239], %parallel_loop3A_241 : memref<64x128xf32, #tpu.memory_space<vmem>>[vector<16xi32>, vector<16xi32>], vector<16xf32>,
        %parallel_loop3A_242 = arith.constant 64 : i32
        %parallel_loop3A_243 = vector.broadcast %parallel_loop3A_242 : i32 to vector<16xi32>
        %parallel_loop3A_244 = arith.addi %iota3A, %parallel_loop3A_243 : vector<16xi32>
        %parallel_loop3A_245 = tpu.vector_load_idx %arg9[%parallel_loop3A_244, %parallel_loop3A_220] : memref<128x128xf32, #tpu.memory_space<vmem>>[vector<16xi32>, vector<16xi32>], vector<16xf32>,
        %parallel_loop3A_246 = arith.addf %parallel_loop3A_245, %parallel_loop3A_221 : vector<16xf32>
        tpu.vector_store_idx %arg12[%parallel_loop3A_220, %parallel_loop3A_244], %parallel_loop3A_246 : memref<64x128xf32, #tpu.memory_space<vmem>>[vector<16xi32>, vector<16xi32>], vector<16xf32>,
        %parallel_loop3A_247 = arith.constant 80 : i32
        %parallel_loop3A_248 = vector.broadcast %parallel_loop3A_247 : i32 to vector<16xi32>
        %parallel_loop3A_249 = arith.addi %iota3A, %parallel_loop3A_248 : vector<16xi32>
        %parallel_loop3A_250 = tpu.vector_load_idx %arg9[%parallel_loop3A_249, %parallel_loop3A_220] : memref<128x128xf32, #tpu.memory_space<vmem>>[vector<16xi32>, vector<16xi32>], vector<16xf32>,
        %parallel_loop3A_251 = arith.addf %parallel_loop3A_250, %parallel_loop3A_221 : vector<16xf32>
        tpu.vector_store_idx %arg12[%parallel_loop3A_220, %parallel_loop3A_249], %parallel_loop3A_251 : memref<64x128xf32, #tpu.memory_space<vmem>>[vector<16xi32>, vector<16xi32>], vector<16xf32>,
        %parallel_loop3A_252 = arith.constant 96 : i32
        %parallel_loop3A_253 = vector.broadcast %parallel_loop3A_252 : i32 to vector<16xi32>
        %parallel_loop3A_254 = arith.addi %iota3A, %parallel_loop3A_253 : vector<16xi32>
        %parallel_loop3A_255 = tpu.vector_load_idx %arg9[%parallel_loop3A_254, %parallel_loop3A_220] : memref<128x128xf32, #tpu.memory_space<vmem>>[vector<16xi32>, vector<16xi32>], vector<16xf32>,
        %parallel_loop3A_256 = arith.addf %parallel_loop3A_255, %parallel_loop3A_221 : vector<16xf32>
        tpu.vector_store_idx %arg12[%parallel_loop3A_220, %parallel_loop3A_254], %parallel_loop3A_256 : memref<64x128xf32, #tpu.memory_space<vmem>>[vector<16xi32>, vector<16xi32>], vector<16xf32>,
        %parallel_loop3A_257 = arith.constant 112 : i32
        %parallel_loop3A_258 = vector.broadcast %parallel_loop3A_257 : i32 to vector<16xi32>
        %parallel_loop3A_259 = arith.addi %iota3A, %parallel_loop3A_258 : vector<16xi32>
        %parallel_loop3A_260 = tpu.vector_load_idx %arg9[%parallel_loop3A_259, %parallel_loop3A_220] : memref<128x128xf32, #tpu.memory_space<vmem>>[vector<16xi32>, vector<16xi32>], vector<16xf32>,
        %parallel_loop3A_261 = arith.addf %parallel_loop3A_260, %parallel_loop3A_221 : vector<16xf32>
        tpu.vector_store_idx %arg12[%parallel_loop3A_220, %parallel_loop3A_259], %parallel_loop3A_261 : memref<64x128xf32, #tpu.memory_space<vmem>>[vector<16xi32>, vector<16xi32>], vector<16xf32>,
      } {sc.loop_unroll_factor = 4 : i64, sc.parallel_access}
      %mul3A_125 = arith.constant 64 : i32
      %mul3A_126 = arith.muli %add3A_102, %mul3A_125 : i32
      %dma_start3A_127 = tpu.memref_slice %arg5[%mul3A_126, %mul3A_2] : memref<12800x4096xf32, #tpu.memory_space<hbm>> -> memref<64x128xf32, #tpu.memory_space<hbm>>
      %dma_start3A_128 = tpu.memref_slice %arg5[%mul3A_126, %mul3A_2] : memref<12800x4096xf32, #tpu.memory_space<hbm>> -> memref<64x128xf32, #tpu.memory_space<hbm>>
      tpu.enqueue_dma source(%arg12 : memref<64x128xf32, #tpu.memory_space<vmem>>) target(%dma_start3A_128 : memref<64x128xf32, #tpu.memory_space<hbm>>) target_semaphore(%arg18 : memref<!tpu.dma_semaphore, #tpu.memory_space<semaphore_mem>>)
      %mul3A_129 = arith.constant 3 : i32
      %mul3A_130 = arith.muli %scan3A_71, %mul3A_129 : i32
      %add3A_131 = arith.constant 2 : i32
      %add3A_132 = arith.addi %mul3A_130, %add3A_131 : i32
      %add3A_133 = arith.constant 2 : i32
      %add3A_134 = arith.addi %add3A_132, %add3A_133 : i32
      %lt3A_135 = arith.constant 200 : i32
      %lt3A_136 = arith.cmpi slt, %add3A_134, %lt3A_135 : i32
      %convert_element_type3A_137 = arith.extui %lt3A_136 : i1 to i32
      %cond3A_138 = arith.constant 0 : i32
      %cond3A_139 = arith.cmpi ne, %convert_element_type3A_137, %cond3A_138 : i32
      scf.if %cond3A_139 {
        %dma_start3A_160 = arith.constant 0 : i32
        %dma_start3A_161 = tpu.memref_slice %arg6[%add3A_134, %dma_start3A_160] : memref<200x128xi32, #tpu.memory_space<vmem>> -> memref<1x128xi32, #tpu.memory_space<vmem>>
        %dma_start3A_162 = tpu.memref_squeeze %dma_start3A_161 : memref<1x128xi32, #tpu.memory_space<vmem>> -> memref<128xi32, #tpu.memory_space<vmem>>
        %dma_start3A_163 = arith.constant 0 : i32
        %dma_start3A_164 = arith.constant 0 : i32
        %dma_start3A_165 = tpu.memref_slice %arg3[%dma_start3A_163, %dma_start3A_164] : memref<1000000x128xf32, #tpu.memory_space<hbm>> -> memref<1000000x128xf32, #tpu.memory_space<hbm>>
        tpu.enqueue_indirect_dma source(%dma_start3A_165 : memref<1000000x128xf32, #tpu.memory_space<hbm>>) target(%arg9 : memref<128x128xf32, #tpu.memory_space<vmem>>) offsets(%dma_start3A_162 : memref<128xi32, #tpu.memory_space<vmem>>) semaphore(%arg15 : memref<!tpu.dma_semaphore, #tpu.memory_space<semaphore_mem>>)
      } else {
      }
      %dma_wait3A_140 = arith.constant 0 : i32
      %dma_wait3A_141 = tpu.memref_slice %arg6[%add3A_132, %dma_wait3A_140] : memref<200x128xi32, #tpu.memory_space<vmem>> -> memref<1x128xi32, #tpu.memory_space<vmem>>
      %dma_wait3A_142 = tpu.memref_squeeze %dma_wait3A_141 : memref<1x128xi32, #tpu.memory_space<vmem>> -> memref<128xi32, #tpu.memory_space<vmem>>
      %dma_wait3A_143 = arith.constant 0 : i32
      %dma_wait3A_144 = arith.constant 0 : i32
      %dma_wait3A_145 = tpu.memref_slice %arg3[%dma_wait3A_143, %dma_wait3A_144] : memref<1000000x128xf32, #tpu.memory_space<hbm>> -> memref<1000000x128xf32, #tpu.memory_space<hbm>>
      tpu.wait_indirect_dma semaphore(%arg16 : memref<!tpu.dma_semaphore, #tpu.memory_space<semaphore_mem>>) src(%dma_wait3A_145 : memref<1000000x128xf32, #tpu.memory_space<hbm>>) dst(%arg10 : memref<128x128xf32, #tpu.memory_space<vmem>>)
      %ge3A_146 = arith.constant 3 : i32
      %ge3A_147 = arith.cmpi sge, %add3A_132, %ge3A_146 : i32
      %convert_element_type3A_148 = arith.extui %ge3A_147 : i1 to i32
      %cond3A_149 = arith.constant 0 : i32
      %cond3A_150 = arith.cmpi ne, %convert_element_type3A_148, %cond3A_149 : i32
      scf.if %cond3A_150 {
        %sub3A = arith.constant 3 : i32
        %sub3A_160 = arith.subi %add3A_132, %sub3A : i32
        %mul3A_161 = arith.constant 64 : i32
        %mul3A_162 = arith.muli %sub3A_160, %mul3A_161 : i32
        %dma_wait3A_163 = tpu.memref_slice %arg5[%mul3A_162, %mul3A_2] : memref<12800x4096xf32, #tpu.memory_space<hbm>> -> memref<64x128xf32, #tpu.memory_space<hbm>>
        %dma_wait3A_164 = tpu.memref_slice %arg5[%mul3A_162, %mul3A_2] : memref<12800x4096xf32, #tpu.memory_space<hbm>> -> memref<64x128xf32, #tpu.memory_space<hbm>>
        tpu.wait_dma2 semaphore(%arg19 : memref<!tpu.dma_semaphore, #tpu.memory_space<semaphore_mem>>) src(%arg13 : memref<64x128xf32, #tpu.memory_space<vmem>>) dst(%dma_wait3A_164 : memref<64x128xf32, #tpu.memory_space<hbm>>)
      } else {
      }
      %broadcast_in_dim3A_151 = vector.broadcast %add3A_132 : i32 to vector<16xi32>
      %parallel_loop3A_152 = arith.constant 0 : i32
      %parallel_loop3A_153 = arith.constant 64 : i32
      %parallel_loop3A_154 = arith.constant 1 : i32
      scf.for %parallel_loop3A_160 = %parallel_loop3A_152 to %parallel_loop3A_153 step %parallel_loop3A_154  : i32 {
        %parallel_loop3A_161 = arith.constant 16 : i32
        %parallel_loop3A_162 = arith.divsi %parallel_loop3A_160, %parallel_loop3A_161 : i32
        %parallel_loop3A_163 = arith.constant 0 : i32
        %parallel_loop3A_164 = arith.cmpi sgt, %parallel_loop3A_160, %parallel_loop3A_163 : i32
        %parallel_loop3A_165 = arith.extui %parallel_loop3A_164 : i1 to i32
        %parallel_loop3A_166 = arith.constant 0 : i32
        %parallel_loop3A_167 = arith.cmpi slt, %parallel_loop3A_160, %parallel_loop3A_166 : i32
        %parallel_loop3A_168 = arith.extui %parallel_loop3A_167 : i1 to i32
        %parallel_loop3A_169 = arith.subi %parallel_loop3A_165, %parallel_loop3A_168 : i32
        %parallel_loop3A_170 = arith.constant 0 : i32
        %parallel_loop3A_171 = arith.cmpi sgt, %parallel_loop3A_161, %parallel_loop3A_170 : i32
        %parallel_loop3A_172 = arith.extui %parallel_loop3A_171 : i1 to i32
        %parallel_loop3A_173 = arith.constant 0 : i32
        %parallel_loop3A_174 = arith.cmpi slt, %parallel_loop3A_161, %parallel_loop3A_173 : i32
        %parallel_loop3A_175 = arith.extui %parallel_loop3A_174 : i1 to i32
        %parallel_loop3A_176 = arith.subi %parallel_loop3A_172, %parallel_loop3A_175 : i32
        %parallel_loop3A_177 = arith.cmpi ne, %parallel_loop3A_169, %parallel_loop3A_176 : i32
        %parallel_loop3A_178 = arith.remsi %parallel_loop3A_160, %parallel_loop3A_161 : i32
        %parallel_loop3A_179 = arith.constant 0 : i32
        %parallel_loop3A_180 = arith.cmpi ne, %parallel_loop3A_178, %parallel_loop3A_179 : i32
        %parallel_loop3A_181 = arith.andi %parallel_loop3A_177, %parallel_loop3A_180 : i1
        %parallel_loop3A_182 = arith.constant 1 : i32
        %parallel_loop3A_183 = arith.subi %parallel_loop3A_162, %parallel_loop3A_182 : i32
        %parallel_loop3A_184 = arith.select %parallel_loop3A_181, %parallel_loop3A_183, %parallel_loop3A_162 : i32
        %parallel_loop3A_185 = arith.constant 16 : i32
        %parallel_loop3A_186 = arith.muli %parallel_loop3A_184, %parallel_loop3A_185 : i32
        %parallel_loop3A_187 = arith.constant 16 : i32
        %parallel_loop3A_188 = arith.divsi %parallel_loop3A_160, %parallel_loop3A_187 : i32
        %parallel_loop3A_189 = arith.constant 0 : i32
        %parallel_loop3A_190 = arith.cmpi sgt, %parallel_loop3A_160, %parallel_loop3A_189 : i32
        %parallel_loop3A_191 = arith.extui %parallel_loop3A_190 : i1 to i32
        %parallel_loop3A_192 = arith.constant 0 : i32
        %parallel_loop3A_193 = arith.cmpi slt, %parallel_loop3A_160, %parallel_loop3A_192 : i32
        %parallel_loop3A_194 = arith.extui %parallel_loop3A_193 : i1 to i32
        %parallel_loop3A_195 = arith.subi %parallel_loop3A_191, %parallel_loop3A_194 : i32
        %parallel_loop3A_196 = arith.constant 0 : i32
        %parallel_loop3A_197 = arith.cmpi sgt, %parallel_loop3A_187, %parallel_loop3A_196 : i32
        %parallel_loop3A_198 = arith.extui %parallel_loop3A_197 : i1 to i32
        %parallel_loop3A_199 = arith.constant 0 : i32
        %parallel_loop3A_200 = arith.cmpi slt, %parallel_loop3A_187, %parallel_loop3A_199 : i32
        %parallel_loop3A_201 = arith.extui %parallel_loop3A_200 : i1 to i32
        %parallel_loop3A_202 = arith.subi %parallel_loop3A_198, %parallel_loop3A_201 : i32
        %parallel_loop3A_203 = arith.cmpi ne, %parallel_loop3A_195, %parallel_loop3A_202 : i32
        %parallel_loop3A_204 = arith.remsi %parallel_loop3A_160, %parallel_loop3A_187 : i32
        %parallel_loop3A_205 = arith.constant 0 : i32
        %parallel_loop3A_206 = arith.cmpi ne, %parallel_loop3A_204, %parallel_loop3A_205 : i32
        %parallel_loop3A_207 = arith.andi %parallel_loop3A_203, %parallel_loop3A_206 : i1
        %parallel_loop3A_208 = arith.constant 1 : i32
        %parallel_loop3A_209 = arith.subi %parallel_loop3A_188, %parallel_loop3A_208 : i32
        %parallel_loop3A_210 = arith.select %parallel_loop3A_207, %parallel_loop3A_209, %parallel_loop3A_188 : i32
        %parallel_loop3A_211 = arith.constant 16 : i32
        %parallel_loop3A_212 = arith.muli %parallel_loop3A_210, %parallel_loop3A_211 : i32
        %parallel_loop3A_213 = arith.subi %parallel_loop3A_160, %parallel_loop3A_212 : i32
        %parallel_loop3A_214 = vector.broadcast %parallel_loop3A_213 : i32 to vector<16xi32>
        %parallel_loop3A_215 = arith.addi %iota3A, %parallel_loop3A_214 : vector<16xi32>
        %parallel_loop3A_216 = arith.constant 16 : i32
        %parallel_loop3A_217 = vector.broadcast %parallel_loop3A_216 : i32 to vector<16xi32>
        %parallel_loop3A_218 = arith.remsi %parallel_loop3A_215, %parallel_loop3A_217 : vector<16xi32>
        %parallel_loop3A_219 = vector.broadcast %parallel_loop3A_186 : i32 to vector<16xi32>
        %parallel_loop3A_220 = arith.addi %parallel_loop3A_219, %parallel_loop3A_218 : vector<16xi32>
        %parallel_loop3A_221 = tpu.vector_load_idx %arg7[%broadcast_in_dim3A_151, %parallel_loop3A_220] : memref<200x64xf32, #tpu.memory_space<vmem>>[vector<16xi32>, vector<16xi32>], vector<16xf32>,
        %parallel_loop3A_222 = arith.constant 0 : i32
        %parallel_loop3A_223 = vector.broadcast %parallel_loop3A_222 : i32 to vector<16xi32>
        %parallel_loop3A_224 = arith.addi %iota3A, %parallel_loop3A_223 : vector<16xi32>
        %parallel_loop3A_225 = tpu.vector_load_idx %arg10[%parallel_loop3A_224, %parallel_loop3A_220] : memref<128x128xf32, #tpu.memory_space<vmem>>[vector<16xi32>, vector<16xi32>], vector<16xf32>,
        %parallel_loop3A_226 = arith.addf %parallel_loop3A_225, %parallel_loop3A_221 : vector<16xf32>
        tpu.vector_store_idx %arg13[%parallel_loop3A_220, %parallel_loop3A_224], %parallel_loop3A_226 : memref<64x128xf32, #tpu.memory_space<vmem>>[vector<16xi32>, vector<16xi32>], vector<16xf32>,
        %parallel_loop3A_227 = arith.constant 16 : i32
        %parallel_loop3A_228 = vector.broadcast %parallel_loop3A_227 : i32 to vector<16xi32>
        %parallel_loop3A_229 = arith.addi %iota3A, %parallel_loop3A_228 : vector<16xi32>
        %parallel_loop3A_230 = tpu.vector_load_idx %arg10[%parallel_loop3A_229, %parallel_loop3A_220] : memref<128x128xf32, #tpu.memory_space<vmem>>[vector<16xi32>, vector<16xi32>], vector<16xf32>,
        %parallel_loop3A_231 = arith.addf %parallel_loop3A_230, %parallel_loop3A_221 : vector<16xf32>
        tpu.vector_store_idx %arg13[%parallel_loop3A_220, %parallel_loop3A_229], %parallel_loop3A_231 : memref<64x128xf32, #tpu.memory_space<vmem>>[vector<16xi32>, vector<16xi32>], vector<16xf32>,
        %parallel_loop3A_232 = arith.constant 32 : i32
        %parallel_loop3A_233 = vector.broadcast %parallel_loop3A_232 : i32 to vector<16xi32>
        %parallel_loop3A_234 = arith.addi %iota3A, %parallel_loop3A_233 : vector<16xi32>
        %parallel_loop3A_235 = tpu.vector_load_idx %arg10[%parallel_loop3A_234, %parallel_loop3A_220] : memref<128x128xf32, #tpu.memory_space<vmem>>[vector<16xi32>, vector<16xi32>], vector<16xf32>,
        %parallel_loop3A_236 = arith.addf %parallel_loop3A_235, %parallel_loop3A_221 : vector<16xf32>
        tpu.vector_store_idx %arg13[%parallel_loop3A_220, %parallel_loop3A_234], %parallel_loop3A_236 : memref<64x128xf32, #tpu.memory_space<vmem>>[vector<16xi32>, vector<16xi32>], vector<16xf32>,
        %parallel_loop3A_237 = arith.constant 48 : i32
        %parallel_loop3A_238 = vector.broadcast %parallel_loop3A_237 : i32 to vector<16xi32>
        %parallel_loop3A_239 = arith.addi %iota3A, %parallel_loop3A_238 : vector<16xi32>
        %parallel_loop3A_240 = tpu.vector_load_idx %arg10[%parallel_loop3A_239, %parallel_loop3A_220] : memref<128x128xf32, #tpu.memory_space<vmem>>[vector<16xi32>, vector<16xi32>], vector<16xf32>,
        %parallel_loop3A_241 = arith.addf %parallel_loop3A_240, %parallel_loop3A_221 : vector<16xf32>
        tpu.vector_store_idx %arg13[%parallel_loop3A_220, %parallel_loop3A_239], %parallel_loop3A_241 : memref<64x128xf32, #tpu.memory_space<vmem>>[vector<16xi32>, vector<16xi32>], vector<16xf32>,
        %parallel_loop3A_242 = arith.constant 64 : i32
        %parallel_loop3A_243 = vector.broadcast %parallel_loop3A_242 : i32 to vector<16xi32>
        %parallel_loop3A_244 = arith.addi %iota3A, %parallel_loop3A_243 : vector<16xi32>
        %parallel_loop3A_245 = tpu.vector_load_idx %arg10[%parallel_loop3A_244, %parallel_loop3A_220] : memref<128x128xf32, #tpu.memory_space<vmem>>[vector<16xi32>, vector<16xi32>], vector<16xf32>,
        %parallel_loop3A_246 = arith.addf %parallel_loop3A_245, %parallel_loop3A_221 : vector<16xf32>
        tpu.vector_store_idx %arg13[%parallel_loop3A_220, %parallel_loop3A_244], %parallel_loop3A_246 : memref<64x128xf32, #tpu.memory_space<vmem>>[vector<16xi32>, vector<16xi32>], vector<16xf32>,
        %parallel_loop3A_247 = arith.constant 80 : i32
        %parallel_loop3A_248 = vector.broadcast %parallel_loop3A_247 : i32 to vector<16xi32>
        %parallel_loop3A_249 = arith.addi %iota3A, %parallel_loop3A_248 : vector<16xi32>
        %parallel_loop3A_250 = tpu.vector_load_idx %arg10[%parallel_loop3A_249, %parallel_loop3A_220] : memref<128x128xf32, #tpu.memory_space<vmem>>[vector<16xi32>, vector<16xi32>], vector<16xf32>,
        %parallel_loop3A_251 = arith.addf %parallel_loop3A_250, %parallel_loop3A_221 : vector<16xf32>
        tpu.vector_store_idx %arg13[%parallel_loop3A_220, %parallel_loop3A_249], %parallel_loop3A_251 : memref<64x128xf32, #tpu.memory_space<vmem>>[vector<16xi32>, vector<16xi32>], vector<16xf32>,
        %parallel_loop3A_252 = arith.constant 96 : i32
        %parallel_loop3A_253 = vector.broadcast %parallel_loop3A_252 : i32 to vector<16xi32>
        %parallel_loop3A_254 = arith.addi %iota3A, %parallel_loop3A_253 : vector<16xi32>
        %parallel_loop3A_255 = tpu.vector_load_idx %arg10[%parallel_loop3A_254, %parallel_loop3A_220] : memref<128x128xf32, #tpu.memory_space<vmem>>[vector<16xi32>, vector<16xi32>], vector<16xf32>,
        %parallel_loop3A_256 = arith.addf %parallel_loop3A_255, %parallel_loop3A_221 : vector<16xf32>
        tpu.vector_store_idx %arg13[%parallel_loop3A_220, %parallel_loop3A_254], %parallel_loop3A_256 : memref<64x128xf32, #tpu.memory_space<vmem>>[vector<16xi32>, vector<16xi32>], vector<16xf32>,
        %parallel_loop3A_257 = arith.constant 112 : i32
        %parallel_loop3A_258 = vector.broadcast %parallel_loop3A_257 : i32 to vector<16xi32>
        %parallel_loop3A_259 = arith.addi %iota3A, %parallel_loop3A_258 : vector<16xi32>
        %parallel_loop3A_260 = tpu.vector_load_idx %arg10[%parallel_loop3A_259, %parallel_loop3A_220] : memref<128x128xf32, #tpu.memory_space<vmem>>[vector<16xi32>, vector<16xi32>], vector<16xf32>,
        %parallel_loop3A_261 = arith.addf %parallel_loop3A_260, %parallel_loop3A_221 : vector<16xf32>
        tpu.vector_store_idx %arg13[%parallel_loop3A_220, %parallel_loop3A_259], %parallel_loop3A_261 : memref<64x128xf32, #tpu.memory_space<vmem>>[vector<16xi32>, vector<16xi32>], vector<16xf32>,
      } {sc.loop_unroll_factor = 4 : i64, sc.parallel_access}
      %mul3A_155 = arith.constant 64 : i32
      %mul3A_156 = arith.muli %add3A_132, %mul3A_155 : i32
      %dma_start3A_157 = tpu.memref_slice %arg5[%mul3A_156, %mul3A_2] : memref<12800x4096xf32, #tpu.memory_space<hbm>> -> memref<64x128xf32, #tpu.memory_space<hbm>>
      %dma_start3A_158 = tpu.memref_slice %arg5[%mul3A_156, %mul3A_2] : memref<12800x4096xf32, #tpu.memory_space<hbm>> -> memref<64x128xf32, #tpu.memory_space<hbm>>
      tpu.enqueue_dma source(%arg13 : memref<64x128xf32, #tpu.memory_space<vmem>>) target(%dma_start3A_158 : memref<64x128xf32, #tpu.memory_space<hbm>>) target_semaphore(%arg19 : memref<!tpu.dma_semaphore, #tpu.memory_space<semaphore_mem>>)
      %scan3A_159 = arith.constant 0 : i32
      scf.yield %scan3A_159 : i32
    }
    %scan3A_21 = arith.constant 66 : i32
    %dma_wait3A = arith.constant 198 : i32
    %dma_wait3A_22 = arith.constant 0 : i32
    %dma_wait3A_23 = tpu.memref_slice %arg6[%dma_wait3A, %dma_wait3A_22] : memref<200x128xi32, #tpu.memory_space<vmem>> -> memref<1x128xi32, #tpu.memory_space<vmem>>
    %dma_wait3A_24 = tpu.memref_squeeze %dma_wait3A_23 : memref<1x128xi32, #tpu.memory_space<vmem>> -> memref<128xi32, #tpu.memory_space<vmem>>
    %dma_wait3A_25 = arith.constant 0 : i32
    %dma_wait3A_26 = arith.constant 0 : i32
    %dma_wait3A_27 = tpu.memref_slice %arg3[%dma_wait3A_25, %dma_wait3A_26] : memref<1000000x128xf32, #tpu.memory_space<hbm>> -> memref<1000000x128xf32, #tpu.memory_space<hbm>>
    tpu.wait_indirect_dma semaphore(%arg14 : memref<!tpu.dma_semaphore, #tpu.memory_space<semaphore_mem>>) src(%dma_wait3A_27 : memref<1000000x128xf32, #tpu.memory_space<hbm>>) dst(%arg8 : memref<128x128xf32, #tpu.memory_space<vmem>>)
    %dma_wait3A_28 = arith.constant 12480 : i32
    %dma_wait3A_29 = tpu.memref_slice %arg5[%dma_wait3A_28, %mul3A_2] : memref<12800x4096xf32, #tpu.memory_space<hbm>> -> memref<64x128xf32, #tpu.memory_space<hbm>>
    %dma_wait3A_30 = arith.constant 12480 : i32
    %dma_wait3A_31 = tpu.memref_slice %arg5[%dma_wait3A_30, %mul3A_2] : memref<12800x4096xf32, #tpu.memory_space<hbm>> -> memref<64x128xf32, #tpu.memory_space<hbm>>
    tpu.wait_dma2 semaphore(%arg17 : memref<!tpu.dma_semaphore, #tpu.memory_space<semaphore_mem>>) src(%arg11 : memref<64x128xf32, #tpu.memory_space<vmem>>) dst(%dma_wait3A_31 : memref<64x128xf32, #tpu.memory_space<hbm>>)
    %broadcast_in_dim3A = arith.constant 198 : i32
    %broadcast_in_dim3A_32 = vector.broadcast %broadcast_in_dim3A : i32 to vector<16xi32>
    %parallel_loop3A = arith.constant 0 : i32
    %parallel_loop3A_33 = arith.constant 64 : i32
    %parallel_loop3A_34 = arith.constant 1 : i32
    scf.for %parallel_loop3A_71 = %parallel_loop3A to %parallel_loop3A_33 step %parallel_loop3A_34  : i32 {
      %parallel_loop3A_72 = arith.constant 16 : i32
      %parallel_loop3A_73 = arith.divsi %parallel_loop3A_71, %parallel_loop3A_72 : i32
      %parallel_loop3A_74 = arith.constant 0 : i32
      %parallel_loop3A_75 = arith.cmpi sgt, %parallel_loop3A_71, %parallel_loop3A_74 : i32
      %parallel_loop3A_76 = arith.extui %parallel_loop3A_75 : i1 to i32
      %parallel_loop3A_77 = arith.constant 0 : i32
      %parallel_loop3A_78 = arith.cmpi slt, %parallel_loop3A_71, %parallel_loop3A_77 : i32
      %parallel_loop3A_79 = arith.extui %parallel_loop3A_78 : i1 to i32
      %parallel_loop3A_80 = arith.subi %parallel_loop3A_76, %parallel_loop3A_79 : i32
      %parallel_loop3A_81 = arith.constant 0 : i32
      %parallel_loop3A_82 = arith.cmpi sgt, %parallel_loop3A_72, %parallel_loop3A_81 : i32
      %parallel_loop3A_83 = arith.extui %parallel_loop3A_82 : i1 to i32
      %parallel_loop3A_84 = arith.constant 0 : i32
      %parallel_loop3A_85 = arith.cmpi slt, %parallel_loop3A_72, %parallel_loop3A_84 : i32
      %parallel_loop3A_86 = arith.extui %parallel_loop3A_85 : i1 to i32
      %parallel_loop3A_87 = arith.subi %parallel_loop3A_83, %parallel_loop3A_86 : i32
      %parallel_loop3A_88 = arith.cmpi ne, %parallel_loop3A_80, %parallel_loop3A_87 : i32
      %parallel_loop3A_89 = arith.remsi %parallel_loop3A_71, %parallel_loop3A_72 : i32
      %parallel_loop3A_90 = arith.constant 0 : i32
      %parallel_loop3A_91 = arith.cmpi ne, %parallel_loop3A_89, %parallel_loop3A_90 : i32
      %parallel_loop3A_92 = arith.andi %parallel_loop3A_88, %parallel_loop3A_91 : i1
      %parallel_loop3A_93 = arith.constant 1 : i32
      %parallel_loop3A_94 = arith.subi %parallel_loop3A_73, %parallel_loop3A_93 : i32
      %parallel_loop3A_95 = arith.select %parallel_loop3A_92, %parallel_loop3A_94, %parallel_loop3A_73 : i32
      %parallel_loop3A_96 = arith.constant 16 : i32
      %parallel_loop3A_97 = arith.muli %parallel_loop3A_95, %parallel_loop3A_96 : i32
      %parallel_loop3A_98 = arith.constant 16 : i32
      %parallel_loop3A_99 = arith.divsi %parallel_loop3A_71, %parallel_loop3A_98 : i32
      %parallel_loop3A_100 = arith.constant 0 : i32
      %parallel_loop3A_101 = arith.cmpi sgt, %parallel_loop3A_71, %parallel_loop3A_100 : i32
      %parallel_loop3A_102 = arith.extui %parallel_loop3A_101 : i1 to i32
      %parallel_loop3A_103 = arith.constant 0 : i32
      %parallel_loop3A_104 = arith.cmpi slt, %parallel_loop3A_71, %parallel_loop3A_103 : i32
      %parallel_loop3A_105 = arith.extui %parallel_loop3A_104 : i1 to i32
      %parallel_loop3A_106 = arith.subi %parallel_loop3A_102, %parallel_loop3A_105 : i32
      %parallel_loop3A_107 = arith.constant 0 : i32
      %parallel_loop3A_108 = arith.cmpi sgt, %parallel_loop3A_98, %parallel_loop3A_107 : i32
      %parallel_loop3A_109 = arith.extui %parallel_loop3A_108 : i1 to i32
      %parallel_loop3A_110 = arith.constant 0 : i32
      %parallel_loop3A_111 = arith.cmpi slt, %parallel_loop3A_98, %parallel_loop3A_110 : i32
      %parallel_loop3A_112 = arith.extui %parallel_loop3A_111 : i1 to i32
      %parallel_loop3A_113 = arith.subi %parallel_loop3A_109, %parallel_loop3A_112 : i32
      %parallel_loop3A_114 = arith.cmpi ne, %parallel_loop3A_106, %parallel_loop3A_113 : i32
      %parallel_loop3A_115 = arith.remsi %parallel_loop3A_71, %parallel_loop3A_98 : i32
      %parallel_loop3A_116 = arith.constant 0 : i32
      %parallel_loop3A_117 = arith.cmpi ne, %parallel_loop3A_115, %parallel_loop3A_116 : i32
      %parallel_loop3A_118 = arith.andi %parallel_loop3A_114, %parallel_loop3A_117 : i1
      %parallel_loop3A_119 = arith.constant 1 : i32
      %parallel_loop3A_120 = arith.subi %parallel_loop3A_99, %parallel_loop3A_119 : i32
      %parallel_loop3A_121 = arith.select %parallel_loop3A_118, %parallel_loop3A_120, %parallel_loop3A_99 : i32
      %parallel_loop3A_122 = arith.constant 16 : i32
      %parallel_loop3A_123 = arith.muli %parallel_loop3A_121, %parallel_loop3A_122 : i32
      %parallel_loop3A_124 = arith.subi %parallel_loop3A_71, %parallel_loop3A_123 : i32
      %parallel_loop3A_125 = vector.broadcast %parallel_loop3A_124 : i32 to vector<16xi32>
      %parallel_loop3A_126 = arith.addi %iota3A, %parallel_loop3A_125 : vector<16xi32>
      %parallel_loop3A_127 = arith.constant 16 : i32
      %parallel_loop3A_128 = vector.broadcast %parallel_loop3A_127 : i32 to vector<16xi32>
      %parallel_loop3A_129 = arith.remsi %parallel_loop3A_126, %parallel_loop3A_128 : vector<16xi32>
      %parallel_loop3A_130 = vector.broadcast %parallel_loop3A_97 : i32 to vector<16xi32>
      %parallel_loop3A_131 = arith.addi %parallel_loop3A_130, %parallel_loop3A_129 : vector<16xi32>
      %parallel_loop3A_132 = tpu.vector_load_idx %arg7[%broadcast_in_dim3A_32, %parallel_loop3A_131] : memref<200x64xf32, #tpu.memory_space<vmem>>[vector<16xi32>, vector<16xi32>], vector<16xf32>,
      %parallel_loop3A_133 = arith.constant 0 : i32
      %parallel_loop3A_134 = vector.broadcast %parallel_loop3A_133 : i32 to vector<16xi32>
      %parallel_loop3A_135 = arith.addi %iota3A, %parallel_loop3A_134 : vector<16xi32>
      %parallel_loop3A_136 = tpu.vector_load_idx %arg8[%parallel_loop3A_135, %parallel_loop3A_131] : memref<128x128xf32, #tpu.memory_space<vmem>>[vector<16xi32>, vector<16xi32>], vector<16xf32>,
      %parallel_loop3A_137 = arith.addf %parallel_loop3A_136, %parallel_loop3A_132 : vector<16xf32>
      tpu.vector_store_idx %arg11[%parallel_loop3A_131, %parallel_loop3A_135], %parallel_loop3A_137 : memref<64x128xf32, #tpu.memory_space<vmem>>[vector<16xi32>, vector<16xi32>], vector<16xf32>,
      %parallel_loop3A_138 = arith.constant 16 : i32
      %parallel_loop3A_139 = vector.broadcast %parallel_loop3A_138 : i32 to vector<16xi32>
      %parallel_loop3A_140 = arith.addi %iota3A, %parallel_loop3A_139 : vector<16xi32>
      %parallel_loop3A_141 = tpu.vector_load_idx %arg8[%parallel_loop3A_140, %parallel_loop3A_131] : memref<128x128xf32, #tpu.memory_space<vmem>>[vector<16xi32>, vector<16xi32>], vector<16xf32>,
      %parallel_loop3A_142 = arith.addf %parallel_loop3A_141, %parallel_loop3A_132 : vector<16xf32>
      tpu.vector_store_idx %arg11[%parallel_loop3A_131, %parallel_loop3A_140], %parallel_loop3A_142 : memref<64x128xf32, #tpu.memory_space<vmem>>[vector<16xi32>, vector<16xi32>], vector<16xf32>,
      %parallel_loop3A_143 = arith.constant 32 : i32
      %parallel_loop3A_144 = vector.broadcast %parallel_loop3A_143 : i32 to vector<16xi32>
      %parallel_loop3A_145 = arith.addi %iota3A, %parallel_loop3A_144 : vector<16xi32>
      %parallel_loop3A_146 = tpu.vector_load_idx %arg8[%parallel_loop3A_145, %parallel_loop3A_131] : memref<128x128xf32, #tpu.memory_space<vmem>>[vector<16xi32>, vector<16xi32>], vector<16xf32>,
      %parallel_loop3A_147 = arith.addf %parallel_loop3A_146, %parallel_loop3A_132 : vector<16xf32>
      tpu.vector_store_idx %arg11[%parallel_loop3A_131, %parallel_loop3A_145], %parallel_loop3A_147 : memref<64x128xf32, #tpu.memory_space<vmem>>[vector<16xi32>, vector<16xi32>], vector<16xf32>,
      %parallel_loop3A_148 = arith.constant 48 : i32
      %parallel_loop3A_149 = vector.broadcast %parallel_loop3A_148 : i32 to vector<16xi32>
      %parallel_loop3A_150 = arith.addi %iota3A, %parallel_loop3A_149 : vector<16xi32>
      %parallel_loop3A_151 = tpu.vector_load_idx %arg8[%parallel_loop3A_150, %parallel_loop3A_131] : memref<128x128xf32, #tpu.memory_space<vmem>>[vector<16xi32>, vector<16xi32>], vector<16xf32>,
      %parallel_loop3A_152 = arith.addf %parallel_loop3A_151, %parallel_loop3A_132 : vector<16xf32>
      tpu.vector_store_idx %arg11[%parallel_loop3A_131, %parallel_loop3A_150], %parallel_loop3A_152 : memref<64x128xf32, #tpu.memory_space<vmem>>[vector<16xi32>, vector<16xi32>], vector<16xf32>,
      %parallel_loop3A_153 = arith.constant 64 : i32
      %parallel_loop3A_154 = vector.broadcast %parallel_loop3A_153 : i32 to vector<16xi32>
      %parallel_loop3A_155 = arith.addi %iota3A, %parallel_loop3A_154 : vector<16xi32>
      %parallel_loop3A_156 = tpu.vector_load_idx %arg8[%parallel_loop3A_155, %parallel_loop3A_131] : memref<128x128xf32, #tpu.memory_space<vmem>>[vector<16xi32>, vector<16xi32>], vector<16xf32>,
      %parallel_loop3A_157 = arith.addf %parallel_loop3A_156, %parallel_loop3A_132 : vector<16xf32>
      tpu.vector_store_idx %arg11[%parallel_loop3A_131, %parallel_loop3A_155], %parallel_loop3A_157 : memref<64x128xf32, #tpu.memory_space<vmem>>[vector<16xi32>, vector<16xi32>], vector<16xf32>,
      %parallel_loop3A_158 = arith.constant 80 : i32
      %parallel_loop3A_159 = vector.broadcast %parallel_loop3A_158 : i32 to vector<16xi32>
      %parallel_loop3A_160 = arith.addi %iota3A, %parallel_loop3A_159 : vector<16xi32>
      %parallel_loop3A_161 = tpu.vector_load_idx %arg8[%parallel_loop3A_160, %parallel_loop3A_131] : memref<128x128xf32, #tpu.memory_space<vmem>>[vector<16xi32>, vector<16xi32>], vector<16xf32>,
      %parallel_loop3A_162 = arith.addf %parallel_loop3A_161, %parallel_loop3A_132 : vector<16xf32>
      tpu.vector_store_idx %arg11[%parallel_loop3A_131, %parallel_loop3A_160], %parallel_loop3A_162 : memref<64x128xf32, #tpu.memory_space<vmem>>[vector<16xi32>, vector<16xi32>], vector<16xf32>,
      %parallel_loop3A_163 = arith.constant 96 : i32
      %parallel_loop3A_164 = vector.broadcast %parallel_loop3A_163 : i32 to vector<16xi32>
      %parallel_loop3A_165 = arith.addi %iota3A, %parallel_loop3A_164 : vector<16xi32>
      %parallel_loop3A_166 = tpu.vector_load_idx %arg8[%parallel_loop3A_165, %parallel_loop3A_131] : memref<128x128xf32, #tpu.memory_space<vmem>>[vector<16xi32>, vector<16xi32>], vector<16xf32>,
      %parallel_loop3A_167 = arith.addf %parallel_loop3A_166, %parallel_loop3A_132 : vector<16xf32>
      tpu.vector_store_idx %arg11[%parallel_loop3A_131, %parallel_loop3A_165], %parallel_loop3A_167 : memref<64x128xf32, #tpu.memory_space<vmem>>[vector<16xi32>, vector<16xi32>], vector<16xf32>,
      %parallel_loop3A_168 = arith.constant 112 : i32
      %parallel_loop3A_169 = vector.broadcast %parallel_loop3A_168 : i32 to vector<16xi32>
      %parallel_loop3A_170 = arith.addi %iota3A, %parallel_loop3A_169 : vector<16xi32>
      %parallel_loop3A_171 = tpu.vector_load_idx %arg8[%parallel_loop3A_170, %parallel_loop3A_131] : memref<128x128xf32, #tpu.memory_space<vmem>>[vector<16xi32>, vector<16xi32>], vector<16xf32>,
      %parallel_loop3A_172 = arith.addf %parallel_loop3A_171, %parallel_loop3A_132 : vector<16xf32>
      tpu.vector_store_idx %arg11[%parallel_loop3A_131, %parallel_loop3A_170], %parallel_loop3A_172 : memref<64x128xf32, #tpu.memory_space<vmem>>[vector<16xi32>, vector<16xi32>], vector<16xf32>,
    } {sc.loop_unroll_factor = 4 : i64, sc.parallel_access}
    %dma_start3A_35 = arith.constant 12672 : i32
    %dma_start3A_36 = tpu.memref_slice %arg5[%dma_start3A_35, %mul3A_2] : memref<12800x4096xf32, #tpu.memory_space<hbm>> -> memref<64x128xf32, #tpu.memory_space<hbm>>
    %dma_start3A_37 = arith.constant 12672 : i32
    %dma_start3A_38 = tpu.memref_slice %arg5[%dma_start3A_37, %mul3A_2] : memref<12800x4096xf32, #tpu.memory_space<hbm>> -> memref<64x128xf32, #tpu.memory_space<hbm>>
    tpu.enqueue_dma source(%arg11 : memref<64x128xf32, #tpu.memory_space<vmem>>) target(%dma_start3A_38 : memref<64x128xf32, #tpu.memory_space<hbm>>) target_semaphore(%arg17 : memref<!tpu.dma_semaphore, #tpu.memory_space<semaphore_mem>>)
    %dma_wait3A_39 = arith.constant 199 : i32
    %dma_wait3A_40 = arith.constant 0 : i32
    %dma_wait3A_41 = tpu.memref_slice %arg6[%dma_wait3A_39, %dma_wait3A_40] : memref<200x128xi32, #tpu.memory_space<vmem>> -> memref<1x128xi32, #tpu.memory_space<vmem>>
    %dma_wait3A_42 = tpu.memref_squeeze %dma_wait3A_41 : memref<1x128xi32, #tpu.memory_space<vmem>> -> memref<128xi32, #tpu.memory_space<vmem>>
    %dma_wait3A_43 = arith.constant 0 : i32
    %dma_wait3A_44 = arith.constant 0 : i32
    %dma_wait3A_45 = tpu.memref_slice %arg3[%dma_wait3A_43, %dma_wait3A_44] : memref<1000000x128xf32, #tpu.memory_space<hbm>> -> memref<1000000x128xf32, #tpu.memory_space<hbm>>
    tpu.wait_indirect_dma semaphore(%arg15 : memref<!tpu.dma_semaphore, #tpu.memory_space<semaphore_mem>>) src(%dma_wait3A_45 : memref<1000000x128xf32, #tpu.memory_space<hbm>>) dst(%arg9 : memref<128x128xf32, #tpu.memory_space<vmem>>)
    %dma_wait3A_46 = arith.constant 12544 : i32
    %dma_wait3A_47 = tpu.memref_slice %arg5[%dma_wait3A_46, %mul3A_2] : memref<12800x4096xf32, #tpu.memory_space<hbm>> -> memref<64x128xf32, #tpu.memory_space<hbm>>
    %dma_wait3A_48 = arith.constant 12544 : i32
    %dma_wait3A_49 = tpu.memref_slice %arg5[%dma_wait3A_48, %mul3A_2] : memref<12800x4096xf32, #tpu.memory_space<hbm>> -> memref<64x128xf32, #tpu.memory_space<hbm>>
    tpu.wait_dma2 semaphore(%arg18 : memref<!tpu.dma_semaphore, #tpu.memory_space<semaphore_mem>>) src(%arg12 : memref<64x128xf32, #tpu.memory_space<vmem>>) dst(%dma_wait3A_49 : memref<64x128xf32, #tpu.memory_space<hbm>>)
    %broadcast_in_dim3A_50 = arith.constant 199 : i32
    %broadcast_in_dim3A_51 = vector.broadcast %broadcast_in_dim3A_50 : i32 to vector<16xi32>
    %parallel_loop3A_52 = arith.constant 0 : i32
    %parallel_loop3A_53 = arith.constant 64 : i32
    %parallel_loop3A_54 = arith.constant 1 : i32
    scf.for %parallel_loop3A_71 = %parallel_loop3A_52 to %parallel_loop3A_53 step %parallel_loop3A_54  : i32 {
      %parallel_loop3A_72 = arith.constant 16 : i32
      %parallel_loop3A_73 = arith.divsi %parallel_loop3A_71, %parallel_loop3A_72 : i32
      %parallel_loop3A_74 = arith.constant 0 : i32
      %parallel_loop3A_75 = arith.cmpi sgt, %parallel_loop3A_71, %parallel_loop3A_74 : i32
      %parallel_loop3A_76 = arith.extui %parallel_loop3A_75 : i1 to i32
      %parallel_loop3A_77 = arith.constant 0 : i32
      %parallel_loop3A_78 = arith.cmpi slt, %parallel_loop3A_71, %parallel_loop3A_77 : i32
      %parallel_loop3A_79 = arith.extui %parallel_loop3A_78 : i1 to i32
      %parallel_loop3A_80 = arith.subi %parallel_loop3A_76, %parallel_loop3A_79 : i32
      %parallel_loop3A_81 = arith.constant 0 : i32
      %parallel_loop3A_82 = arith.cmpi sgt, %parallel_loop3A_72, %parallel_loop3A_81 : i32
      %parallel_loop3A_83 = arith.extui %parallel_loop3A_82 : i1 to i32
      %parallel_loop3A_84 = arith.constant 0 : i32
      %parallel_loop3A_85 = arith.cmpi slt, %parallel_loop3A_72, %parallel_loop3A_84 : i32
      %parallel_loop3A_86 = arith.extui %parallel_loop3A_85 : i1 to i32
      %parallel_loop3A_87 = arith.subi %parallel_loop3A_83, %parallel_loop3A_86 : i32
      %parallel_loop3A_88 = arith.cmpi ne, %parallel_loop3A_80, %parallel_loop3A_87 : i32
      %parallel_loop3A_89 = arith.remsi %parallel_loop3A_71, %parallel_loop3A_72 : i32
      %parallel_loop3A_90 = arith.constant 0 : i32
      %parallel_loop3A_91 = arith.cmpi ne, %parallel_loop3A_89, %parallel_loop3A_90 : i32
      %parallel_loop3A_92 = arith.andi %parallel_loop3A_88, %parallel_loop3A_91 : i1
      %parallel_loop3A_93 = arith.constant 1 : i32
      %parallel_loop3A_94 = arith.subi %parallel_loop3A_73, %parallel_loop3A_93 : i32
      %parallel_loop3A_95 = arith.select %parallel_loop3A_92, %parallel_loop3A_94, %parallel_loop3A_73 : i32
      %parallel_loop3A_96 = arith.constant 16 : i32
      %parallel_loop3A_97 = arith.muli %parallel_loop3A_95, %parallel_loop3A_96 : i32
      %parallel_loop3A_98 = arith.constant 16 : i32
      %parallel_loop3A_99 = arith.divsi %parallel_loop3A_71, %parallel_loop3A_98 : i32
      %parallel_loop3A_100 = arith.constant 0 : i32
      %parallel_loop3A_101 = arith.cmpi sgt, %parallel_loop3A_71, %parallel_loop3A_100 : i32
      %parallel_loop3A_102 = arith.extui %parallel_loop3A_101 : i1 to i32
      %parallel_loop3A_103 = arith.constant 0 : i32
      %parallel_loop3A_104 = arith.cmpi slt, %parallel_loop3A_71, %parallel_loop3A_103 : i32
      %parallel_loop3A_105 = arith.extui %parallel_loop3A_104 : i1 to i32
      %parallel_loop3A_106 = arith.subi %parallel_loop3A_102, %parallel_loop3A_105 : i32
      %parallel_loop3A_107 = arith.constant 0 : i32
      %parallel_loop3A_108 = arith.cmpi sgt, %parallel_loop3A_98, %parallel_loop3A_107 : i32
      %parallel_loop3A_109 = arith.extui %parallel_loop3A_108 : i1 to i32
      %parallel_loop3A_110 = arith.constant 0 : i32
      %parallel_loop3A_111 = arith.cmpi slt, %parallel_loop3A_98, %parallel_loop3A_110 : i32
      %parallel_loop3A_112 = arith.extui %parallel_loop3A_111 : i1 to i32
      %parallel_loop3A_113 = arith.subi %parallel_loop3A_109, %parallel_loop3A_112 : i32
      %parallel_loop3A_114 = arith.cmpi ne, %parallel_loop3A_106, %parallel_loop3A_113 : i32
      %parallel_loop3A_115 = arith.remsi %parallel_loop3A_71, %parallel_loop3A_98 : i32
      %parallel_loop3A_116 = arith.constant 0 : i32
      %parallel_loop3A_117 = arith.cmpi ne, %parallel_loop3A_115, %parallel_loop3A_116 : i32
      %parallel_loop3A_118 = arith.andi %parallel_loop3A_114, %parallel_loop3A_117 : i1
      %parallel_loop3A_119 = arith.constant 1 : i32
      %parallel_loop3A_120 = arith.subi %parallel_loop3A_99, %parallel_loop3A_119 : i32
      %parallel_loop3A_121 = arith.select %parallel_loop3A_118, %parallel_loop3A_120, %parallel_loop3A_99 : i32
      %parallel_loop3A_122 = arith.constant 16 : i32
      %parallel_loop3A_123 = arith.muli %parallel_loop3A_121, %parallel_loop3A_122 : i32
      %parallel_loop3A_124 = arith.subi %parallel_loop3A_71, %parallel_loop3A_123 : i32
      %parallel_loop3A_125 = vector.broadcast %parallel_loop3A_124 : i32 to vector<16xi32>
      %parallel_loop3A_126 = arith.addi %iota3A, %parallel_loop3A_125 : vector<16xi32>
      %parallel_loop3A_127 = arith.constant 16 : i32
      %parallel_loop3A_128 = vector.broadcast %parallel_loop3A_127 : i32 to vector<16xi32>
      %parallel_loop3A_129 = arith.remsi %parallel_loop3A_126, %parallel_loop3A_128 : vector<16xi32>
      %parallel_loop3A_130 = vector.broadcast %parallel_loop3A_97 : i32 to vector<16xi32>
      %parallel_loop3A_131 = arith.addi %parallel_loop3A_130, %parallel_loop3A_129 : vector<16xi32>
      %parallel_loop3A_132 = tpu.vector_load_idx %arg7[%broadcast_in_dim3A_51, %parallel_loop3A_131] : memref<200x64xf32, #tpu.memory_space<vmem>>[vector<16xi32>, vector<16xi32>], vector<16xf32>,
      %parallel_loop3A_133 = arith.constant 0 : i32
      %parallel_loop3A_134 = vector.broadcast %parallel_loop3A_133 : i32 to vector<16xi32>
      %parallel_loop3A_135 = arith.addi %iota3A, %parallel_loop3A_134 : vector<16xi32>
      %parallel_loop3A_136 = tpu.vector_load_idx %arg9[%parallel_loop3A_135, %parallel_loop3A_131] : memref<128x128xf32, #tpu.memory_space<vmem>>[vector<16xi32>, vector<16xi32>], vector<16xf32>,
      %parallel_loop3A_137 = arith.addf %parallel_loop3A_136, %parallel_loop3A_132 : vector<16xf32>
      tpu.vector_store_idx %arg12[%parallel_loop3A_131, %parallel_loop3A_135], %parallel_loop3A_137 : memref<64x128xf32, #tpu.memory_space<vmem>>[vector<16xi32>, vector<16xi32>], vector<16xf32>,
      %parallel_loop3A_138 = arith.constant 16 : i32
      %parallel_loop3A_139 = vector.broadcast %parallel_loop3A_138 : i32 to vector<16xi32>
      %parallel_loop3A_140 = arith.addi %iota3A, %parallel_loop3A_139 : vector<16xi32>
      %parallel_loop3A_141 = tpu.vector_load_idx %arg9[%parallel_loop3A_140, %parallel_loop3A_131] : memref<128x128xf32, #tpu.memory_space<vmem>>[vector<16xi32>, vector<16xi32>], vector<16xf32>,
      %parallel_loop3A_142 = arith.addf %parallel_loop3A_141, %parallel_loop3A_132 : vector<16xf32>
      tpu.vector_store_idx %arg12[%parallel_loop3A_131, %parallel_loop3A_140], %parallel_loop3A_142 : memref<64x128xf32, #tpu.memory_space<vmem>>[vector<16xi32>, vector<16xi32>], vector<16xf32>,
      %parallel_loop3A_143 = arith.constant 32 : i32
      %parallel_loop3A_144 = vector.broadcast %parallel_loop3A_143 : i32 to vector<16xi32>
      %parallel_loop3A_145 = arith.addi %iota3A, %parallel_loop3A_144 : vector<16xi32>
      %parallel_loop3A_146 = tpu.vector_load_idx %arg9[%parallel_loop3A_145, %parallel_loop3A_131] : memref<128x128xf32, #tpu.memory_space<vmem>>[vector<16xi32>, vector<16xi32>], vector<16xf32>,
      %parallel_loop3A_147 = arith.addf %parallel_loop3A_146, %parallel_loop3A_132 : vector<16xf32>
      tpu.vector_store_idx %arg12[%parallel_loop3A_131, %parallel_loop3A_145], %parallel_loop3A_147 : memref<64x128xf32, #tpu.memory_space<vmem>>[vector<16xi32>, vector<16xi32>], vector<16xf32>,
      %parallel_loop3A_148 = arith.constant 48 : i32
      %parallel_loop3A_149 = vector.broadcast %parallel_loop3A_148 : i32 to vector<16xi32>
      %parallel_loop3A_150 = arith.addi %iota3A, %parallel_loop3A_149 : vector<16xi32>
      %parallel_loop3A_151 = tpu.vector_load_idx %arg9[%parallel_loop3A_150, %parallel_loop3A_131] : memref<128x128xf32, #tpu.memory_space<vmem>>[vector<16xi32>, vector<16xi32>], vector<16xf32>,
      %parallel_loop3A_152 = arith.addf %parallel_loop3A_151, %parallel_loop3A_132 : vector<16xf32>
      tpu.vector_store_idx %arg12[%parallel_loop3A_131, %parallel_loop3A_150], %parallel_loop3A_152 : memref<64x128xf32, #tpu.memory_space<vmem>>[vector<16xi32>, vector<16xi32>], vector<16xf32>,
      %parallel_loop3A_153 = arith.constant 64 : i32
      %parallel_loop3A_154 = vector.broadcast %parallel_loop3A_153 : i32 to vector<16xi32>
      %parallel_loop3A_155 = arith.addi %iota3A, %parallel_loop3A_154 : vector<16xi32>
      %parallel_loop3A_156 = tpu.vector_load_idx %arg9[%parallel_loop3A_155, %parallel_loop3A_131] : memref<128x128xf32, #tpu.memory_space<vmem>>[vector<16xi32>, vector<16xi32>], vector<16xf32>,
      %parallel_loop3A_157 = arith.addf %parallel_loop3A_156, %parallel_loop3A_132 : vector<16xf32>
      tpu.vector_store_idx %arg12[%parallel_loop3A_131, %parallel_loop3A_155], %parallel_loop3A_157 : memref<64x128xf32, #tpu.memory_space<vmem>>[vector<16xi32>, vector<16xi32>], vector<16xf32>,
      %parallel_loop3A_158 = arith.constant 80 : i32
      %parallel_loop3A_159 = vector.broadcast %parallel_loop3A_158 : i32 to vector<16xi32>
      %parallel_loop3A_160 = arith.addi %iota3A, %parallel_loop3A_159 : vector<16xi32>
      %parallel_loop3A_161 = tpu.vector_load_idx %arg9[%parallel_loop3A_160, %parallel_loop3A_131] : memref<128x128xf32, #tpu.memory_space<vmem>>[vector<16xi32>, vector<16xi32>], vector<16xf32>,
      %parallel_loop3A_162 = arith.addf %parallel_loop3A_161, %parallel_loop3A_132 : vector<16xf32>
      tpu.vector_store_idx %arg12[%parallel_loop3A_131, %parallel_loop3A_160], %parallel_loop3A_162 : memref<64x128xf32, #tpu.memory_space<vmem>>[vector<16xi32>, vector<16xi32>], vector<16xf32>,
      %parallel_loop3A_163 = arith.constant 96 : i32
      %parallel_loop3A_164 = vector.broadcast %parallel_loop3A_163 : i32 to vector<16xi32>
      %parallel_loop3A_165 = arith.addi %iota3A, %parallel_loop3A_164 : vector<16xi32>
      %parallel_loop3A_166 = tpu.vector_load_idx %arg9[%parallel_loop3A_165, %parallel_loop3A_131] : memref<128x128xf32, #tpu.memory_space<vmem>>[vector<16xi32>, vector<16xi32>], vector<16xf32>,
      %parallel_loop3A_167 = arith.addf %parallel_loop3A_166, %parallel_loop3A_132 : vector<16xf32>
      tpu.vector_store_idx %arg12[%parallel_loop3A_131, %parallel_loop3A_165], %parallel_loop3A_167 : memref<64x128xf32, #tpu.memory_space<vmem>>[vector<16xi32>, vector<16xi32>], vector<16xf32>,
      %parallel_loop3A_168 = arith.constant 112 : i32
      %parallel_loop3A_169 = vector.broadcast %parallel_loop3A_168 : i32 to vector<16xi32>
      %parallel_loop3A_170 = arith.addi %iota3A, %parallel_loop3A_169 : vector<16xi32>
      %parallel_loop3A_171 = tpu.vector_load_idx %arg9[%parallel_loop3A_170, %parallel_loop3A_131] : memref<128x128xf32, #tpu.memory_space<vmem>>[vector<16xi32>, vector<16xi32>], vector<16xf32>,
      %parallel_loop3A_172 = arith.addf %parallel_loop3A_171, %parallel_loop3A_132 : vector<16xf32>
      tpu.vector_store_idx %arg12[%parallel_loop3A_131, %parallel_loop3A_170], %parallel_loop3A_172 : memref<64x128xf32, #tpu.memory_space<vmem>>[vector<16xi32>, vector<16xi32>], vector<16xf32>,
    } {sc.loop_unroll_factor = 4 : i64, sc.parallel_access}
    %dma_start3A_55 = arith.constant 12736 : i32
    %dma_start3A_56 = tpu.memref_slice %arg5[%dma_start3A_55, %mul3A_2] : memref<12800x4096xf32, #tpu.memory_space<hbm>> -> memref<64x128xf32, #tpu.memory_space<hbm>>
    %dma_start3A_57 = arith.constant 12736 : i32
    %dma_start3A_58 = tpu.memref_slice %arg5[%dma_start3A_57, %mul3A_2] : memref<12800x4096xf32, #tpu.memory_space<hbm>> -> memref<64x128xf32, #tpu.memory_space<hbm>>
    tpu.enqueue_dma source(%arg12 : memref<64x128xf32, #tpu.memory_space<vmem>>) target(%dma_start3A_58 : memref<64x128xf32, #tpu.memory_space<hbm>>) target_semaphore(%arg18 : memref<!tpu.dma_semaphore, #tpu.memory_space<semaphore_mem>>)
    %dma_wait3A_59 = arith.constant 12608 : i32
    %dma_wait3A_60 = tpu.memref_slice %arg5[%dma_wait3A_59, %mul3A_2] : memref<12800x4096xf32, #tpu.memory_space<hbm>> -> memref<64x128xf32, #tpu.memory_space<hbm>>
    %dma_wait3A_61 = arith.constant 12608 : i32
    %dma_wait3A_62 = tpu.memref_slice %arg5[%dma_wait3A_61, %mul3A_2] : memref<12800x4096xf32, #tpu.memory_space<hbm>> -> memref<64x128xf32, #tpu.memory_space<hbm>>
    tpu.wait_dma2 semaphore(%arg19 : memref<!tpu.dma_semaphore, #tpu.memory_space<semaphore_mem>>) src(%arg13 : memref<64x128xf32, #tpu.memory_space<vmem>>) dst(%dma_wait3A_62 : memref<64x128xf32, #tpu.memory_space<hbm>>)
    %dma_wait3A_63 = arith.constant 12672 : i32
    %dma_wait3A_64 = tpu.memref_slice %arg5[%dma_wait3A_63, %mul3A_2] : memref<12800x4096xf32, #tpu.memory_space<hbm>> -> memref<64x128xf32, #tpu.memory_space<hbm>>
    %dma_wait3A_65 = arith.constant 12672 : i32
    %dma_wait3A_66 = tpu.memref_slice %arg5[%dma_wait3A_65, %mul3A_2] : memref<12800x4096xf32, #tpu.memory_space<hbm>> -> memref<64x128xf32, #tpu.memory_space<hbm>>
    tpu.wait_dma2 semaphore(%arg17 : memref<!tpu.dma_semaphore, #tpu.memory_space<semaphore_mem>>) src(%arg11 : memref<64x128xf32, #tpu.memory_space<vmem>>) dst(%dma_wait3A_66 : memref<64x128xf32, #tpu.memory_space<hbm>>)
    %dma_wait3A_67 = arith.constant 12736 : i32
    %dma_wait3A_68 = tpu.memref_slice %arg5[%dma_wait3A_67, %mul3A_2] : memref<12800x4096xf32, #tpu.memory_space<hbm>> -> memref<64x128xf32, #tpu.memory_space<hbm>>
    %dma_wait3A_69 = arith.constant 12736 : i32
    %dma_wait3A_70 = tpu.memref_slice %arg5[%dma_wait3A_69, %mul3A_2] : memref<12800x4096xf32, #tpu.memory_space<hbm>> -> memref<64x128xf32, #tpu.memory_space<hbm>>
    tpu.wait_dma2 semaphore(%arg18 : memref<!tpu.dma_semaphore, #tpu.memory_space<semaphore_mem>>) src(%arg12 : memref<64x128xf32, #tpu.memory_space<vmem>>) dst(%dma_wait3A_70 : memref<64x128xf32, #tpu.memory_space<hbm>>)
    return
  }
}

</mosaic_0001>

<sc_bundles>
// kernel: kernel.3.cloned.1.call-start
scs
__scs_entry_jumppad:
0x0: {  	(pc) =	sbr.rel $0x88, $3  }
0x1: {  	(tag) =	ssettag $0x0;
	lr =	simm.s32 $0x1  }
0x2: {  	[smem:$0x3F9E] =	sst lr;
	_ =	strace $0xD0000000  }
0x3: {  	_ = 	snop  }
0x4: {  	_ = 	snop  }
0x5: {  	_ = 	snop  }
0x6: {  	_ = 	snop  }
0x7: {  	_ = 	snop  }
__scs_overlays_trampoline_lowered:
0x8: {  	[smem:$0x3FAD] =	sst s0  }
0x9: {  	[smem:$0x3FAE] =	sst s1  }
0xa: {  	[smem:$0x3FAF] =	sst s2  }
0xb: {  	[smem:$0x3FB0] =	sst s3  }
0xc: {  	[smem:$0x3FB1] =	sst s4  }
0xd: {  	[smem:$0x3FB2] =	sst s5  }
0xe: {  	[smem:$0x3FB3] =	sst s6  }
0xf: {  	[smem:$0x3FB4] =	sst s7  }
0x10: {  	[smem:$0x3FB5] =	sst s8  }
0x11: {  	[smem:$0x3FB6] =	sst s9;
	s0 =	simm.s32 @!p0 $0x0  }
0x12: {  	s1 =	sld [smem:$0x3F9C];
	s0 =	simm.s32 @p0 $0x1  }
0x13: {  	[smem:$0x3FB7] =	sst s0;
	s0 =	simm.s32 @!p1 $0x0  }
0x14: {  	s2 =	sld [smem:$0x3F9B];
	s0 =	simm.s32 @p1 $0x1  }
0x15: {  	[smem:$0x3FB8] =	sst s0;
	s0 =	simm.s32 @!p2 $0x0  }
0x16: {  	s3 =	sld [smem:$0x3FDB];
	s0 =	simm.s32 @p2 $0x1  }
0x17: {  	s4 =	simm.s32 $0x1BF5;
	[smem:$0x3FBA] =	sst s0  }
0x18: {  	s0 =	sld [smem:$0x3F9D];
	_ =	swait.ge [sflag:s4], $0x0  }
0x19: {  	s7 =	sld [smem:$0x3F9E]  }
0x1a: {  	s8 =	sadd.s32 $0xFFFFE003, lr  }
0x1b: {  	s9 =	sadd.s32 $0xFFFFFEF7, lr;
	s5 =	simm.s32 $0xFFFFFFFF;
	p2 =	slt.u32 s8, $0xFFFFF086  }
0x1c: {  	p1 =	slt.u32 s9, $0xF7A;
	s5 =	simm.s32 @!p2 $0x0  }
0x1d: {  	s5 =	simm.s32 @p1 $0x1;
	p0 =	seq.s32 s7, s2  }
0x1e: {  	s7 =	smul.u32 @!p0 $0xF7A, s2;
	p2 =	seq.s32 @!p0 s5, $0x0  }
0x1f: {  	s9 =	smul.u32 $0xF7A, s1;
	s8 =	simm.s32 @!p0 $0x1BF5;
	p2 =	por !p2, p0  }
0x20: {  	[sflag:s8] =	ssyncset.s32 @!p0 $0xFFFFF086;
	s6 =	sadd.s32 @!p0 s3, s7;
	s7 =	simm.s32 @!p0 $0x108  }
0x21: {  	s3 =	sadd.s32 s3, s9;
	s6 =	sadd.s32 @!p0 $0x88, s6;
	s7 =	simm.s32 @p2 $0x1082  }
0x22: {  	[simem:s7], [sflag:s8] =	dma.local @!p0 [hbm:s6], $0xF7A  }
0x23: {  	s9 =	sor.u32 $0xD0000000, s2;
	s6 =	simm.s32 $0x108;
	_ =	swait.ge @!p0 [sflag:s8], $0x0  }
0x24: {  	s3 =	sadd.s32 $0x88, s3;
	s6 =	simm.s32 @!p1 $0x1082;
	[sflag:s4] =	ssyncset.s32 $0xFFFFF086  }
0x25: {  	[simem:s6], [sflag:s4] =	dma.local [hbm:s3], $0xF7A  }
0x26: {  	[smem:$0x3F9E] =	sst s1;
	(tag) =	ssettag s2;
	_ =	strace s9  }
0x27: {  	s1 =	sld [smem:$0x3FAE]  }
0x28: {  	s2 =	sld [smem:$0x3FAF]  }
0x29: {  	s4 =	sld [smem:$0x3FB1]  }
0x2a: {  	p0 =	seq.s32 s5, $0x0;
	s5 =	sld [smem:$0x3FB2]  }
0x2b: {  	s6 =	sld [smem:$0x3FB3]  }
0x2c: {  	s7 =	sld [smem:$0x3FB4]  }
0x2d: {  	s3 =	simm.s32 $0x108;
	s8 =	sld [smem:$0x3FB5]  }
0x2e: {  	s3 =	simm.s32 @!p0 $0x1082;
	s9 =	sld [smem:$0x3FB6]  }
0x2f: {  	lr =	sadd.s32 s0, s3;
	s0 =	sld [smem:$0x3FAD]  }
0x30: {  	s3 =	sld [smem:$0x3FB0]  }
0x31: {  	[smem:$0x3FB9] =	sst s10  }
0x32: {  	s10 =	sld [smem:$0x3FB7];
	_ =	sdelay $0x3  }
0x33: {  	p0 =	seq.s32 s10, $0x1;
	s10 =	sld [smem:$0x3FB9];
	_ =	sdelay $0x3  }
0x34: {  	[smem:$0x3FB9] =	sst s10  }
0x35: {  	s10 =	sld [smem:$0x3FB8];
	_ =	sdelay $0x3  }
0x36: {  	p1 =	seq.s32 s10, $0x1;
	s10 =	sld [smem:$0x3FB9];
	_ =	sdelay $0x3  }
0x37: {  	[smem:$0x3FB9] =	sst s10  }
0x38: {  	s10 =	sld [smem:$0x3FBA]  }
0x39: {  	_ = 	snop;
	(pc) =	sbr.ind lr, $3  }
0x3a: {  	_ = 	snop  }
0x3b: {  	_ = 	snop  }
0x3c: {  	p2 =	seq.s32 s10, $0x1;
	s10 =	sld [smem:$0x3FB9]  }
0x3d: {  	_ =	shalt  }
0x3e: {  	_ =	shalt  }
0x3f: {  	_ =	shalt  }
0x40: {  	_ =	shalt  }
0x41: {  	_ =	shalt  }
0x42: {  	_ =	shalt  }
0x43: {  	_ =	shalt  }
0x44: {  	_ =	shalt  }
0x45: {  	_ =	shalt  }
0x46: {  	_ =	shalt  }
0x47: {  	_ =	shalt  }
0x48: {  	_ =	shalt  }
0x49: {  	_ =	shalt  }
0x4a: {  	_ =	shalt  }
0x4b: {  	_ =	shalt  }
0x4c: {  	_ =	shalt  }
0x4d: {  	_ =	shalt  }
0x4e: {  	_ =	shalt  }
0x4f: {  	_ =	shalt  }
0x50: {  	_ =	shalt  }
0x51: {  	_ =	shalt  }
0x52: {  	_ =	shalt  }
0x53: {  	_ =	shalt  }
0x54: {  	_ =	shalt  }
0x55: {  	_ =	shalt  }
0x56: {  	_ =	shalt  }
0x57: {  	_ =	shalt  }
0x58: {  	_ =	shalt  }
0x59: {  	_ =	shalt  }
0x5a: {  	_ =	shalt  }
0x5b: {  	_ =	shalt  }
0x5c: {  	_ =	shalt  }
0x5d: {  	_ =	shalt  }
0x5e: {  	_ =	shalt  }
0x5f: {  	_ =	shalt  }
0x60: {  	_ =	shalt  }
0x61: {  	_ =	shalt  }
0x62: {  	_ =	shalt  }
0x63: {  	_ =	shalt  }
0x64: {  	_ =	shalt  }
0x65: {  	_ =	shalt  }
0x66: {  	_ =	shalt  }
0x67: {  	_ =	shalt  }
0x68: {  	_ =	shalt  }
0x69: {  	_ =	shalt  }
0x6a: {  	_ =	shalt  }
0x6b: {  	_ =	shalt  }
0x6c: {  	_ =	shalt  }
0x6d: {  	_ =	shalt  }
0x6e: {  	_ =	shalt  }
0x6f: {  	_ =	shalt  }
0x70: {  	_ =	shalt  }
0x71: {  	_ =	shalt  }
0x72: {  	_ =	shalt  }
0x73: {  	_ =	shalt  }
0x74: {  	_ =	shalt  }
0x75: {  	_ =	shalt  }
0x76: {  	_ =	shalt  }
0x77: {  	_ =	shalt  }
0x78: {  	_ =	shalt  }
0x79: {  	_ =	shalt  }
0x7a: {  	_ =	shalt  }
0x7b: {  	_ =	shalt  }
0x7c: {  	_ =	shalt  }
0x7d: {  	_ =	shalt  }
0x7e: {  	_ =	shalt  }
0x7f: {  	_ =	shalt  }
0x80: {  	_ =	shalt  }
0x81: {  	_ =	shalt  }
0x82: {  	_ =	shalt  }
0x83: {  	_ =	shalt  }
0x84: {  	_ =	shalt  }
0x85: {  	_ =	shalt  }
0x86: {  	_ =	shalt  }
0x87: {  	_ =	shalt  }
.Lfunc_end0:
.L_simem_size_0:
called_computation_lowered:
.L_overlay_start_0:
0x88: {  	s2 =	sld [smem:$0x3FD9]  }
0x89: {  	s3 =	sld [smem:$0x3FFE];
	_ =	sdelay $0x1  }
0x8a: {  	s1 =	srdreg.scid  }
0x8b: {  	s0 =	sand.u32 $0x1, s1  }
0x8c: {  	s17 =	sshll.u32 s0, $0xA;
	s2 =	sadd.s32 s3, s2  }
0x8d: {  	s2 =	sadd.s32 s2, s17  }
0x8e: {  	[smem:$0x3FC5] =	sst s2  }
0x8f: {  	_ = 	snop  }
0x90: {  	s2 =	sld [smem:$0x3FC9]  }
0x91: {  	s18 =	sld [smem:$0x3FD0];
	(tm) =	ssettm $0x1  }
0x92: {  	s4 =	sld [smem:$0x3FFB];
	_ =	sdelay $0x3  }
0x93: {  	_ =	strace s4  }
0x94: {  	s4 =	sld [smem:$0x3FFC];
	_ =	sdelay $0x3  }
0x95: {  	_ =	strace s4  }
0x96: {  	s4 =	sld [smem:$0x3FFD];
	_ =	sdelay $0x3  }
0x97: {  	_ =	strace s4  }
0x98: {  	_ =	strace $0x8FFFFFFF  }
0x99: {  	s19 =	sld [smem:$0x3FDB];
	_ =	sdelay $0x1  }
0x9a: {  	s5 =	simm.s32 $_scs_section_size  }
0x9b: {  	s6 =	simm.s32 $_size__tile_overlayer_lowered;
	s7 =	simm.s32 $_tile_overlayer_lowered  }
0x9c: {  	s22 =	simm.s32 $0x1BFF;
	s21 =	sshll.u32 s7, $0x1;
	s4 =	sadd.s32 s5, s19  }
0x9d: {  	s8 =	simm.s32 $0x0;
	s20 =	sshll.u32 s6, $0x1;
	s6 =	sadd.s32 s21, s4  }
0x9e: {  	[timem:s8], [sflag:s22] =	dma.local [hbm:s6], s20  }
0x9f: {  	_ =	swait.ge [sflag:s22], s20  }
0xa0: {  	s5 =	ssub.s32 $0x0, s20;
	[sflag:s22] =	ssyncset.done $0x0  }
0xa1: {  	[sflag:s22] =	ssyncadd.s32 s5;
	_ =	sdelay $0x1  }
0xa2: {  	s23 =	simm.s32 $0x1B8B  }
0xa3: {  	_ =	swait.ge [sflag:s23], $0x1  }
0xa4: {  	[sflag:s23] =	ssyncset.done $0x0  }
0xa5: {  	s25 =	simm.s32 $0x1B8E;
	s24 =	sld [smem:$0x3FFE];
	[sflag:s23] =	ssyncadd.s32 $0xFFFFFFFF  }
0xa6: {  	s26 =	simm.s32 $execute0_lowered;
	[smem:$0x3FD2] =	sst s25  }
0xa7: {  	s6 =	sshll.u32 s26, $0x1;
	_ =	strace $0x80000046;
	[dreg:$0x1] =	wrdreg $0xFFFFFFFF  }
0xa8: {  	s28 =	simm.s32 $_size_execute0_lowered;
	s4 =	sadd.s32 s4, s6;
	[dreg:$0x0] =	wrdreg $0x0  }
0xa9: {  	s6 =	sshll.u32 s28, $0x1;
	[dreg:$0x2] =	wrdreg s4  }
0xaa: {  	[dreg:$0x3] =	wrdreg s6  }
0xab: {  	[dreg:$0x4] =	wrdreg $0xC0  }
0xac: {  	_ =	task [dreg:s8], $0x5FFFF  }
0xad: {  	[dreg:$0x1] =	wrdreg $0xFFFFFFFF  }
0xae: {  	[dreg:$0x0] =	wrdreg $0x60  }
0xaf: {  	[dreg:$0x2] =	wrdreg s2  }
0xb0: {  	[dreg:$0x3] =	wrdreg s24  }
0xb1: {  	[dreg:$0x4] =	wrdreg s18  }
0xb2: {  	[dreg:$0x5] =	wrdreg $0x9  }
0xb3: {  	_ =	task.clear_ibuf [dreg:s8], $0x6FFFF;
	_ =	strace $0x90000046  }
0xb4: {  	s29 =	simm.s32 $0x9;
	_ =	strace $0x80000048  }
0xb5: {  	_ =	swait.ge [sflag:s29], $0x1  }
0xb6: {  	[sflag:s29] =	ssyncadd.s32 $0xFFFFFFFF  }
0xb7: {  	_ =	strace $0x90000048  }
0xb8: {  	_ =	sfence  }
0xb9: {  	s30 =	sld [smem:$0x0];
	_ =	sdelay $0x2  }
0xba: {  	s31 =	sshll.u32 s1, $0xD;
	s1 =	sshrl.u32 s1, $0x2  }
0xbb: {  	s3 =	sand.u32 $0x4000, s31;
	s1 =	sadd.s32 s1, s30  }
0xbc: {  	s0 =	sor.u32 s3, s0;
	s1 =	sshll.u32 s1, $0x11  }
0xbd: {  	s0 =	sor.u32 s1, s0  }
0xbe: {  	s0 =	sadd.s32 $0x8F2B, s0  }
0xbf: {  	[sflag:s0] =	ssyncadd.remote.s32 $0x1  }
0xc0: {  	_ =	sfence.sel $0xFFFF  }
0xc1: {  	[dreg:$0x0] =	wrdreg $0xFFFFFFFF;
	(pc) =	sbr.abs _section_cstart, $3  }
0xc2: {  	[dreg:$0x1] =	wrdreg $0xFFFFFFFF  }
0xc3: {  	_ =	task.clear_ibuf [dreg:s8], $0x2FFFF;
	_ =	strace $0x9FFFFFFF  }
0xc4: {  	(tm) =	ssettm $0x7FFFFFFF  }
0xc5: {  	_ =	shalt  }
tec
execute0_lowered:
.L_overlay_start_1:
0x0: {  	(tag) =	ssettag $0x1  }
0x1: {  	s0 =	rddreg [dreg:$0x0]  }
0x2: {  	s2 =	rddreg [dreg:$0x1];
	s3 =	simm.s32 $0x0;
	v13 =	vlaneseq.u32  }
0x3: {  	[smem:$0x7FF] =	sst s3;
	v60 =	vor.u32 $0x30, v13  }
0x4: {  	s1 =	rddreg [dreg:$0x2];
	v37 =	vor.u32 $0x70, v13;
	_ =	strace $0x80000047;
	[tilespmem:$0x1FF10] =	vst v60  }
0x5: {  	s4 =	srdreg.scid;
	v15 =	vor.u32 $0x40, v13;
	[tilespmem:$0x1FF20] =	vst v37  }
0x6: {  	s24 =	stileid.u32;
	s11 =	simm.s32 $0x400;
	s12 =	simm.s32 $0x8000;
	v12 =	vor.u32 $0x60, v13;
	[tilespmem:$0x1FF30] =	vst v15  }
0x7: {  	s13 =	simm.s32 $0x7;
	s14 =	simm.s32 $0x6400;
	s15 =	simm.s32 $0x80;
	v56 =	vor.u32 $0x50, v13;
	[tilespmem:$0x1FF50] =	vst v12  }
0x8: {  	s16 =	simm.s32 $0xC800;
	s17 =	simm.s32 $0x10800;
	s18 =	simm.s32 $0x14800;
	v55 =	vor.u32 $0x10, v13;
	[tilespmem:$0x1FF60] =	vst v56  }
0x9: {  	s19 =	simm.s32 $0x1;
	s20 =	simm.s32 $0x18800;
	s21 =	simm.s32 $0x2;
	v6 =	vmul.u32 $0x80, v13;
	v54 =	vor.u32 $0x20, v13;
	[tilespmem:$0x1FF80] =	vst v55  }
0xa: {  	s22 =	simm.s32 $0x1A800;
	s23 =	simm.s32 $0x3;
	s5 =	sand.u32 $0x1, s4;
	[tilespmem:$0x1FFD0] =	vst v54  }
0xb: {  	s28 =	simm.s32 $0x6;
	s6 =	sshll.u32 s24, $0xB;
	s7 =	sshll.u32 s5, $0xA;
	v52 =	vor.u32 $0x3800, v6;
	[tilespmem:$0x1FFF0] =	vst v6  }
0xc: {  	s4 =	sadd.s32 $0xF44A00, s2;
	s8 =	ssub.s32 $0x2, s5;
	s5 =	sor.u32 s7, s6;
	v59 =	vor.u32 $0x3000, v6;
	[tilespmem:$0x1FF40] =	vst v52  }
0xd: {  	s2 =	sadd.s32 $0xF42A00, s2;
	s25 =	sshrl.u32 s8, $0x1;
	v48 =	vor.u32 $0x800, v6;
	s6 =	sshrl.u32 s5, $0x3;
	[tilespmem:$0x1FF70] =	vst v59  }
0xe: {  	[dreg:$0x4] =	wrdreg s2;
	v53 =	vor.u32 $0x1000, v6;
	s2 =	ssub.s32 s8, s25;
	[tilespmem:$0x1FF90] =	vst v48;
	s0 =	sadd.s32 s0, s6  }
0xf: {  	v61 =	vor.u32 $0x2800, v6;
	[tilespmem:$0x1FFA0] =	vst v53;
	s26 =	sadd.s32 s6, s1;
	s31 =	smax.u32 s2, $0x1;
	[dreg:$0x5] =	wrdreg s0  }
0x10: {  	s29 =	simm.s32 $0x0;
	v47 =	vor.u32 $0x2000, v6;
	[tilespmem:$0x1FFB0] =	vst v61;
	s30 =	sadd.s32 $0x630000, s26;
	[dreg:$0x8] =	wrdreg s31  }
0x11: {  	s24 =	simm.s32 $0x1C800;
	v62 =	vor.u32 $0x1800, v6;
	[tilespmem:$0x1FFC0] =	vst v47;
	s0 =	sadd.s32 $0x638000, s26;
	[dreg:$0x6] =	wrdreg s30  }
0x12: {  	s25 =	simm.s32 $0x4;
	[tilespmem:$0x1FFE0] =	vst v62;
	s26 =	simm.s32 $0x5;
	[dreg:$0x7] =	wrdreg s0  }
.LBB2_1:
0x13: {  	s0 =	simm.s32 $0x0;
	s2 =	rddreg [dreg:$0x5]  }
0x14: {  	[tilespmem:s0], [sflag:$0x7] =	stream.strided.gather [hbm4b:s2+s11], $0x6400, s12, s11, $0x38;
	[tilespmem:$0x1E800] =	vst v63  }
0x15: {  	_ =	swait.ge [sflag:s13], $0x6400  }
0x16: {  	[sflag:s13] =	ssyncset.done $0x0  }
0x17: {  	s31 =	rddreg [dreg:$0x4];
	[sflag:s13] =	ssyncadd.s32 $0xFFFF9C00  }
0x18: {  	[tilespmem:s14], [sflag:$0x7] =	stream.linear.gather [hbm4b:s31+s0], $0x6400, $0x38;
	[tilespmem:$0x1E800] =	vst v63  }
0x19: {  	_ =	swait.ge [sflag:s13], $0x6400  }
0x1a: {  	[sflag:s13] =	ssyncset.done $0x0  }
0x1b: {  	[sflag:s13] =	ssyncadd.s32 $0xFFFF9C00  }
0x1c: {  	[tilespmem:s16], [sflag:$0x1] =	stream.indirect.gather [hbm4b:s4+s15], $0x80, s0, s15, $0xb8;
	[tilespmem:$0x1E800] =	vst v63  }
0x1d: {  	s30 =	simm.s32 $0x0  }
0x1e: {  	[tilespmem:s17], [sflag:$0x2] =	stream.indirect.gather [hbm4b:s4+s15], $0x80, s15, s15, $0xb8;
	[tilespmem:$0x1E800] =	vst v63  }
.LBB2_2:
0x1f: {  	s6 =	simm.s32 $0x0  }
0x20: {  	s7 =	sand.u32 $0xF, s6  }
0x21: {  	s2 =	smul.u32 $0x3, s30;
	s8 =	sadd.s32 $0x1, s7  }
0x22: {  	v0 =	vadd.s32 s8, v13  }
0x23: {  	s31 =	sadd.s32 $0x2, s2;
	v1 =	vshrl.u32 v0, $0x4  }
0x24: {  	s0 =	sshll.u32 s31, $0x7;
	v1 =	vshll.u32 v1, $0x4  }
0x25: {  	s3 =	sand.u32 $0x30, s6;
	s6 =	sand.u32 $0xC, s6;
	s10 =	sand.u32 $0x3FFFFF80, s0;
	v0 =	vsub.s32 v0, v1  }
0x26: {  	[tilespmem:s18], [sflag:$0x3] =	stream.indirect.gather [hbm4b:s4+s15], $0x80, s10, s15, $0xb8;
	v0 =	vadd.s32 s3, v0;
	[tilespmem:$0x1E800] =	vst v63  }
0x27: {  	s9 =	sadd.s32 $0x2, s7;
	s7 =	sadd.s32 $0x3, s7;
	v5 =	vadd.s32 s6, v13;
	s10 =	sshll.u32 s2, $0x7;
	v2 =	vand.u32 $0xFFFFFF80, v0;
	v3 =	vand.u32 $0x7F, v0  }
0x28: {  	v17 =	vadd.s32 s7, v13;
	_ =	swait.ge [sflag:s19], $0x4000;
	v28 =	vmov s10;
	v19 =	vor.u32 v3, v2  }
0x29: {  	p0 =	seq.s32 s30, $0x0;
	v1 =	vadd.s32 s9, v13;
	[sflag:s19] =	ssyncset.done $0x0;
	v2 =	vadd.s32 v28, v2;
	v16 =	vadd.s32 v6, v19  }
0x2a: {  	s6 =	simm.s32 @!p0 $0x4;
	v4 =	vshrl.u32 v1, $0x4;
	[sflag:s19] =	ssyncadd.s32 $0xFFFFC000;
	v2 =	vor.u32 v3, v2;
	v3 =	vand.u32 $0xF, v5  }
0x2b: {  	v4 =	vshll.u32 v4, $0x4;
	_ =	swait.ge @!p0 [sflag:s6], $0x2000;
	v5 =	vshrl.u32 v17, $0x4;
	v40 =	vor.u32 s3, v3  }
0x2c: {  	v1 =	vsub.s32 v1, v4;
	[sflag:s6] =	ssyncset.done @!p0 $0x0;
	v3 =	vshll.u32 v5, $0x4;
	v4 =	vor.u32 v28, v40  }
0x2d: {  	v1 =	vadd.s32 s3, v1;
	[sflag:s6] =	ssyncadd.s32 @!p0 $0xFFFFE000;
	v3 =	vsub.s32 v17, v3;
	v5 =	vor.u32 v6, v40  }
0x2e: {  	v18 =	vand.u32 $0xFFFFFF80, v1;
	v17 =	vand.u32 $0x7F, v1;
	v3 =	vadd.s32 s3, v3;
	v16 =	vld.idx.msk [tilespmem:v16+s16+$0x0], $0xffff  }
0x2f: {  	v20 =	vadd.s32 v28, v18;
	v26 =	vand.u32 $0x7F, v3;
	v21 =	vld.idx.msk [tilespmem:v2+s14+$0x0], $0xffff;
	v2 =	vand.u32 $0xFFFFFF80, v3  }
0x30: {  	v25 =	vshll.u32 v0, $0x7;
	v20 =	vor.u32 v17, v20;
	v24 =	vor.u32 v26, v2  }
0x31: {  	v27 =	vor.u32 v13, v25;
	v22 =	vld.idx.msk [tilespmem:v4+s14+$0x0], $0xffff;
	v4 =	vadd.s32 v6, v24  }
0x32: {  	v29 =	vadd.s32 v48, v19;
	v2 =	vadd.s32 v28, v2;
	v5 =	vld.idx.msk [tilespmem:v5+s16+$0x0], $0xffff  }
0x33: {  	v57 =	vshll.u32 v40, $0x7;
	v11 =	vor.u32 v17, v18;
	v2 =	vor.u32 v26, v2  }
0x34: {  	v17 =	vadd.s32 v6, v11;
	v26 =	vor.u32 v13, v57;
	v18 =	vadd.f32 v16, v21  }
0x35: {  	v43 =	vor.u32 v15, v25;
	v31 =	vor.u32 v48, v40;
	v10 =	vld.idx.msk [tilespmem:v20+s14+$0x0], $0xffff  }
0x36: {  	v49 =	vadd.s32 v62, v19;
	v0 =	vadd.s32 v59, v11;
	[tilespmem:v27+s20+$0x0] =	vst.idx.msk $0xffff, v18;
	v4 =	vld.idx.msk [tilespmem:v4+s16+$0x0], $0xffff  }
0x37: {  	v8 =	vor.u32 v53, v40;
	v5 =	vadd.f32 v5, v22;
	v18 =	vld.idx.msk [tilespmem:v29+s16+$0x0], $0xffff;
	[tilespmem:$0x1FE80] =	vst v0  }
0x38: {  	v41 =	vor.u32 v59, v40;
	v44 =	vor.u32 v62, v40;
	v36 =	vor.u32 v55, v57;
	v23 =	vld.idx.msk [tilespmem:v2+s14+$0x0], $0xffff  }
0x39: {  	v30 =	vshll.u32 v3, $0x7;
	v3 =	vor.u32 v55, v25;
	v2 =	vld.idx.msk [tilespmem:v17+s16+$0x0], $0xffff;
	[tilespmem:v26+s20+$0x0] =	vst.idx.msk $0xffff, v5  }
0x3a: {  	v26 =	vshll.u32 v1, $0x7;
	v1 =	vadd.s32 v53, v19;
	v5 =	vor.u32 v13, v30;
	v29 =	vld.idx.msk [tilespmem:v31+s16+$0x0], $0xffff  }
0x3b: {  	v7 =	vmovc v37;
	v33 =	vadd.s32 v48, v24;
	v32 =	vor.u32 v13, v26;
	v0 =	vor.u32 v37, v26  }
0x3c: {  	s6 =	simm.s32 $0x4;
	v34 =	vadd.s32 v48, v11;
	[tilespmem:$0x1FE90] =	vst v0;
	v0 =	vor.u32 v7, v57;
	v35 =	vadd.f32 v18, v21  }
0x3d: {  	s7 =	sand.u32 $0xF, s6;
	v58 =	vor.u32 v15, v57;
	v42 =	vor.u32 v54, v57;
	[tilespmem:$0x1FEA0] =	vst v0;
	v4 =	vadd.f32 v4, v23  }
0x3e: {  	s3 =	sadd.s32 $0x2, s7;
	v39 =	vadd.s32 v62, v11;
	v2 =	vadd.f32 v2, v10;
	[tilespmem:v3+s20+$0x0] =	vst.idx.msk $0xffff, v35  }
0x3f: {  	v63 =	vadd.s32 s3, v13;
	v3 =	vadd.f32 v29, v22;
	[tilespmem:v5+s20+$0x0] =	vst.idx.msk $0xffff, v4;
	v1 =	vld.idx.msk [tilespmem:v1+s16+$0x0], $0xffff  }
0x40: {  	v9 =	vor.u32 v55, v30;
	v45 =	vshrl.u32 v63, $0x4;
	[tilespmem:v32+s20+$0x0] =	vst.idx.msk $0xffff, v2;
	v4 =	vld.idx.msk [tilespmem:v33+s16+$0x0], $0xffff  }
0x41: {  	v45 =	vshll.u32 v45, $0x4;
	v29 =	vor.u32 v54, v25;
	v32 =	vld.idx.msk [tilespmem:v34+s16+$0x0], $0xffff;
	[tilespmem:v36+s20+$0x0] =	vst.idx.msk $0xffff, v3  }
0x42: {  	v51 =	vadd.s32 v53, v24;
	v46 =	vsub.s32 v63, v45;
	v27 =	vadd.s32 v61, v24;
	v50 =	vld.idx.msk [tilespmem:v8+s16+$0x0], $0xffff  }
0x43: {  	v17 =	vmovc v48;
	v48 =	vor.u32 v60, v30;
	v31 =	vadd.s32 v53, v11;
	v38 =	vor.u32 v55, v26  }
0x44: {  	v0 =	vadd.s32 v47, v11;
	v2 =	vadd.s32 v61, v19;
	v1 =	vadd.f32 v1, v21  }
0x45: {  	v14 =	vmovc v15;
	s10 =	sadd.s32 $0x1, s7;
	v3 =	vor.u32 v47, v40;
	v36 =	vor.u32 v60, v57;
	v4 =	vadd.f32 v4, v23  }
0x46: {  	v34 =	vadd.s32 s10, v13;
	v8 =	vadd.s32 v47, v19;
	v32 =	vadd.f32 v32, v10;
	[tilespmem:v29+s20+$0x0] =	vst.idx.msk $0xffff, v1  }
0x47: {  	v29 =	vadd.f32 v50, v22;
	[tilespmem:v9+s20+$0x0] =	vst.idx.msk $0xffff, v4;
	v1 =	vld.idx.msk [tilespmem:v49+s16+$0x0], $0xffff;
	v4 =	vor.u32 v60, v25  }
0x48: {  	v15 =	vmov v61;
	s10 =	sand.u32 $0x30, s6;
	s6 =	sand.u32 $0xC, s6;
	[tilespmem:v38+s20+$0x0] =	vst.idx.msk $0xffff, v32;
	v32 =	vor.u32 v54, v26;
	v9 =	vshrl.u32 v34, $0x4;
	v33 =	vld.idx.msk [tilespmem:v51+s16+$0x0], $0xffff  }
0x49: {  	v63 =	vadd.s32 s6, v13;
	v49 =	vor.u32 v54, v30;
	v31 =	vld.idx.msk [tilespmem:v31+s16+$0x0], $0xffff;
	[tilespmem:v42+s20+$0x0] =	vst.idx.msk $0xffff, v29;
	v29 =	vshll.u32 v9, $0x4  }
0x4a: {  	v20 =	vmovc v11;
	v51 =	vadd.s32 v62, v24;
	v42 =	vld.idx.msk [tilespmem:v44+s16+$0x0], $0xffff;
	v29 =	vsub.s32 v34, v29;
	v34 =	vadd.s32 s10, v46  }
0x4b: {  	v29 =	vadd.s32 s10, v29;
	v45 =	vand.u32 $0x7F, v34;
	v9 =	vmovc v12;
	v12 =	vmovc v55;
	v55 =	vadd.s32 v15, v20  }
0x4c: {  	v50 =	vand.u32 $0xFFFFFF80, v29;
	v54 =	vand.u32 $0x7F, v29;
	v1 =	vadd.f32 v1, v21  }
0x4d: {  	s7 =	sadd.s32 $0x3, s7;
	v62 =	vadd.s32 v28, v50;
	v46 =	vor.u32 v54, v50;
	v33 =	vadd.f32 v33, v23  }
0x4e: {  	v31 =	vadd.f32 v31, v10;
	[tilespmem:v4+s20+$0x0] =	vst.idx.msk $0xffff, v1;
	v1 =	vadd.s32 s7, v13;
	v4 =	vor.u32 v54, v62  }
0x4f: {  	v35 =	vadd.f32 v42, v22;
	v42 =	vshll.u32 v29, $0x7;
	v29 =	vand.u32 $0xFFFFFF80, v34;
	[tilespmem:v49+s20+$0x0] =	vst.idx.msk $0xffff, v33  }
0x50: {  	v38 =	vld.idx.msk [tilespmem:v8+s16+$0x0], $0xffff;
	v37 =	vadd.s32 v28, v29;
	v44 =	vor.u32 v45, v29;
	[tilespmem:v32+s20+$0x0] =	vst.idx.msk $0xffff, v31  }
0x51: {  	v32 =	vadd.s32 v6, v46;
	v62 =	vshrl.u32 v1, $0x4;
	[tilespmem:v36+s20+$0x0] =	vst.idx.msk $0xffff, v35;
	v5 =	vadd.s32 v59, v44  }
0x52: {  	v29 =	vand.u32 $0xF, v63;
	v33 =	vor.u32 v45, v37;
	v45 =	vshll.u32 v34, $0x7;
	[tilespmem:$0x1FEB0] =	vst v5  }
0x53: {  	v18 =	vmovc v53;
	v50 =	vor.u32 s10, v29;
	v36 =	vadd.s32 v6, v44;
	v5 =	vor.u32 v7, v45;
	v35 =	vld.idx.msk [tilespmem:v39+s16+$0x0], $0xffff  }
0x54: {  	v8 =	vmovc v52;
	v37 =	vadd.s32 v53, v44;
	v11 =	vshll.u32 v62, $0x4;
	v49 =	vld.idx.msk [tilespmem:v51+s16+$0x0], $0xffff;
	[tilespmem:$0x1FEC0] =	vst v5;
	v39 =	vshll.u32 v50, $0x7  }
0x55: {  	v1 =	vsub.s32 v1, v11;
	v3 =	vld.idx.msk [tilespmem:v3+s16+$0x0], $0xffff;
	v5 =	vor.u32 v7, v39;
	v63 =	vadd.f32 v38, v21  }
0x56: {  	v52 =	vor.u32 v28, v50;
	v51 =	vor.u32 v60, v26;
	v1 =	vadd.s32 s10, v1;
	v53 =	vld.idx.msk [tilespmem:v32+s16+$0x0], $0xffff;
	[tilespmem:$0x1FED0] =	vst v5  }
0x57: {  	v60 =	vor.u32 v6, v50;
	v11 =	vmov v59;
	v59 =	vor.u32 v61, v40;
	[tilespmem:v43+s20+$0x0] =	vst.idx.msk $0xffff, v63  }
0x58: {  	v61 =	vadd.s32 v47, v24;
	v32 =	vmovc v10;
	v10 =	vmov v56;
	v38 =	vand.u32 $0xFFFFFF80, v1;
	v63 =	vld.idx.msk [tilespmem:v2+s16+$0x0], $0xffff  }
0x59: {  	v5 =	vadd.s32 v17, v46;
	v43 =	vand.u32 $0x7F, v1;
	v47 =	vadd.f32 v35, v32;
	v35 =	vld.idx.msk [tilespmem:v4+s14+$0x0], $0xffff;
	[tilespmem:$0x1FEE0] =	vst v28  }
0x5a: {  	v56 =	vadd.s32 v28, v38;
	v4 =	vor.u32 v13, v42;
	v38 =	vor.u32 v43, v38;
	v29 =	vld.idx.msk [tilespmem:v33+s14+$0x0], $0xffff  }
0x5b: {  	v34 =	vor.u32 v43, v56;
	v56 =	vadd.s32 v17, v44;
	v33 =	vld.idx.msk [tilespmem:v52+s14+$0x0], $0xffff;
	[tilespmem:v51+s20+$0x0] =	vst.idx.msk $0xffff, v47  }
0x5c: {  	v49 =	vadd.f32 v49, v23;
	v3 =	vadd.f32 v3, v22;
	v62 =	vld.idx.msk [tilespmem:v0+s16+$0x0], $0xffff;
	v0 =	vor.u32 v11, v50  }
0x5d: {  	v2 =	vadd.s32 v6, v38;
	v54 =	vld.idx.msk [tilespmem:v36+s16+$0x0], $0xffff;
	v52 =	vor.u32 v9, v57;
	[tilespmem:$0x1FEF0] =	vst v0  }
0x5e: {  	v36 =	vshll.u32 v1, $0x7;
	v57 =	vor.u32 v10, v57;
	[tilespmem:v58+s20+$0x0] =	vst.idx.msk $0xffff, v3;
	v1 =	vadd.f32 v53, v35  }
0x5f: {  	v16 =	vmov v23;
	v47 =	vor.u32 v13, v45;
	v0 =	vor.u32 v10, v25;
	[tilespmem:v48+s20+$0x0] =	vst.idx.msk $0xffff, v49  }
0x60: {  	v51 =	vor.u32 v8, v40;
	v53 =	vld.idx.msk [tilespmem:v60+s16+$0x0], $0xffff;
	[tilespmem:v4+s20+$0x0] =	vst.idx.msk $0xffff, v1;
	v1 =	vadd.s32 v15, v38  }
0x61: {  	v31 =	vmov v25;
	v49 =	vor.u32 v7, v25;
	v48 =	vadd.f32 v63, v21;
	v58 =	vld.idx.msk [tilespmem:v59+s16+$0x0], $0xffff;
	[tilespmem:$0x1FF00] =	vst v1  }
0x62: {  	v60 =	vor.u32 v14, v26;
	v63 =	vor.u32 v12, v42;
	v59 =	vadd.s32 v11, v19;
	v61 =	vld.idx.msk [tilespmem:v61+s16+$0x0], $0xffff  }
0x63: {  	v43 =	vmovc v19;
	v28 =	vmov v29;
	v54 =	vadd.f32 v54, v29;
	v4 =	vor.u32 v13, v39;
	v3 =	vld.idx.msk [tilespmem:v2+s16+$0x0], $0xffff  }
0x64: {  	v62 =	vadd.f32 v62, v32;
	v1 =	vadd.s32 v18, v46;
	[tilespmem:v0+s20+$0x0] =	vst.idx.msk $0xffff, v48;
	v2 =	vld.idx.msk [tilespmem:v5+s16+$0x0], $0xffff  }
0x65: {  	s6 =	simm.s32 $0x8;
	[tilespmem:v47+s20+$0x0] =	vst.idx.msk $0xffff, v54;
	v5 =	vor.u32 v17, v50;
	v40 =	vld.idx.msk [tilespmem:v34+s14+$0x0], $0xffff;
	v0 =	vor.u32 v14, v30  }
.LBB2_3:
0x66: {  	v13 =	vld [tilespmem:$0x1FFB0]  }
0x67: {  	v59 =	vld.idx.msk [tilespmem:v59+s16+$0x0], $0xffff  }
0x68: {  	v14 =	vld [tilespmem:$0x1FF40]  }
0x69: {  	v18 =	vld [tilespmem:$0x1FF50]  }
0x6a: {  	v47 =	vld [tilespmem:$0x1FF90]  }
0x6b: {  	v25 =	vld [tilespmem:$0x1FF60]  }
0x6c: {  	v8 =	vlaneseq.u32;
	v29 =	vld [tilespmem:$0x1FF70]  }
0x6d: {  	v19 =	vld [tilespmem:$0x1FF80];
	v23 =	vadd.f32 v53, v33;
	v8 =	vor.u32 v8, v36;
	v53 =	vmov v46;
	[tilespmem:v60+s20+$0x0] =	vst.idx.msk $0xffff, v62  }
0x6e: {  	v34 =	vld.idx.msk [tilespmem:v55+s16+$0x0], $0xffff;
	v54 =	vadd.s32 v13, v46;
	v46 =	vadd.f32 v58, v22;
	v58 =	vadd.f32 v61, v16  }
0x6f: {  	[tilespmem:v4+s20+$0x0] =	vst.idx.msk $0xffff, v23;
	v23 =	vld [tilespmem:$0x1FFA0];
	v7 =	vadd.s32 v14, v20;
	v9 =	vor.u32 v18, v31  }
0x70: {  	v5 =	vld.idx.msk [tilespmem:v5+s16+$0x0], $0xffff;
	v60 =	vor.u32 v25, v26;
	[tilespmem:v0+s20+$0x0] =	vst.idx.msk $0xffff, v58;
	v0 =	vadd.f32 v2, v35  }
0x71: {  	v62 =	vadd.f32 v59, v21;
	v59 =	vor.u32 v18, v26;
	v20 =	vmov v44;
	v44 =	vld.idx.msk [tilespmem:v56+s16+$0x0], $0xffff  }
0x72: {  	v26 =	vor.u32 v19, v39;
	v2 =	vadd.f32 v3, v40;
	v3 =	vld.idx.msk [tilespmem:v27+s16+$0x0], $0xffff;
	[tilespmem:v63+s20+$0x0] =	vst.idx.msk $0xffff, v0  }
0x73: {  	[tilespmem:v57+s20+$0x0] =	vst.idx.msk $0xffff, v46;
	v1 =	vld.idx.msk [tilespmem:v1+s16+$0x0], $0xffff  }
0x74: {  	[tilespmem:v9+s20+$0x0] =	vst.idx.msk $0xffff, v62;
	v9 =	vadd.f32 v34, v32;
	v34 =	vld [tilespmem:$0x1FE80]  }
0x75: {  	v4 =	vadd.s32 v47, v38;
	[tilespmem:v8+s20+$0x0] =	vst.idx.msk $0xffff, v2;
	v2 =	vld.idx.msk [tilespmem:v41+s16+$0x0], $0xffff;
	v5 =	vadd.f32 v5, v33  }
0x76: {  	v6 =	vadd.s32 v14, v43;
	v63 =	vld [tilespmem:$0x1FFD0]  }
0x77: {  	v43 =	vmov v32;
	v32 =	vld [tilespmem:$0x1FFE0];
	[tilespmem:v26+s20+$0x0] =	vst.idx.msk $0xffff, v5;
	v26 =	vmov v45  }
0x78: {  	v45 =	vor.u32 v19, v26  }
0x79: {  	v15 =	vld [tilespmem:$0x1FF20]  }
0x7a: {  	v31 =	vmov v42;
	v8 =	vor.u32 v25, v30;
	v41 =	vor.u32 v23, v50;
	v0 =	vld.idx.msk [tilespmem:v4+s16+$0x0], $0xffff  }
0x7b: {  	v27 =	vadd.f32 v44, v28;
	v6 =	vld.idx.msk [tilespmem:v6+s16+$0x0], $0xffff;
	[tilespmem:v60+s20+$0x0] =	vst.idx.msk $0xffff, v9;
	v42 =	vor.u32 v63, v31  }
0x7c: {  	v61 =	vadd.s32 v29, v24;
	v57 =	vadd.s32 v32, v53;
	v9 =	vld.idx.msk [tilespmem:v34+s16+$0x0], $0xffff  }
0x7d: {  	v46 =	vor.u32 v19, v36;
	v3 =	vadd.f32 v3, v16;
	[tilespmem:v45+s20+$0x0] =	vst.idx.msk $0xffff, v27;
	v27 =	vld [tilespmem:$0x1FEB0]  }
0x7e: {  	v17 =	vld [tilespmem:$0x1FF30];
	v1 =	vadd.f32 v1, v35  }
0x7f: {  	v62 =	vadd.s32 v23, v38;
	v41 =	vld.idx.msk [tilespmem:v41+s16+$0x0], $0xffff;
	v2 =	vadd.f32 v2, v22;
	[tilespmem:v8+s20+$0x0] =	vst.idx.msk $0xffff, v3  }
0x80: {  	v12 =	vld [tilespmem:$0x1FF10];
	v0 =	vadd.f32 v0, v40;
	[tilespmem:v42+s20+$0x0] =	vst.idx.msk $0xffff, v1  }
0x81: {  	s7 =	smov.u32 s6;
	[tilespmem:v52+s20+$0x0] =	vst.idx.msk $0xffff, v2;
	v52 =	vor.u32 v63, v39;
	v6 =	vadd.f32 v6, v21;
	v21 =	vld.idx.msk [tilespmem:v57+s16+$0x0], $0xffff  }
0x82: {  	v48 =	vmov v16;
	s8 =	sand.u32 $0xF, s7;
	v55 =	vor.u32 v15, v30;
	v2 =	vld.idx.msk [tilespmem:v61+s16+$0x0], $0xffff;
	[tilespmem:v46+s20+$0x0] =	vst.idx.msk $0xffff, v0;
	v16 =	vmov v27  }
0x83: {  	s9 =	sadd.s32 $0x1, s8;
	v3 =	vor.u32 v18, v30;
	v30 =	vor.u32 v32, v50;
	v0 =	vld.idx.msk [tilespmem:v51+s16+$0x0], $0xffff;
	[tilespmem:$0x1FE80] =	vst v16;
	v16 =	vlaneseq.u32  }
0x84: {  	s10 =	sadd.s32 $0x2, s8;
	v1 =	vld.idx.msk [tilespmem:v62+s16+$0x0], $0xffff;
	v41 =	vadd.f32 v41, v33;
	v61 =	vadd.s32 s9, v16;
	v16 =	vlaneseq.u32  }
0x85: {  	v24 =	vadd.s32 v14, v24;
	v62 =	vadd.s32 s10, v16;
	v16 =	vld [tilespmem:$0x1FED0]  }
0x86: {  	v46 =	vor.u32 v63, v36;
	[tilespmem:v52+s20+$0x0] =	vst.idx.msk $0xffff, v41;
	v52 =	vadd.f32 v21, v35;
	v21 =	vld [tilespmem:$0x1FEA0]  }
0x87: {  	v11 =	vld [tilespmem:$0x1FFC0];
	v42 =	vor.u32 v12, v31;
	v2 =	vadd.f32 v2, v48  }
0x88: {  	v60 =	vld.idx.msk [tilespmem:v37+s16+$0x0], $0xffff;
	[tilespmem:v49+s20+$0x0] =	vst.idx.msk $0xffff, v6;
	v9 =	vadd.f32 v9, v43  }
0x89: {  	v45 =	vor.u32 v63, v26;
	v30 =	vld.idx.msk [tilespmem:v30+s16+$0x0], $0xffff;
	[tilespmem:v3+s20+$0x0] =	vst.idx.msk $0xffff, v2;
	v1 =	vadd.f32 v1, v40  }
0x8a: {  	v22 =	vadd.f32 v0, v22;
	[tilespmem:v59+s20+$0x0] =	vst.idx.msk $0xffff, v9;
	v63 =	vshrl.u32 v61, $0x4;
	v0 =	vmov v16;
	v16 =	vld [tilespmem:$0x1FEE0]  }
0x8b: {  	v4 =	vor.u32 v12, v39;
	v59 =	vld.idx.msk [tilespmem:v24+s16+$0x0], $0xffff;
	[tilespmem:v46+s20+$0x0] =	vst.idx.msk $0xffff, v1;
	v8 =	vshll.u32 v63, $0x4  }
0x8c: {  	v5 =	vadd.s32 v32, v20;
	v7 =	vld.idx.msk [tilespmem:v7+s16+$0x0], $0xffff;
	s10 =	sand.u32 $0x30, s7;
	[tilespmem:v42+s20+$0x0] =	vst.idx.msk $0xffff, v52;
	v2 =	vsub.s32 v61, v8  }
0x8d: {  	v6 =	vadd.s32 v11, v53;
	v52 =	vld [tilespmem:$0x1FEC0];
	v2 =	vadd.s32 s10, v2;
	[tilespmem:$0x1FEA0] =	vst v0  }
0x8e: {  	v60 =	vadd.f32 v60, v28;
	v0 =	vand.u32 $0xFFFFFF80, v2;
	[tilespmem:v21+s20+$0x0] =	vst.idx.msk $0xffff, v22;
	v22 =	vand.u32 $0x7F, v2  }
0x8f: {  	v46 =	vor.u32 v22, v0;
	v61 =	vadd.s32 v16, v0;
	v0 =	vadd.f32 v30, v33  }
0x90: {  	s3 =	sadd.s32 $0x3, s8;
	v10 =	vor.u32 v17, v39;
	v57 =	vmovc v39;
	v39 =	vadd.s32 v32, v38;
	v32 =	vld [tilespmem:$0x1FFF0];
	v27 =	vlaneseq.u32;
	[tilespmem:v45+s20+$0x0] =	vst.idx.msk $0xffff, v60  }
0x91: {  	v34 =	vshrl.u32 v62, $0x4;
	v63 =	vadd.s32 s3, v27;
	[tilespmem:v4+s20+$0x0] =	vst.idx.msk $0xffff, v0;
	v4 =	vld.idx.msk [tilespmem:v5+s16+$0x0], $0xffff  }
0x92: {  	[tilespmem:$0x1FE70] =	vst v10;
	v51 =	vshll.u32 v34, $0x4;
	v27 =	vadd.f32 v7, v43;
	v7 =	vmovc v52;
	v5 =	vadd.f32 v59, v48;
	v48 =	vld [tilespmem:$0x1FE90]  }
0x93: {  	v10 =	vor.u32 v11, v50;
	v44 =	vlaneseq.u32;
	s7 =	sand.u32 $0xC, s7;
	v3 =	vsub.s32 v62, v51;
	[tilespmem:$0x1FE90] =	vst v7;
	v7 =	vld [tilespmem:$0x1FEF0]  }
0x94: {  	v58 =	vor.u32 v17, v31;
	v6 =	vld.idx.msk [tilespmem:v6+s16+$0x0], $0xffff;
	v8 =	vadd.s32 s7, v44;
	v3 =	vadd.s32 s10, v3  }
0x95: {  	v42 =	vshll.u32 v2, $0x7;
	v62 =	vand.u32 $0x7F, v3;
	v2 =	vand.u32 $0xFFFFFF80, v3  }
0x96: {  	v44 =	vor.u32 v62, v2;
	v30 =	vadd.s32 v16, v2;
	v0 =	vadd.s32 v32, v46  }
0x97: {  	v8 =	vand.u32 $0xF, v8;
	v45 =	vadd.s32 v29, v44;
	v1 =	vor.u32 v22, v61  }
0x98: {  	v21 =	vmovc v35;
	[tilespmem:$0x1FEB0] =	vst v45;
	v45 =	vshll.u32 v3, $0x7;
	v41 =	vmovc v7;
	v7 =	vor.u32 s10, v8;
	v8 =	vor.u32 v62, v30  }
0x99: {  	v3 =	vadd.f32 v6, v21;
	v6 =	vor.u32 v15, v45;
	v30 =	vmovc v36;
	v36 =	vor.u32 v12, v26  }
0x9a: {  	v56 =	vadd.s32 v11, v20;
	v2 =	vshrl.u32 v63, $0x4;
	[tilespmem:$0x1FEC0] =	vst v6;
	v6 =	vld.idx.msk [tilespmem:v10+s16+$0x0], $0xffff  }
0x9b: {  	v49 =	vor.u32 v15, v31;
	v51 =	vmov v28;
	v2 =	vshll.u32 v2, $0x4;
	v0 =	vld.idx.msk [tilespmem:v0+s16+$0x0], $0xffff;
	[tilespmem:v58+s20+$0x0] =	vst.idx.msk $0xffff, v3  }
0x9c: {  	v2 =	vsub.s32 v63, v2;
	v4 =	vadd.f32 v4, v51;
	v35 =	vld.idx.msk [tilespmem:v1+s14+$0x0], $0xffff;
	[tilespmem:v48+s20+$0x0] =	vst.idx.msk $0xffff, v27  }
0x9d: {  	v60 =	vor.u32 v17, v26;
	v9 =	vadd.s32 v32, v44;
	v2 =	vadd.s32 s10, v2;
	v34 =	vld.idx.msk [tilespmem:v8+s14+$0x0], $0xffff  }
0x9e: {  	v24 =	vmovc v38;
	v59 =	vand.u32 $0x7F, v2;
	v1 =	vand.u32 $0xFFFFFF80, v2;
	[tilespmem:v36+s20+$0x0] =	vst.idx.msk $0xffff, v4;
	v36 =	vshll.u32 v2, $0x7;
	v2 =	vld [tilespmem:$0x1FE70]  }
0x9f: {  	v52 =	vmovc v40;
	v37 =	vadd.s32 v23, v44;
	v10 =	vadd.s32 v47, v46;
	[tilespmem:v55+s20+$0x0] =	vst.idx.msk $0xffff, v5;
	v55 =	vld [tilespmem:$0x1FF00];
	v62 =	vlaneseq.u32  }
0xa0: {  	v22 =	vmovc v33;
	v5 =	vld.idx.msk [tilespmem:v39+s16+$0x0], $0xffff;
	v33 =	vor.u32 v16, v7;
	v39 =	vshll.u32 v7, $0x7;
	v61 =	vor.u32 v62, v42  }
0xa1: {  	v40 =	vld.idx.msk [tilespmem:v54+s16+$0x0], $0xffff;
	v54 =	vadd.s32 v11, v24;
	v28 =	vor.u32 v29, v7;
	v3 =	vor.u32 v15, v39  }
0xa2: {  	v63 =	vadd.s32 v16, v1;
	v38 =	vor.u32 v59, v1;
	[tilespmem:$0x1FED0] =	vst v3;
	v3 =	vor.u32 v13, v50  }
0xa3: {  	v1 =	vor.u32 v32, v7;
	[tilespmem:$0x1FEF0] =	vst v28;
	v4 =	vlaneseq.u32;
	v0 =	vadd.f32 v0, v35  }
0xa4: {  	v48 =	vor.u32 v12, v30;
	v11 =	vor.u32 v4, v45;
	v4 =	vadd.f32 v6, v22;
	v9 =	vld.idx.msk [tilespmem:v9+s16+$0x0], $0xffff  }
0xa5: {  	v43 =	vmov v53;
	v16 =	vmov v52;
	v12 =	vadd.s32 v32, v38;
	v33 =	vld.idx.msk [tilespmem:v33+s14+$0x0], $0xffff;
	[tilespmem:v61+s20+$0x0] =	vst.idx.msk $0xffff, v0  }
0xa6: {  	v27 =	vmov v55;
	v32 =	vmov v51;
	v8 =	vor.u32 v59, v63;
	v6 =	vld.idx.msk [tilespmem:v56+s16+$0x0], $0xffff;
	[tilespmem:v2+s20+$0x0] =	vst.idx.msk $0xffff, v4  }
0xa7: {  	v0 =	vadd.s32 v13, v38;
	v2 =	vor.u32 v25, v31;
	v58 =	vld.idx.msk [tilespmem:v3+s16+$0x0], $0xffff;
	v3 =	vadd.f32 v5, v52  }
0xa8: {  	p1 =	slt.u32 s6, $0x3C;
	v55 =	vadd.s32 v13, v20;
	v51 =	vor.u32 v14, v50;
	v59 =	vadd.s32 v29, v53;
	[tilespmem:$0x1FF00] =	vst v0  }
.Ltmp0:
0xa9: {  	v63 =	vor.u32 v19, v42;
	v0 =	vadd.f32 v9, v34;
	v53 =	vld.idx.msk [tilespmem:v1+s16+$0x0], $0xffff;
	[tilespmem:v48+s20+$0x0] =	vst.idx.msk $0xffff, v3;
	(pc) =	sbr.rel @p1 .LBB2_3-.Ltmp0, $4  }
0xaa: {  	v50 =	vmovc v7;
	v56 =	vadd.s32 v47, v44;
	v13 =	vlaneseq.u32;
	v28 =	vmovc v34;
	v1 =	vadd.f32 v40, v21;
	v61 =	vld.idx.msk [tilespmem:v54+s16+$0x0], $0xffff  }
0xab: {  	v62 =	vadd.f32 v6, v32;
	v4 =	vor.u32 v13, v39;
	[tilespmem:v11+s20+$0x0] =	vst.idx.msk $0xffff, v0;
	v3 =	vld.idx.msk [tilespmem:v12+s16+$0x0], $0xffff  }
0xac: {  	v0 =	vor.u32 v17, v30;
	v52 =	vor.u32 v18, v57;
	v40 =	vld.idx.msk [tilespmem:v8+s14+$0x0], $0xffff;
	[tilespmem:v2+s20+$0x0] =	vst.idx.msk $0xffff, v1  }
0xad: {  	s6 =	sadd.s32 $0x4, s6;
	v57 =	vor.u32 v25, v57;
	v5 =	vor.u32 v47, v50;
	v1 =	vadd.s32 v23, v46;
	v2 =	vld.idx.msk [tilespmem:v10+s16+$0x0], $0xffff  }
0xae: {  	v6 =	vor.u32 v13, v36;
	_ =	sdelay $0x1  }
0xaf: {  	v7 =	vadd.f32 v53, v33;
	v47 =	vld [tilespmem:$0x1FF90]  }
0xb0: {  	v3 =	vadd.f32 v3, v40  }
0xb1: {  	[tilespmem:v4+s20+$0x0] =	vst.idx.msk $0xffff, v7  }
0xb2: {  	[tilespmem:v6+s20+$0x0] =	vst.idx.msk $0xffff, v3  }
0xb3: {  	v9 =	vld [tilespmem:$0x1FF80]  }
0xb4: {  	v8 =	vadd.s32 v47, v38;
	_ =	sdelay $0x1  }
0xb5: {  	v4 =	vld.idx.msk [tilespmem:v5+s16+$0x0], $0xffff  }
0xb6: {  	v3 =	vld.idx.msk [tilespmem:v56+s16+$0x0], $0xffff  }
0xb7: {  	v29 =	vld [tilespmem:$0x1FFA0];
	v5 =	vor.u32 v9, v39  }
0xb8: {  	v6 =	vld.idx.msk [tilespmem:v8+s16+$0x0], $0xffff;
	v54 =	vor.u32 v9, v45  }
0xb9: {  	v2 =	vadd.f32 v2, v35  }
0xba: {  	v4 =	vadd.f32 v4, v33;
	v9 =	vor.u32 v9, v36  }
0xbb: {  	[tilespmem:v63+s20+$0x0] =	vst.idx.msk $0xffff, v2;
	v2 =	vadd.f32 v3, v28  }
0xbc: {  	[tilespmem:v5+s20+$0x0] =	vst.idx.msk $0xffff, v4  }
0xbd: {  	v7 =	vor.u32 v29, v50;
	v3 =	vadd.f32 v6, v40;
	[tilespmem:v54+s20+$0x0] =	vst.idx.msk $0xffff, v2  }
0xbe: {  	v53 =	vld [tilespmem:$0x1FFD0]  }
0xbf: {  	[tilespmem:v9+s20+$0x0] =	vst.idx.msk $0xffff, v3  }
0xc0: {  	v48 =	vld [tilespmem:$0x1FFE0]  }
0xc1: {  	v1 =	vld.idx.msk [tilespmem:v1+s16+$0x0], $0xffff  }
0xc2: {  	v4 =	vld.idx.msk [tilespmem:v7+s16+$0x0], $0xffff  }
0xc3: {  	v3 =	vld.idx.msk [tilespmem:v37+s16+$0x0], $0xffff;
	v2 =	vor.u32 v53, v42  }
0xc4: {  	v10 =	vadd.s32 v29, v38;
	v6 =	vor.u32 v53, v39  }
0xc5: {  	v63 =	vor.u32 v53, v45;
	v56 =	vor.u32 v48, v50  }
0xc6: {  	v1 =	vadd.f32 v1, v35  }
0xc7: {  	v4 =	vadd.f32 v4, v33  }
0xc8: {  	[tilespmem:v2+s20+$0x0] =	vst.idx.msk $0xffff, v1;
	v1 =	vadd.f32 v3, v28  }
0xc9: {  	v7 =	vld.idx.msk [tilespmem:v10+s16+$0x0], $0xffff;
	v5 =	vadd.s32 v48, v46;
	[tilespmem:v6+s20+$0x0] =	vst.idx.msk $0xffff, v4  }
0xca: {  	v4 =	vld.idx.msk [tilespmem:v56+s16+$0x0], $0xffff;
	[tilespmem:v63+s20+$0x0] =	vst.idx.msk $0xffff, v1  }
0xcb: {  	v56 =	vld [tilespmem:$0x1FF10]  }
0xcc: {  	v11 =	vor.u32 v53, v36  }
0xcd: {  	v37 =	vadd.s32 v48, v44  }
0xce: {  	v2 =	vld.idx.msk [tilespmem:v5+s16+$0x0], $0xffff  }
0xcf: {  	v3 =	vadd.f32 v7, v40  }
0xd0: {  	v1 =	vor.u32 v56, v42  }
0xd1: {  	v12 =	vadd.s32 v48, v38;
	[tilespmem:v11+s20+$0x0] =	vst.idx.msk $0xffff, v3;
	v5 =	vor.u32 v56, v39  }
0xd2: {  	v61 =	vadd.f32 v61, v16;
	v3 =	vld.idx.msk [tilespmem:v37+s16+$0x0], $0xffff;
	[tilespmem:v60+s20+$0x0] =	vst.idx.msk $0xffff, v62  }
0xd3: {  	v54 =	vld [tilespmem:$0x1FFC0];
	v2 =	vadd.f32 v2, v35  }
0xd4: {  	[tilespmem:v0+s20+$0x0] =	vst.idx.msk $0xffff, v61;
	v0 =	vadd.f32 v4, v33  }
0xd5: {  	v63 =	vor.u32 v56, v45;
	[tilespmem:v1+s20+$0x0] =	vst.idx.msk $0xffff, v2  }
0xd6: {  	v7 =	vld.idx.msk [tilespmem:v12+s16+$0x0], $0xffff;
	[tilespmem:v5+s20+$0x0] =	vst.idx.msk $0xffff, v0  }
0xd7: {  	v14 =	vld [tilespmem:$0x1FF50]  }
0xd8: {  	v6 =	vadd.s32 v54, v46;
	v1 =	vadd.f32 v3, v28  }
0xd9: {  	v12 =	vor.u32 v56, v36;
	v62 =	vor.u32 v54, v50  }
0xda: {  	v59 =	vld.idx.msk [tilespmem:v59+s16+$0x0], $0xffff;
	[tilespmem:v63+s20+$0x0] =	vst.idx.msk $0xffff, v1  }
0xdb: {  	v37 =	vadd.s32 v54, v44;
	v15 =	vld [tilespmem:$0x1FF30]  }
0xdc: {  	v4 =	vadd.s32 v54, v38;
	v0 =	vadd.f32 v7, v40;
	v3 =	vor.u32 v14, v31  }
0xdd: {  	v5 =	vadd.f32 v58, v22;
	v2 =	vld.idx.msk [tilespmem:v6+s16+$0x0], $0xffff  }
0xde: {  	v6 =	vld.idx.msk [tilespmem:v62+s16+$0x0], $0xffff;
	[tilespmem:v12+s20+$0x0] =	vst.idx.msk $0xffff, v0  }
0xdf: {  	v63 =	vld [tilespmem:$0x1FFB0];
	[tilespmem:v57+s20+$0x0] =	vst.idx.msk $0xffff, v5;
	v5 =	vadd.f32 v59, v21  }
0xe0: {  	v7 =	vld.idx.msk [tilespmem:v37+s16+$0x0], $0xffff;
	v1 =	vor.u32 v15, v42  }
0xe1: {  	v4 =	vld.idx.msk [tilespmem:v4+s16+$0x0], $0xffff;
	v60 =	vor.u32 v15, v39;
	[tilespmem:v3+s20+$0x0] =	vst.idx.msk $0xffff, v5  }
0xe2: {  	v18 =	vld [tilespmem:$0x1FF60]  }
0xe3: {  	v2 =	vadd.f32 v2, v35;
	v62 =	vor.u32 v15, v45  }
0xe4: {  	v25 =	vor.u32 v15, v36;
	v3 =	vadd.f32 v6, v33  }
0xe5: {  	v34 =	vmov v28;
	v37 =	vld.idx.msk [tilespmem:v55+s16+$0x0], $0xffff;
	[tilespmem:v1+s20+$0x0] =	vst.idx.msk $0xffff, v2  }
0xe6: {  	v1 =	vadd.f32 v7, v34;
	[tilespmem:v60+s20+$0x0] =	vst.idx.msk $0xffff, v3  }
0xe7: {  	v3 =	vadd.f32 v4, v40;
	v17 =	vld [tilespmem:$0x1FF40];
	v5 =	vor.u32 v18, v26  }
0xe8: {  	v59 =	vld [tilespmem:$0x1FF70];
	[tilespmem:v62+s20+$0x0] =	vst.idx.msk $0xffff, v1  }
0xe9: {  	v0 =	vadd.s32 v63, v46;
	[tilespmem:v25+s20+$0x0] =	vst.idx.msk $0xffff, v3  }
0xea: {  	v61 =	vor.u32 v63, v50;
	v1 =	vadd.f32 v37, v32;
	v19 =	vld [tilespmem:$0x1FF00]  }
0xeb: {  	v28 =	vld.idx.msk [tilespmem:v27+s16+$0x0], $0xffff  }
0xec: {  	v12 =	vadd.s32 v63, v44;
	v6 =	vld.idx.msk [tilespmem:v41+s16+$0x0], $0xffff;
	[tilespmem:v5+s20+$0x0] =	vst.idx.msk $0xffff, v1  }
0xed: {  	v5 =	vld [tilespmem:$0x1FE80]  }
0xee: {  	v0 =	vld.idx.msk [tilespmem:v0+s16+$0x0], $0xffff;
	v2 =	vor.u32 v18, v30  }
0xef: {  	v8 =	vld.idx.msk [tilespmem:v61+s16+$0x0], $0xffff  }
0xf0: {  	v55 =	vor.u32 v18, v42  }
0xf1: {  	v3 =	vadd.f32 v28, v16;
	v10 =	vld.idx.msk [tilespmem:v12+s16+$0x0], $0xffff;
	v12 =	vor.u32 v18, v39  }
0xf2: {  	v6 =	vadd.f32 v6, v22;
	v19 =	vld.idx.msk [tilespmem:v19+s16+$0x0], $0xffff  }
0xf3: {  	v0 =	vadd.f32 v0, v35;
	[tilespmem:v2+s20+$0x0] =	vst.idx.msk $0xffff, v3  }
0xf4: {  	v1 =	vor.u32 v18, v45;
	[tilespmem:v52+s20+$0x0] =	vst.idx.msk $0xffff, v6;
	v6 =	vadd.f32 v8, v33  }
0xf5: {  	[tilespmem:v55+s20+$0x0] =	vst.idx.msk $0xffff, v0;
	v5 =	vld.idx.msk [tilespmem:v5+s16+$0x0], $0xffff  }
0xf6: {  	v7 =	vadd.s32 v59, v24;
	[tilespmem:v12+s20+$0x0] =	vst.idx.msk $0xffff, v6  }
0xf7: {  	v57 =	vadd.s32 v59, v46;
	v0 =	vadd.f32 v10, v34;
	v6 =	vadd.f32 v19, v40;
	v19 =	vld [tilespmem:$0x1FEF0];
	_ =	sdelay $0x1  }
0xf8: {  	[tilespmem:v1+s20+$0x0] =	vst.idx.msk $0xffff, v0  }
0xf9: {  	v0 =	vadd.f32 v5, v32;
	v5 =	vld [tilespmem:$0x1FEB0]  }
0xfa: {  	v4 =	vadd.s32 v17, v43;
	v2 =	vor.u32 v18, v36;
	v3 =	vld.idx.msk [tilespmem:v7+s16+$0x0], $0xffff  }
0xfb: {  	v7 =	vadd.s32 v59, v38;
	v61 =	vld.idx.msk [tilespmem:v57+s16+$0x0], $0xffff;
	_ =	sdelay $0x1  }
0xfc: {  	v1 =	vor.u32 v14, v42  }
0xfd: {  	v62 =	vor.u32 v14, v30;
	v19 =	vld.idx.msk [tilespmem:v19+s16+$0x0], $0xffff  }
0xfe: {  	v58 =	vor.u32 v14, v26;
	v60 =	vadd.s32 v17, v20;
	v4 =	vld.idx.msk [tilespmem:v4+s16+$0x0], $0xffff;
	[tilespmem:v2+s20+$0x0] =	vst.idx.msk $0xffff, v6  }
0xff: {  	v10 =	vadd.f32 v61, v35;
	v2 =	vadd.f32 v3, v16;
	v3 =	vor.u32 v14, v39;
	v7 =	vld.idx.msk [tilespmem:v7+s16+$0x0], $0xffff  }
0x100: {  	v5 =	vld.idx.msk [tilespmem:v5+s16+$0x0], $0xffff  }
0x101: {  	v25 =	vor.u32 v14, v36;
	[tilespmem:v1+s20+$0x0] =	vst.idx.msk $0xffff, v10  }
0x102: {  	v37 =	vor.u32 v14, v45;
	[tilespmem:v62+s20+$0x0] =	vst.idx.msk $0xffff, v2;
	v2 =	vadd.f32 v19, v33  }
0x103: {  	v4 =	vadd.f32 v4, v21;
	[tilespmem:v58+s20+$0x0] =	vst.idx.msk $0xffff, v0  }
0x104: {  	v9 =	vld.idx.msk [tilespmem:v60+s16+$0x0], $0xffff;
	[tilespmem:v3+s20+$0x0] =	vst.idx.msk $0xffff, v2;
	v2 =	vadd.f32 v7, v40  }
0x105: {  	v60 =	vld [tilespmem:$0x1FF20];
	[tilespmem:v49+s20+$0x0] =	vst.idx.msk $0xffff, v4;
	v1 =	vadd.f32 v5, v34  }
0x106: {  	[tilespmem:v25+s20+$0x0] =	vst.idx.msk $0xffff, v2  }
0x107: {  	[tilespmem:v37+s20+$0x0] =	vst.idx.msk $0xffff, v1  }
0x108: {  	v8 =	vld [tilespmem:$0x1FEA0]  }
0x109: {  	v23 =	vld.idx.msk [tilespmem:v51+s16+$0x0], $0xffff  }
0x10a: {  	v12 =	vadd.s32 v17, v24  }
0x10b: {  	v6 =	vadd.s32 v17, v46;
	_ =	sdelay $0x2  }
0x10c: {  	v1 =	vadd.f32 v23, v22  }
0x10d: {  	v12 =	vld.idx.msk [tilespmem:v12+s16+$0x0], $0xffff  }
0x10e: {  	v5 =	vld.idx.msk [tilespmem:v6+s16+$0x0], $0xffff;
	[tilespmem:v8+s20+$0x0] =	vst.idx.msk $0xffff, v1  }
0x10f: {  	v8 =	vld [tilespmem:$0x1FE90]  }
0x110: {  	v6 =	vor.u32 v60, v42  }
0x111: {  	v3 =	vor.u32 v60, v30;
	_ =	sdelay $0x1  }
0x112: {  	v5 =	vadd.f32 v5, v35  }
0x113: {  	v0 =	vor.u32 v17, v50;
	v1 =	vadd.f32 v12, v16  }
0x114: {  	v2 =	vadd.f32 v9, v32;
	[tilespmem:v6+s20+$0x0] =	vst.idx.msk $0xffff, v5  }
0x115: {  	[tilespmem:v3+s20+$0x0] =	vst.idx.msk $0xffff, v1  }
0x116: {  	[tilespmem:v8+s20+$0x0] =	vst.idx.msk $0xffff, v2  }
0x117: {  	v3 =	vld [tilespmem:$0x1FED0]  }
0x118: {  	v0 =	vld.idx.msk [tilespmem:v0+s16+$0x0], $0xffff;
	_ =	sdelay $0x1  }
0x119: {  	v38 =	vadd.s32 v17, v38;
	_ =	sdelay $0x1  }
0x11a: {  	v24 =	vadd.s32 v17, v44  }
0x11b: {  	v0 =	vadd.f32 v0, v33;
	_ =	sdelay $0x1  }
0x11c: {  	v4 =	vld.idx.msk [tilespmem:v38+s16+$0x0], $0xffff;
	[tilespmem:v3+s20+$0x0] =	vst.idx.msk $0xffff, v0  }
0x11d: {  	v3 =	vld [tilespmem:$0x1FEC0]  }
0x11e: {  	v7 =	vld.idx.msk [tilespmem:v24+s16+$0x0], $0xffff  }
0x11f: {  	v2 =	vor.u32 v60, v36;
	_ =	sdelay $0x1  }
0x120: {  	s3 =	smul.u32 $0xC0000, s30  }
0x121: {  	v0 =	vadd.f32 v4, v40  }
0x122: {  	s3 =	sor.u32 s5, s3;
	v1 =	vadd.f32 v7, v34  }
0x123: {  	s3 =	sshrl.u32 s3, $0x3;
	[tilespmem:v2+s20+$0x0] =	vst.idx.msk $0xffff, v0  }
0x124: {  	s6 =	smul.u32 $0x600, s30;
	s3 =	sadd.s32 s1, s3;
	[tilespmem:v3+s20+$0x0] =	vst.idx.msk $0xffff, v1  }
0x125: {  	[hbm4b:s3+s11] =	stream.strided.scatter [tilespmem:s20], [sflag:$0x4], $0x2000, s12, s11, $0x38;
	[tilespmem:$0x1E800] =	vst v63  }
0x126: {  	s3 =	simm.s32 $0x0  }
0x127: {  	s6 =	sshra.s32 s6, $0x2;
	s7 =	sand.u32 $0xF, s3  }
0x128: {  	s10 =	sadd.s32 $0x180, s6;
	s8 =	sadd.s32 $0x1, s7  }
0x129: {  	[tilespmem:s16], [sflag:$0x1] =	stream.indirect.gather [hbm4b:s4+s15], $0x80, s10, s15, $0xb8;
	v0 =	vadd.s32 s8, v13;
	[tilespmem:$0x1E800] =	vst v63  }
0x12a: {  	_ =	swait.ge [sflag:s21], $0x4000;
	v1 =	vshrl.u32 v0, $0x4  }
0x12b: {  	s2 =	sadd.s32 $0x1, s2;
	v19 =	vld [tilespmem:$0x1FFF0];
	v1 =	vshll.u32 v1, $0x4  }
0x12c: {  	s10 =	sshll.u32 s2, $0x7;
	s8 =	sand.u32 $0x30, s3;
	v0 =	vsub.s32 v0, v1  }
0x12d: {  	s9 =	sadd.s32 $0x2, s7;
	s7 =	sadd.s32 $0x3, s7;
	v51 =	vmov s10;
	v0 =	vadd.s32 s8, v0  }
0x12e: {  	s3 =	sand.u32 $0xC, s3;
	v7 =	vadd.s32 s7, v13;
	v2 =	vand.u32 $0xFFFFFF80, v0;
	v3 =	vand.u32 $0x7F, v0  }
0x12f: {  	v5 =	vadd.s32 s3, v13;
	v1 =	vadd.s32 s9, v13;
	v43 =	vor.u32 v3, v2  }
0x130: {  	[sflag:s21] =	ssyncset.done $0x0;
	v4 =	vshrl.u32 v1, $0x4;
	v2 =	vadd.s32 v51, v2;
	v6 =	vadd.s32 v19, v43  }
0x131: {  	s3 =	simm.s32 @!p0 $0x5;
	[sflag:s21] =	ssyncadd.s32 $0xFFFFC000;
	v4 =	vshll.u32 v4, $0x4;
	v2 =	vor.u32 v3, v2;
	v3 =	vand.u32 $0xF, v5  }
0x132: {  	_ =	swait.ge @!p0 [sflag:s3], $0x2000;
	v1 =	vsub.s32 v1, v4;
	v5 =	vshrl.u32 v7, $0x4;
	v40 =	vor.u32 s8, v3  }
0x133: {  	[sflag:s3] =	ssyncset.done @!p0 $0x0;
	v1 =	vadd.s32 s8, v1;
	v3 =	vshll.u32 v5, $0x4;
	v4 =	vor.u32 v51, v40  }
0x134: {  	[sflag:s3] =	ssyncadd.s32 @!p0 $0xFFFFE000;
	v39 =	vand.u32 $0xFFFFFF80, v1;
	v3 =	vsub.s32 v7, v3  }
0x135: {  	v5 =	vor.u32 v19, v40;
	v7 =	vand.u32 $0x7F, v1;
	v3 =	vadd.s32 s8, v3;
	v6 =	vld.idx.msk [tilespmem:v6+s17+$0x0], $0xffff  }
0x136: {  	v41 =	vadd.s32 v51, v39;
	v42 =	vand.u32 $0x7F, v3;
	v21 =	vld.idx.msk [tilespmem:v2+s14+$0x0], $0xffff;
	v2 =	vand.u32 $0xFFFFFF80, v3  }
0x137: {  	v25 =	vshll.u32 v0, $0x7;
	v9 =	vor.u32 v7, v41;
	v24 =	vor.u32 v42, v2  }
0x138: {  	v44 =	vor.u32 v13, v25;
	v22 =	vld.idx.msk [tilespmem:v4+s14+$0x0], $0xffff;
	v4 =	vadd.s32 v19, v24  }
0x139: {  	v12 =	vadd.s32 v47, v43  }
0x13a: {  	v2 =	vadd.s32 v51, v2  }
0x13b: {  	v23 =	vor.u32 v7, v39;
	v5 =	vld.idx.msk [tilespmem:v5+s17+$0x0], $0xffff;
	v2 =	vor.u32 v42, v2;
	v6 =	vadd.f32 v6, v21  }
0x13c: {  	v0 =	vshll.u32 v40, $0x7;
	v7 =	vadd.s32 v19, v23;
	v16 =	vld.idx.msk [tilespmem:v9+s14+$0x0], $0xffff  }
0x13d: {  	v45 =	vor.u32 v13, v0;
	[tilespmem:v44+s22+$0x0] =	vst.idx.msk $0xffff, v6;
	v4 =	vld.idx.msk [tilespmem:v4+s17+$0x0], $0xffff  }
0x13e: {  	v49 =	vadd.s32 v59, v23;
	v6 =	vld.idx.msk [tilespmem:v12+s17+$0x0], $0xffff  }
0x13f: {  	v46 =	vor.u32 v47, v40;
	[tilespmem:$0x1FE00] =	vst v49;
	v31 =	vld [tilespmem:$0x1FF80]  }
0x140: {  	v5 =	vadd.f32 v5, v22;
	v20 =	vld.idx.msk [tilespmem:v2+s14+$0x0], $0xffff  }
0x141: {  	v30 =	vshll.u32 v3, $0x7;
	v2 =	vld.idx.msk [tilespmem:v7+s17+$0x0], $0xffff  }
0x142: {  	v26 =	vshll.u32 v1, $0x7;
	[tilespmem:v45+s22+$0x0] =	vst.idx.msk $0xffff, v5;
	v5 =	vor.u32 v13, v30  }
0x143: {  	v50 =	vor.u32 v13, v26  }
0x144: {  	v27 =	vor.u32 v60, v26;
	v57 =	vadd.s32 v47, v24;
	v7 =	vld.idx.msk [tilespmem:v46+s17+$0x0], $0xffff;
	v3 =	vor.u32 v31, v25  }
0x145: {  	v58 =	vadd.s32 v47, v23;
	[tilespmem:$0x1FE10] =	vst v27;
	v27 =	vor.u32 v60, v0;
	v4 =	vadd.f32 v4, v20  }
0x146: {  	v1 =	vadd.s32 v29, v43;
	[tilespmem:$0x1FE20] =	vst v27;
	v12 =	vor.u32 v31, v0;
	v2 =	vadd.f32 v2, v16  }
0x147: {  	v28 =	vor.u32 v29, v40;
	v6 =	vadd.f32 v6, v21;
	[tilespmem:v5+s22+$0x0] =	vst.idx.msk $0xffff, v4  }
0x148: {  	[tilespmem:v50+s22+$0x0] =	vst.idx.msk $0xffff, v2  }
0x149: {  	v4 =	vld.idx.msk [tilespmem:v57+s17+$0x0], $0xffff;
	[tilespmem:v3+s22+$0x0] =	vst.idx.msk $0xffff, v6;
	v3 =	vadd.f32 v7, v22  }
0x14a: {  	v33 =	vor.u32 v15, v25;
	v62 =	vadd.s32 v48, v43;
	v41 =	vor.u32 v59, v40;
	v7 =	vld.idx.msk [tilespmem:v58+s17+$0x0], $0xffff  }
0x14b: {  	v52 =	vor.u32 v15, v0;
	v61 =	vor.u32 v31, v30;
	v1 =	vld.idx.msk [tilespmem:v1+s17+$0x0], $0xffff;
	[tilespmem:v12+s22+$0x0] =	vst.idx.msk $0xffff, v3  }
0x14c: {  	v8 =	vadd.s32 v29, v23;
	v31 =	vor.u32 v31, v26;
	v42 =	vld.idx.msk [tilespmem:v28+s17+$0x0], $0xffff;
	v28 =	vadd.s32 v29, v24  }
0x14d: {  	s3 =	simm.s32 $0x4;
	v32 =	vadd.s32 v48, v23;
	v36 =	vadd.s32 v54, v23;
	v6 =	vor.u32 v53, v25  }
0x14e: {  	v55 =	vmovc v47;
	s7 =	sand.u32 $0xF, s3;
	v47 =	vadd.s32 v63, v24;
	v35 =	vadd.s32 v48, v24;
	v4 =	vadd.f32 v4, v20  }
0x14f: {  	s10 =	sadd.s32 $0x2, s7;
	v44 =	vor.u32 v53, v0;
	v45 =	vor.u32 v48, v40;
	v7 =	vadd.f32 v7, v16  }
0x150: {  	s9 =	sadd.s32 $0x1, s7;
	v49 =	vadd.s32 s10, v13;
	v2 =	vadd.s32 v63, v43;
	v1 =	vadd.f32 v1, v21;
	[tilespmem:v61+s22+$0x0] =	vst.idx.msk $0xffff, v4  }
0x151: {  	v46 =	vadd.s32 s9, v13;
	v50 =	vshrl.u32 v49, $0x4;
	v3 =	vor.u32 v54, v40;
	[tilespmem:v31+s22+$0x0] =	vst.idx.msk $0xffff, v7;
	v9 =	vld.idx.msk [tilespmem:v28+s17+$0x0], $0xffff  }
0x152: {  	v12 =	vor.u32 v56, v0;
	[tilespmem:v6+s22+$0x0] =	vst.idx.msk $0xffff, v1;
	v6 =	vadd.f32 v42, v22;
	v8 =	vld.idx.msk [tilespmem:v8+s17+$0x0], $0xffff  }
0x153: {  	v4 =	vor.u32 v56, v25;
	v7 =	vor.u32 v53, v26;
	v31 =	vshrl.u32 v46, $0x4;
	v1 =	vld.idx.msk [tilespmem:v62+s17+$0x0], $0xffff  }
0x154: {  	v53 =	vor.u32 v53, v30;
	[tilespmem:v44+s22+$0x0] =	vst.idx.msk $0xffff, v6;
	v6 =	vshll.u32 v31, $0x4;
	v31 =	vshll.u32 v50, $0x4  }
0x155: {  	s10 =	sand.u32 $0x30, s3;
	v28 =	vadd.s32 v54, v43;
	v6 =	vsub.s32 v46, v6;
	v57 =	vsub.s32 v49, v31  }
0x156: {  	v6 =	vadd.s32 s10, v6;
	v10 =	vadd.s32 s10, v57;
	v9 =	vadd.f32 v9, v20  }
0x157: {  	v34 =	vld.idx.msk [tilespmem:v45+s17+$0x0], $0xffff;
	v58 =	vand.u32 $0xFFFFFF80, v6;
	v31 =	vand.u32 $0x7F, v6;
	v8 =	vadd.f32 v8, v16  }
0x158: {  	v62 =	vand.u32 $0x7F, v10;
	v42 =	vshll.u32 v6, $0x7;
	v1 =	vadd.f32 v1, v21  }
0x159: {  	s3 =	sand.u32 $0xC, s3;
	v6 =	vand.u32 $0xFFFFFF80, v10;
	v45 =	vshll.u32 v10, $0x7;
	v10 =	vor.u32 v56, v30  }
0x15a: {  	v49 =	vadd.s32 s3, v13;
	v61 =	vadd.s32 v51, v58;
	v46 =	vor.u32 v31, v58;
	[tilespmem:v4+s22+$0x0] =	vst.idx.msk $0xffff, v1  }
0x15b: {  	v50 =	vadd.s32 v51, v6;
	v44 =	vor.u32 v62, v6;
	v5 =	vor.u32 v60, v45;
	v28 =	vld.idx.msk [tilespmem:v28+s17+$0x0], $0xffff  }
0x15c: {  	s7 =	sadd.s32 $0x3, s7;
	[tilespmem:v53+s22+$0x0] =	vst.idx.msk $0xffff, v9;
	v6 =	vadd.s32 v19, v46;
	v53 =	vand.u32 $0xF, v49;
	v48 =	vadd.f32 v34, v22  }
0x15d: {  	[tilespmem:v7+s22+$0x0] =	vst.idx.msk $0xffff, v8;
	v37 =	vadd.s32 v59, v44;
	v1 =	vadd.s32 s7, v13;
	v4 =	vor.u32 v31, v61  }
0x15e: {  	v8 =	vor.u32 v62, v50;
	v31 =	vor.u32 s10, v53;
	v9 =	vld.idx.msk [tilespmem:v32+s17+$0x0], $0xffff;
	v7 =	vshrl.u32 v1, $0x4;
	[tilespmem:v12+s22+$0x0] =	vst.idx.msk $0xffff, v48  }
0x15f: {  	v11 =	vadd.s32 v19, v44;
	v53 =	vld.idx.msk [tilespmem:v35+s17+$0x0], $0xffff;
	v39 =	vshll.u32 v31, $0x7;
	v7 =	vshll.u32 v7, $0x4;
	[tilespmem:$0x1FE30] =	vst v5  }
0x160: {  	v48 =	vor.u32 v51, v31;
	v5 =	vor.u32 v60, v39;
	v3 =	vld.idx.msk [tilespmem:v3+s17+$0x0], $0xffff;
	v57 =	vadd.f32 v28, v21  }
0x161: {  	v32 =	vmov v43;
	v43 =	vor.u32 v56, v26;
	v1 =	vsub.s32 v1, v7;
	v6 =	vld.idx.msk [tilespmem:v6+s17+$0x0], $0xffff;
	[tilespmem:$0x1FE40] =	vst v5  }
0x162: {  	v50 =	vadd.s32 v29, v44;
	v1 =	vadd.s32 s10, v1;
	v35 =	vld.idx.msk [tilespmem:v4+s14+$0x0], $0xffff;
	[tilespmem:v33+s22+$0x0] =	vst.idx.msk $0xffff, v57  }
0x163: {  	v61 =	vadd.s32 v54, v24;
	v58 =	vand.u32 $0xFFFFFF80, v1;
	v62 =	vand.u32 $0x7F, v1;
	v2 =	vld.idx.msk [tilespmem:v2+s17+$0x0], $0xffff;
	[tilespmem:$0x1FE50] =	vst v51  }
0x164: {  	v12 =	vor.u32 v59, v31;
	v9 =	vadd.f32 v9, v16;
	v38 =	vor.u32 v62, v58;
	v34 =	vld.idx.msk [tilespmem:v8+s14+$0x0], $0xffff  }
0x165: {  	v7 =	vor.u32 v63, v40;
	v4 =	vor.u32 v13, v42;
	v5 =	vadd.s32 v19, v38;
	v33 =	vld.idx.msk [tilespmem:v48+s14+$0x0], $0xffff  }
0x166: {  	v51 =	vadd.s32 v51, v58;
	v3 =	vadd.f32 v3, v22;
	[tilespmem:v43+s22+$0x0] =	vst.idx.msk $0xffff, v9;
	v11 =	vld.idx.msk [tilespmem:v11+s17+$0x0], $0xffff  }
0x167: {  	v54 =	vor.u32 v62, v51;
	v43 =	vadd.f32 v53, v20;
	v62 =	vld.idx.msk [tilespmem:v36+s17+$0x0], $0xffff;
	[tilespmem:$0x1FE60] =	vst v12  }
0x168: {  	v49 =	vor.u32 v60, v25;
	v36 =	vshll.u32 v1, $0x7;
	v1 =	vadd.f32 v6, v35;
	[tilespmem:v52+s22+$0x0] =	vst.idx.msk $0xffff, v3  }
0x169: {  	v56 =	vadd.s32 v55, v44;
	v8 =	vor.u32 v19, v31;
	[tilespmem:v10+s22+$0x0] =	vst.idx.msk $0xffff, v43  }
0x16a: {  	v57 =	vadd.s32 v55, v46;
	v12 =	vor.u32 v18, v25;
	v3 =	vld.idx.msk [tilespmem:v5+s17+$0x0], $0xffff;
	[tilespmem:v4+s22+$0x0] =	vst.idx.msk $0xffff, v1  }
0x16b: {  	v27 =	vmovc v55;
	v59 =	vadd.s32 v59, v32;
	v60 =	vor.u32 v15, v26;
	v9 =	vor.u32 v13, v45;
	v1 =	vld [tilespmem:$0x1FF80]  }
0x16c: {  	v55 =	vadd.s32 v63, v23;
	v51 =	vor.u32 v17, v40;
	v19 =	vadd.s32 v63, v38;
	v58 =	vld.idx.msk [tilespmem:v7+s17+$0x0], $0xffff  }
0x16d: {  	v52 =	vor.u32 v14, v0;
	v5 =	vor.u32 v27, v31;
	v61 =	vld.idx.msk [tilespmem:v61+s17+$0x0], $0xffff;
	v2 =	vadd.f32 v2, v21  }
0x16e: {  	v4 =	vor.u32 v13, v39;
	v53 =	vld.idx.msk [tilespmem:v8+s17+$0x0], $0xffff;
	v6 =	vadd.f32 v11, v34;
	v62 =	vadd.f32 v62, v16  }
0x16f: {  	[tilespmem:v12+s22+$0x0] =	vst.idx.msk $0xffff, v2;
	v2 =	vld.idx.msk [tilespmem:v57+s17+$0x0], $0xffff;
	v57 =	vor.u32 v18, v0;
	v0 =	vor.u32 v15, v30  }
0x170: {  	s7 =	simm.s32 $0x8;
	v40 =	vld.idx.msk [tilespmem:v54+s14+$0x0], $0xffff;
	[tilespmem:v9+s22+$0x0] =	vst.idx.msk $0xffff, v6;
	v63 =	vor.u32 v1, v42;
	v1 =	vadd.s32 v29, v46  }
.LBB2_5:
0x171: {  	v54 =	vmov v19;
	v19 =	vld [tilespmem:$0x1FFB0];
	_ =	sdelay $0x1  }
0x172: {  	v14 =	vld [tilespmem:$0x1FF40]  }
0x173: {  	v18 =	vld [tilespmem:$0x1FF50]  }
0x174: {  	v29 =	vld [tilespmem:$0x1FF90]  }
0x175: {  	v27 =	vld [tilespmem:$0x1FF60];
	v6 =	vadd.s32 v19, v46  }
0x176: {  	[tilespmem:$0x1FDF0] =	vst v6;
	v6 =	vld.idx.msk [tilespmem:v59+s17+$0x0], $0xffff  }
0x177: {  	v15 =	vld [tilespmem:$0x1FF20];
	[tilespmem:v60+s22+$0x0] =	vst.idx.msk $0xffff, v62;
	v7 =	vadd.s32 v14, v32  }
0x178: {  	v8 =	vadd.s32 v14, v23;
	v11 =	vor.u32 v18, v25;
	v23 =	vadd.f32 v61, v20;
	v32 =	vld.idx.msk [tilespmem:v55+s17+$0x0], $0xffff  }
0x179: {  	v28 =	vld [tilespmem:$0x1FF80];
	v9 =	vadd.f32 v53, v33  }
0x17a: {  	v43 =	vld [tilespmem:$0x1FFA0];
	v25 =	vmov v42;
	v42 =	vor.u32 v27, v26;
	[tilespmem:v0+s22+$0x0] =	vst.idx.msk $0xffff, v23;
	v0 =	vadd.f32 v2, v35  }
0x17b: {  	v60 =	vld [tilespmem:$0x1FF70];
	[tilespmem:v4+s22+$0x0] =	vst.idx.msk $0xffff, v9;
	v6 =	vadd.f32 v6, v21  }
0x17c: {  	v10 =	vor.u32 v13, v36;
	v5 =	vld.idx.msk [tilespmem:v5+s17+$0x0], $0xffff;
	[tilespmem:v63+s22+$0x0] =	vst.idx.msk $0xffff, v0  }
0x17d: {  	v1 =	vld.idx.msk [tilespmem:v1+s17+$0x0], $0xffff;
	[tilespmem:v11+s22+$0x0] =	vst.idx.msk $0xffff, v6;
	v6 =	vadd.f32 v32, v16  }
0x17e: {  	v12 =	vadd.f32 v58, v22;
	v4 =	vadd.s32 v29, v38;
	v11 =	vld.idx.msk [tilespmem:v56+s17+$0x0], $0xffff  }
0x17f: {  	v2 =	vadd.f32 v3, v40;
	[tilespmem:v42+s22+$0x0] =	vst.idx.msk $0xffff, v6;
	v6 =	vld [tilespmem:$0x1FE00]  }
0x180: {  	[tilespmem:v57+s22+$0x0] =	vst.idx.msk $0xffff, v12;
	v12 =	vor.u32 v18, v26;
	v26 =	vor.u32 v28, v39;
	v3 =	vld.idx.msk [tilespmem:v47+s17+$0x0], $0xffff  }
0x181: {  	[tilespmem:v10+s22+$0x0] =	vst.idx.msk $0xffff, v2;
	v2 =	vld.idx.msk [tilespmem:v41+s17+$0x0], $0xffff;
	v41 =	vor.u32 v43, v31  }
0x182: {  	v10 =	vor.u32 v27, v30;
	v63 =	vld [tilespmem:$0x1FFD0]  }
0x183: {  	v48 =	vmov v46;
	v46 =	vadd.s32 v60, v24;
	v5 =	vadd.f32 v5, v33;
	v0 =	vld.idx.msk [tilespmem:v4+s17+$0x0], $0xffff  }
0x184: {  	v17 =	vld [tilespmem:$0x1FF30]  }
0x185: {  	v23 =	vmov v44;
	v44 =	vor.u32 v28, v36;
	[tilespmem:v26+s22+$0x0] =	vst.idx.msk $0xffff, v5;
	v32 =	vld [tilespmem:$0x1FFE0];
	v3 =	vadd.f32 v3, v20  }
0x186: {  	v59 =	vadd.s32 v43, v38;
	v41 =	vld.idx.msk [tilespmem:v41+s17+$0x0], $0xffff;
	v2 =	vadd.f32 v2, v22  }
0x187: {  	v26 =	vmov v45;
	v9 =	vor.u32 v63, v25;
	[tilespmem:v10+s22+$0x0] =	vst.idx.msk $0xffff, v3;
	v6 =	vld.idx.msk [tilespmem:v6+s17+$0x0], $0xffff  }
0x188: {  	s8 =	smov.u32 s7;
	v45 =	vor.u32 v28, v26;
	v0 =	vadd.f32 v0, v40;
	[tilespmem:v52+s22+$0x0] =	vst.idx.msk $0xffff, v2;
	v2 =	vld.idx.msk [tilespmem:v46+s17+$0x0], $0xffff  }
0x189: {  	v62 =	vld [tilespmem:$0x1FF10];
	s3 =	sand.u32 $0xF, s8;
	v55 =	vor.u32 v15, v30;
	v53 =	vor.u32 v17, v39;
	v1 =	vadd.f32 v1, v35  }
0x18a: {  	s9 =	sadd.s32 $0x1, s3;
	v7 =	vld.idx.msk [tilespmem:v7+s17+$0x0], $0xffff;
	v3 =	vor.u32 v18, v30;
	v10 =	vor.u32 v63, v39;
	[tilespmem:v44+s22+$0x0] =	vst.idx.msk $0xffff, v0  }
0x18b: {  	v0 =	vld.idx.msk [tilespmem:v51+s17+$0x0], $0xffff;
	v51 =	vadd.s32 s9, v13;
	v57 =	vadd.s32 v32, v48;
	v11 =	vadd.f32 v11, v34  }
0x18c: {  	v30 =	vor.u32 v32, v31;
	[tilespmem:v9+s22+$0x0] =	vst.idx.msk $0xffff, v1;
	v1 =	vld.idx.msk [tilespmem:v59+s17+$0x0], $0xffff;
	v6 =	vadd.f32 v6, v16  }
0x18d: {  	v59 =	vshrl.u32 v51, $0x4;
	v2 =	vadd.f32 v2, v20;
	[tilespmem:v45+s22+$0x0] =	vst.idx.msk $0xffff, v11;
	v11 =	vadd.s32 v14, v24;
	v45 =	vld [tilespmem:$0x1FE40]  }
0x18e: {  	v24 =	vadd.f32 v41, v33;
	v41 =	vld.idx.msk [tilespmem:v50+s17+$0x0], $0xffff;
	[tilespmem:v12+s22+$0x0] =	vst.idx.msk $0xffff, v6;
	v6 =	vshll.u32 v59, $0x4  }
0x18f: {  	s10 =	sadd.s32 $0x2, s3;
	v4 =	vor.u32 v62, v39;
	[tilespmem:v3+s22+$0x0] =	vst.idx.msk $0xffff, v2;
	v2 =	vsub.s32 v51, v6;
	v51 =	vld [tilespmem:$0x1FE50]  }
0x190: {  	v42 =	vor.u32 v63, v36;
	v52 =	vadd.s32 s10, v13;
	v44 =	vor.u32 v63, v26  }
0x191: {  	s10 =	sand.u32 $0x30, s8;
	v7 =	vadd.f32 v7, v21;
	v21 =	vor.u32 v62, v25;
	v22 =	vadd.f32 v0, v22;
	v9 =	vld.idx.msk [tilespmem:v57+s17+$0x0], $0xffff  }
0x192: {  	v57 =	vmovc v39;
	v39 =	vld [tilespmem:$0x1FE20];
	[tilespmem:v10+s22+$0x0] =	vst.idx.msk $0xffff, v24;
	v24 =	vshrl.u32 v52, $0x4;
	v0 =	vmov v45;
	v2 =	vadd.s32 s10, v2  }
0x193: {  	v1 =	vadd.f32 v1, v40;
	v30 =	vld.idx.msk [tilespmem:v30+s17+$0x0], $0xffff;
	v63 =	vshll.u32 v24, $0x4;
	[tilespmem:$0x1FE20] =	vst v0;
	v0 =	vand.u32 $0xFFFFFF80, v2  }
0x194: {  	v50 =	vmovc v37;
	v3 =	vsub.s32 v52, v63;
	v37 =	vld.idx.msk [tilespmem:v11+s17+$0x0], $0xffff;
	v46 =	vand.u32 $0x7F, v2;
	v52 =	vadd.s32 v51, v0  }
0x195: {  	[tilespmem:v42+s22+$0x0] =	vst.idx.msk $0xffff, v1;
	v1 =	vor.u32 v46, v52;
	v52 =	vld [tilespmem:$0x1FE10]  }
0x196: {  	v8 =	vld.idx.msk [tilespmem:v8+s17+$0x0], $0xffff  }
0x197: {  	v61 =	vld [tilespmem:$0x1FFC0];
	v5 =	vadd.s32 v32, v23;
	v6 =	vadd.f32 v9, v35  }
0x198: {  	[tilespmem:v49+s22+$0x0] =	vst.idx.msk $0xffff, v7  }
0x199: {  	[tilespmem:v21+s22+$0x0] =	vst.idx.msk $0xffff, v6;
	v6 =	vadd.f32 v41, v34  }
0x19a: {  	[tilespmem:v39+s22+$0x0] =	vst.idx.msk $0xffff, v22;
	v46 =	vor.u32 v46, v0;
	v0 =	vadd.f32 v30, v33  }
0x19b: {  	[tilespmem:v44+s22+$0x0] =	vst.idx.msk $0xffff, v6;
	v59 =	vadd.f32 v8, v16  }
0x19c: {  	v7 =	vadd.s32 v61, v48;
	[tilespmem:v4+s22+$0x0] =	vst.idx.msk $0xffff, v0;
	v4 =	vld.idx.msk [tilespmem:v5+s17+$0x0], $0xffff  }
0x19d: {  	v12 =	vadd.s32 v32, v38;
	[tilespmem:v52+s22+$0x0] =	vst.idx.msk $0xffff, v59;
	v59 =	vld [tilespmem:$0x1FE30]  }
0x19e: {  	v58 =	vor.u32 v17, v25;
	v47 =	vor.u32 v61, v31;
	v49 =	vld [tilespmem:$0x1FFF0];
	v3 =	vadd.s32 s10, v3  }
0x19f: {  	v56 =	vadd.s32 v61, v23;
	s8 =	sand.u32 $0xC, s8;
	v45 =	vshll.u32 v3, $0x7;
	v5 =	vadd.f32 v37, v20  }
0x1a0: {  	s3 =	sadd.s32 $0x3, s3;
	v63 =	vadd.s32 s8, v13;
	v32 =	vand.u32 $0x7F, v3;
	v10 =	vor.u32 v13, v45  }
0x1a1: {  	v21 =	vmovc v35;
	v35 =	vadd.s32 s3, v13;
	v42 =	vshll.u32 v2, $0x7;
	v2 =	vand.u32 $0xFFFFFF80, v3;
	v7 =	vld.idx.msk [tilespmem:v7+s17+$0x0], $0xffff;
	[tilespmem:v55+s22+$0x0] =	vst.idx.msk $0xffff, v5  }
0x1a2: {  	v44 =	vor.u32 v32, v2;
	v16 =	vmovc v34;
	v34 =	vadd.s32 v51, v2;
	v5 =	vld.idx.msk [tilespmem:v12+s17+$0x0], $0xffff;
	v6 =	vmov v59  }
0x1a3: {  	v2 =	vshrl.u32 v35, $0x4;
	v8 =	vand.u32 $0xF, v63;
	v0 =	vadd.s32 v49, v46;
	[tilespmem:$0x1FE10] =	vst v6;
	v6 =	vld [tilespmem:$0x1FE60]  }
0x1a4: {  	[tilespmem:$0x1FE00] =	vst v50;
	v9 =	vadd.s32 v49, v44;
	v50 =	vadd.s32 v43, v44;
	v2 =	vshll.u32 v2, $0x4;
	v12 =	vld [tilespmem:$0x1FDF0]  }
0x1a5: {  	v63 =	vor.u32 v62, v26;
	v2 =	vsub.s32 v35, v2;
	v11 =	vadd.s32 v29, v46  }
0x1a6: {  	v30 =	vmovc v36;
	v37 =	vadd.s32 v60, v44;
	v3 =	vadd.f32 v7, v21;
	v7 =	vor.u32 v15, v45  }
0x1a7: {  	v24 =	vmovc v38;
	v20 =	vmovc v40;
	v2 =	vadd.s32 s10, v2;
	v40 =	vor.u32 v62, v30;
	v55 =	vadd.s32 v19, v23  }
0x1a8: {  	v0 =	vld.idx.msk [tilespmem:v0+s17+$0x0], $0xffff;
	[tilespmem:v58+s22+$0x0] =	vst.idx.msk $0xffff, v3;
	v41 =	vmov v6;
	v6 =	vor.u32 s10, v8;
	v8 =	vor.u32 v32, v34  }
0x1a9: {  	v36 =	vshll.u32 v2, $0x7;
	v4 =	vadd.f32 v4, v16;
	[tilespmem:$0x1FE30] =	vst v7;
	v7 =	vld.idx.msk [tilespmem:v47+s17+$0x0], $0xffff;
	v59 =	vor.u32 v51, v6  }
0x1aa: {  	v47 =	vmovc v54;
	v54 =	vadd.s32 v61, v24;
	v35 =	vld.idx.msk [tilespmem:v1+s14+$0x0], $0xffff;
	v1 =	vand.u32 $0xFFFFFF80, v2;
	v39 =	vshll.u32 v6, $0x7  }
0x1ab: {  	v22 =	vmovc v33;
	v61 =	vand.u32 $0x7F, v2;
	v2 =	vor.u32 v27, v25;
	v3 =	vor.u32 v15, v39  }
0x1ac: {  	v12 =	vld.idx.msk [tilespmem:v12+s17+$0x0], $0xffff;
	v32 =	vmov v48;
	v48 =	vor.u32 v13, v42;
	[tilespmem:$0x1FE40] =	vst v3;
	v3 =	vor.u32 v19, v31  }
0x1ad: {  	v52 =	vor.u32 v18, v57;
	v62 =	vadd.s32 v51, v1;
	v38 =	vor.u32 v61, v1;
	v34 =	vld.idx.msk [tilespmem:v8+s14+$0x0], $0xffff  }
0x1ae: {  	v1 =	vor.u32 v49, v6;
	[tilespmem:v63+s22+$0x0] =	vst.idx.msk $0xffff, v4;
	v4 =	vadd.f32 v7, v22;
	v33 =	vld.idx.msk [tilespmem:v59+s14+$0x0], $0xffff  }
0x1af: {  	v57 =	vor.u32 v27, v57;
	v0 =	vadd.f32 v0, v35;
	v13 =	vadd.s32 v49, v38;
	v7 =	vld.idx.msk [tilespmem:v56+s17+$0x0], $0xffff  }
0x1b0: {  	v51 =	vor.u32 v14, v31;
	v49 =	vor.u32 v15, v25;
	v9 =	vld.idx.msk [tilespmem:v9+s17+$0x0], $0xffff;
	[tilespmem:v53+s22+$0x0] =	vst.idx.msk $0xffff, v4  }
0x1b1: {  	v63 =	vor.u32 v60, v6;
	[tilespmem:v48+s22+$0x0] =	vst.idx.msk $0xffff, v0;
	v58 =	vld.idx.msk [tilespmem:v3+s17+$0x0], $0xffff;
	v3 =	vadd.f32 v5, v20  }
0x1b2: {  	p1 =	slt.u32 s7, $0x3C;
	v31 =	vmov v6;
	v19 =	vadd.s32 v19, v38;
	v8 =	vor.u32 v61, v62;
	[tilespmem:$0x1FE60] =	vst v63  }
.Ltmp1:
0x1b3: {  	v56 =	vadd.s32 v29, v44;
	v53 =	vld.idx.msk [tilespmem:v1+s17+$0x0], $0xffff;
	v1 =	vadd.f32 v12, v21;
	[tilespmem:v40+s22+$0x0] =	vst.idx.msk $0xffff, v3;
	(pc) =	sbr.rel @p1 .LBB2_5-.Ltmp1, $4  }
0x1b4: {  	v59 =	vadd.s32 v60, v32;
	v60 =	vor.u32 v17, v26;
	v63 =	vor.u32 v28, v42;
	v61 =	vld.idx.msk [tilespmem:v54+s17+$0x0], $0xffff  }
0x1b5: {  	v5 =	vor.u32 v29, v31;
	[tilespmem:v2+s22+$0x0] =	vst.idx.msk $0xffff, v1;
	v0 =	vadd.f32 v9, v34;
	v3 =	vld.idx.msk [tilespmem:v13+s17+$0x0], $0xffff  }
0x1b6: {  	v1 =	vadd.s32 v43, v46;
	v62 =	vadd.f32 v7, v16;
	v13 =	vlaneseq.u32;
	v2 =	vld.idx.msk [tilespmem:v11+s17+$0x0], $0xffff  }
0x1b7: {  	s7 =	sadd.s32 $0x4, s7;
	v40 =	vld.idx.msk [tilespmem:v8+s14+$0x0], $0xffff;
	v4 =	vor.u32 v13, v39;
	[tilespmem:v10+s22+$0x0] =	vst.idx.msk $0xffff, v0;
	v0 =	vor.u32 v17, v30  }
0x1b8: {  	_ = 	snop  }
0x1b9: {  	v6 =	vor.u32 v13, v36;
	_ =	sdelay $0x1  }
0x1ba: {  	v7 =	vadd.f32 v53, v33;
	v48 =	vld [tilespmem:$0x1FF90]  }
0x1bb: {  	v3 =	vadd.f32 v3, v40  }
0x1bc: {  	[tilespmem:v4+s22+$0x0] =	vst.idx.msk $0xffff, v7  }
0x1bd: {  	[tilespmem:v6+s22+$0x0] =	vst.idx.msk $0xffff, v3  }
0x1be: {  	v29 =	vld [tilespmem:$0x1FF80]  }
0x1bf: {  	v8 =	vadd.s32 v48, v38;
	_ =	sdelay $0x1  }
0x1c0: {  	v4 =	vld.idx.msk [tilespmem:v5+s17+$0x0], $0xffff  }
0x1c1: {  	v3 =	vld.idx.msk [tilespmem:v56+s17+$0x0], $0xffff  }
0x1c2: {  	v28 =	vld [tilespmem:$0x1FFA0];
	v5 =	vor.u32 v29, v39  }
0x1c3: {  	v6 =	vld.idx.msk [tilespmem:v8+s17+$0x0], $0xffff;
	v54 =	vor.u32 v29, v45  }
0x1c4: {  	v2 =	vadd.f32 v2, v35  }
0x1c5: {  	v4 =	vadd.f32 v4, v33;
	v9 =	vor.u32 v29, v36  }
0x1c6: {  	[tilespmem:v63+s22+$0x0] =	vst.idx.msk $0xffff, v2;
	v2 =	vadd.f32 v3, v34  }
0x1c7: {  	[tilespmem:v5+s22+$0x0] =	vst.idx.msk $0xffff, v4  }
0x1c8: {  	v7 =	vor.u32 v28, v31;
	v3 =	vadd.f32 v6, v40;
	[tilespmem:v54+s22+$0x0] =	vst.idx.msk $0xffff, v2  }
0x1c9: {  	v63 =	vld [tilespmem:$0x1FFD0]  }
0x1ca: {  	[tilespmem:v9+s22+$0x0] =	vst.idx.msk $0xffff, v3;
	v3 =	vld.idx.msk [tilespmem:v50+s17+$0x0], $0xffff  }
0x1cb: {  	v50 =	vld [tilespmem:$0x1FFE0]  }
0x1cc: {  	v1 =	vld.idx.msk [tilespmem:v1+s17+$0x0], $0xffff  }
0x1cd: {  	v4 =	vld.idx.msk [tilespmem:v7+s17+$0x0], $0xffff  }
0x1ce: {  	v2 =	vor.u32 v63, v42  }
0x1cf: {  	v6 =	vor.u32 v63, v39  }
0x1d0: {  	v43 =	vor.u32 v63, v45;
	v56 =	vor.u32 v50, v31  }
0x1d1: {  	v1 =	vadd.f32 v1, v35  }
0x1d2: {  	v10 =	vadd.s32 v28, v38;
	v4 =	vadd.f32 v4, v33  }
0x1d3: {  	[tilespmem:v2+s22+$0x0] =	vst.idx.msk $0xffff, v1;
	v1 =	vadd.f32 v3, v34  }
0x1d4: {  	v5 =	vadd.s32 v50, v46;
	[tilespmem:v6+s22+$0x0] =	vst.idx.msk $0xffff, v4  }
0x1d5: {  	v4 =	vld.idx.msk [tilespmem:v56+s17+$0x0], $0xffff;
	[tilespmem:v43+s22+$0x0] =	vst.idx.msk $0xffff, v1  }
0x1d6: {  	v56 =	vld [tilespmem:$0x1FF10]  }
0x1d7: {  	v7 =	vld.idx.msk [tilespmem:v10+s17+$0x0], $0xffff;
	_ =	sdelay $0x1  }
0x1d8: {  	v11 =	vor.u32 v63, v36;
	v53 =	vadd.s32 v50, v44;
	v2 =	vld.idx.msk [tilespmem:v5+s17+$0x0], $0xffff;
	_ =	sdelay $0x1  }
0x1d9: {  	v12 =	vadd.s32 v50, v38;
	v1 =	vor.u32 v56, v42  }
0x1da: {  	v3 =	vadd.f32 v7, v40;
	v5 =	vor.u32 v56, v39  }
0x1db: {  	[tilespmem:v60+s22+$0x0] =	vst.idx.msk $0xffff, v62;
	v60 =	vadd.f32 v61, v20  }
0x1dc: {  	[tilespmem:v11+s22+$0x0] =	vst.idx.msk $0xffff, v3;
	v3 =	vld.idx.msk [tilespmem:v53+s17+$0x0], $0xffff;
	v2 =	vadd.f32 v2, v35  }
0x1dd: {  	v43 =	vld [tilespmem:$0x1FFC0];
	[tilespmem:v0+s22+$0x0] =	vst.idx.msk $0xffff, v60;
	v0 =	vadd.f32 v4, v33  }
0x1de: {  	v7 =	vld.idx.msk [tilespmem:v12+s17+$0x0], $0xffff;
	[tilespmem:v1+s22+$0x0] =	vst.idx.msk $0xffff, v2  }
0x1df: {  	v62 =	vor.u32 v56, v45;
	[tilespmem:v5+s22+$0x0] =	vst.idx.msk $0xffff, v0  }
0x1e0: {  	v12 =	vor.u32 v56, v36;
	v14 =	vld [tilespmem:$0x1FF50];
	_ =	sdelay $0x1  }
0x1e1: {  	v1 =	vadd.f32 v3, v34  }
0x1e2: {  	v54 =	vld.idx.msk [tilespmem:v59+s17+$0x0], $0xffff;
	v6 =	vadd.s32 v43, v46;
	v0 =	vadd.f32 v7, v40  }
0x1e3: {  	v61 =	vor.u32 v43, v31;
	[tilespmem:v62+s22+$0x0] =	vst.idx.msk $0xffff, v1  }
0x1e4: {  	v15 =	vld [tilespmem:$0x1FF30];
	[tilespmem:v12+s22+$0x0] =	vst.idx.msk $0xffff, v0;
	v3 =	vor.u32 v14, v25  }
0x1e5: {  	v5 =	vadd.f32 v58, v22;
	v62 =	vld [tilespmem:$0x1FFB0]  }
0x1e6: {  	v53 =	vadd.s32 v43, v44  }
0x1e7: {  	v4 =	vadd.s32 v43, v38;
	v2 =	vld.idx.msk [tilespmem:v6+s17+$0x0], $0xffff;
	[tilespmem:v57+s22+$0x0] =	vst.idx.msk $0xffff, v5;
	v5 =	vadd.f32 v54, v21  }
0x1e8: {  	v6 =	vld.idx.msk [tilespmem:v61+s17+$0x0], $0xffff  }
0x1e9: {  	v61 =	vld.idx.msk [tilespmem:v55+s17+$0x0], $0xffff;
	v1 =	vor.u32 v15, v42;
	[tilespmem:v3+s22+$0x0] =	vst.idx.msk $0xffff, v5  }
0x1ea: {  	v59 =	vor.u32 v15, v39;
	v0 =	vadd.s32 v62, v46;
	v18 =	vld [tilespmem:$0x1FF60]  }
0x1eb: {  	v7 =	vld.idx.msk [tilespmem:v53+s17+$0x0], $0xffff  }
0x1ec: {  	v4 =	vld.idx.msk [tilespmem:v4+s17+$0x0], $0xffff;
	v2 =	vadd.f32 v2, v35;
	v8 =	vor.u32 v62, v31  }
0x1ed: {  	v25 =	vld.idx.msk [tilespmem:v47+s17+$0x0], $0xffff;
	v60 =	vor.u32 v15, v45;
	v3 =	vadd.f32 v6, v33  }
0x1ee: {  	v13 =	vor.u32 v15, v36;
	v12 =	vadd.s32 v62, v44;
	v6 =	vld.idx.msk [tilespmem:v41+s17+$0x0], $0xffff;
	[tilespmem:v1+s22+$0x0] =	vst.idx.msk $0xffff, v2  }
0x1ef: {  	[tilespmem:v59+s22+$0x0] =	vst.idx.msk $0xffff, v3;
	v0 =	vld.idx.msk [tilespmem:v0+s17+$0x0], $0xffff;
	v5 =	vor.u32 v18, v26  }
0x1f0: {  	v1 =	vadd.f32 v7, v34;
	v58 =	vld [tilespmem:$0x1FF40];
	v2 =	vor.u32 v18, v30  }
0x1f1: {  	v3 =	vadd.f32 v4, v40;
	v8 =	vld.idx.msk [tilespmem:v8+s17+$0x0], $0xffff  }
0x1f2: {  	v59 =	vld [tilespmem:$0x1FF70];
	[tilespmem:v60+s22+$0x0] =	vst.idx.msk $0xffff, v1;
	v1 =	vadd.f32 v61, v16;
	v54 =	vor.u32 v18, v42  }
0x1f3: {  	[tilespmem:v13+s22+$0x0] =	vst.idx.msk $0xffff, v3;
	v3 =	vadd.f32 v25, v20;
	v10 =	vld.idx.msk [tilespmem:v12+s17+$0x0], $0xffff;
	v12 =	vor.u32 v18, v39  }
0x1f4: {  	v13 =	vld.idx.msk [tilespmem:v19+s17+$0x0], $0xffff;
	v6 =	vadd.f32 v6, v22;
	[tilespmem:v5+s22+$0x0] =	vst.idx.msk $0xffff, v1  }
0x1f5: {  	v0 =	vadd.f32 v0, v35;
	v5 =	vld [tilespmem:$0x1FE00];
	[tilespmem:v2+s22+$0x0] =	vst.idx.msk $0xffff, v3  }
0x1f6: {  	[tilespmem:v52+s22+$0x0] =	vst.idx.msk $0xffff, v6;
	v6 =	vadd.f32 v8, v33  }
0x1f7: {  	[tilespmem:v54+s22+$0x0] =	vst.idx.msk $0xffff, v0  }
0x1f8: {  	v7 =	vadd.s32 v59, v24;
	[tilespmem:v12+s22+$0x0] =	vst.idx.msk $0xffff, v6  }
0x1f9: {  	v6 =	vadd.f32 v13, v40;
	v13 =	vld [tilespmem:$0x1FE60]  }
0x1fa: {  	v55 =	vadd.s32 v59, v46;
	_ =	sdelay $0x1  }
0x1fb: {  	v1 =	vor.u32 v18, v45  }
0x1fc: {  	v4 =	vadd.s32 v58, v32;
	v2 =	vor.u32 v18, v36;
	v3 =	vld.idx.msk [tilespmem:v7+s17+$0x0], $0xffff  }
0x1fd: {  	v5 =	vld.idx.msk [tilespmem:v5+s17+$0x0], $0xffff  }
0x1fe: {  	v0 =	vadd.f32 v10, v34;
	v7 =	vadd.s32 v59, v38;
	v61 =	vld.idx.msk [tilespmem:v55+s17+$0x0], $0xffff  }
0x1ff: {  	v32 =	vor.u32 v14, v30  }
0x200: {  	[tilespmem:v1+s22+$0x0] =	vst.idx.msk $0xffff, v0;
	v1 =	vor.u32 v14, v42;
	v13 =	vld.idx.msk [tilespmem:v13+s17+$0x0], $0xffff  }
0x201: {  	v57 =	vor.u32 v14, v26;
	v60 =	vadd.s32 v58, v23;
	v4 =	vld.idx.msk [tilespmem:v4+s17+$0x0], $0xffff;
	[tilespmem:v2+s22+$0x0] =	vst.idx.msk $0xffff, v6  }
0x202: {  	v2 =	vadd.f32 v3, v20;
	v3 =	vor.u32 v14, v39;
	v0 =	vadd.f32 v5, v16;
	v5 =	vld.idx.msk [tilespmem:v37+s17+$0x0], $0xffff  }
0x203: {  	v7 =	vld.idx.msk [tilespmem:v7+s17+$0x0], $0xffff;
	v10 =	vadd.f32 v61, v35  }
0x204: {  	v41 =	vor.u32 v14, v45;
	v12 =	vadd.s32 v58, v24;
	[tilespmem:v32+s22+$0x0] =	vst.idx.msk $0xffff, v2  }
0x205: {  	v24 =	vor.u32 v14, v36;
	[tilespmem:v1+s22+$0x0] =	vst.idx.msk $0xffff, v10;
	v2 =	vadd.f32 v13, v33  }
0x206: {  	v4 =	vadd.f32 v4, v21;
	[tilespmem:v57+s22+$0x0] =	vst.idx.msk $0xffff, v0  }
0x207: {  	v9 =	vld.idx.msk [tilespmem:v60+s17+$0x0], $0xffff;
	v1 =	vadd.f32 v5, v34;
	[tilespmem:v3+s22+$0x0] =	vst.idx.msk $0xffff, v2  }
0x208: {  	v2 =	vadd.f32 v7, v40;
	v60 =	vld [tilespmem:$0x1FF20];
	[tilespmem:v49+s22+$0x0] =	vst.idx.msk $0xffff, v4  }
0x209: {  	[tilespmem:v41+s22+$0x0] =	vst.idx.msk $0xffff, v1  }
0x20a: {  	[tilespmem:v24+s22+$0x0] =	vst.idx.msk $0xffff, v2  }
0x20b: {  	v8 =	vld [tilespmem:$0x1FE20]  }
0x20c: {  	v19 =	vld.idx.msk [tilespmem:v51+s17+$0x0], $0xffff;
	_ =	sdelay $0x1  }
0x20d: {  	v6 =	vadd.s32 v58, v46;
	_ =	sdelay $0x2  }
0x20e: {  	v1 =	vadd.f32 v19, v22  }
0x20f: {  	v12 =	vld.idx.msk [tilespmem:v12+s17+$0x0], $0xffff  }
0x210: {  	v5 =	vld.idx.msk [tilespmem:v6+s17+$0x0], $0xffff;
	[tilespmem:v8+s22+$0x0] =	vst.idx.msk $0xffff, v1  }
0x211: {  	v8 =	vld [tilespmem:$0x1FE10]  }
0x212: {  	v6 =	vor.u32 v60, v42  }
0x213: {  	v3 =	vor.u32 v60, v30;
	_ =	sdelay $0x1  }
0x214: {  	v5 =	vadd.f32 v5, v35  }
0x215: {  	v0 =	vor.u32 v58, v31;
	v1 =	vadd.f32 v12, v20  }
0x216: {  	v2 =	vadd.f32 v9, v16;
	[tilespmem:v6+s22+$0x0] =	vst.idx.msk $0xffff, v5  }
0x217: {  	[tilespmem:v3+s22+$0x0] =	vst.idx.msk $0xffff, v1  }
0x218: {  	[tilespmem:v8+s22+$0x0] =	vst.idx.msk $0xffff, v2  }
0x219: {  	v3 =	vld [tilespmem:$0x1FE40]  }
0x21a: {  	v0 =	vld.idx.msk [tilespmem:v0+s17+$0x0], $0xffff;
	_ =	sdelay $0x1  }
0x21b: {  	v23 =	vadd.s32 v58, v44;
	v44 =	vadd.s32 v58, v38;
	_ =	sdelay $0x2  }
0x21c: {  	v0 =	vadd.f32 v0, v33;
	_ =	sdelay $0x1  }
0x21d: {  	v4 =	vld.idx.msk [tilespmem:v44+s17+$0x0], $0xffff;
	[tilespmem:v3+s22+$0x0] =	vst.idx.msk $0xffff, v0  }
0x21e: {  	v3 =	vld [tilespmem:$0x1FE30]  }
0x21f: {  	v7 =	vld.idx.msk [tilespmem:v23+s17+$0x0], $0xffff  }
0x220: {  	v2 =	vor.u32 v60, v36;
	_ =	sdelay $0x2  }
0x221: {  	s2 =	sshll.u32 s2, $0x12;
	v0 =	vadd.f32 v4, v40  }
0x222: {  	s3 =	simm.s32 $0x0;
	s2 =	sor.u32 s5, s2;
	v1 =	vadd.f32 v7, v34  }
0x223: {  	s7 =	sand.u32 $0xF, s3;
	s2 =	sshrl.u32 s2, $0x3;
	[tilespmem:v2+s22+$0x0] =	vst.idx.msk $0xffff, v0  }
0x224: {  	s8 =	sadd.s32 $0x1, s7;
	s2 =	sadd.s32 s1, s2;
	[tilespmem:v3+s22+$0x0] =	vst.idx.msk $0xffff, v1  }
0x225: {  	v53 =	vlaneseq.u32;
	[hbm4b:s2+s11] =	stream.strided.scatter [tilespmem:s22], [sflag:$0x5], $0x2000, s12, s11, $0x38;
	[tilespmem:$0x1E800] =	vst v63  }
0x226: {  	s6 =	sadd.s32 $0x200, s6;
	v1 =	vadd.s32 s8, v53  }
0x227: {  	v0 =	vshrl.u32 v1, $0x4;
	[tilespmem:s17], [sflag:$0x2] =	stream.indirect.gather [hbm4b:s4+s15], $0x80, s6, s15, $0xb8;
	[tilespmem:$0x1E800] =	vst v63  }
0x228: {  	v0 =	vshll.u32 v0, $0x4;
	_ =	swait.ge [sflag:s23], $0x4000  }
0x229: {  	s9 =	sand.u32 $0x30, s3;
	v0 =	vsub.s32 v1, v0;
	v19 =	vld [tilespmem:$0x1FFF0]  }
0x22a: {  	v0 =	vadd.s32 s9, v0  }
0x22b: {  	s10 =	sadd.s32 $0x2, s7;
	v26 =	vmov s0;
	v2 =	vand.u32 $0xFFFFFF80, v0;
	v3 =	vand.u32 $0x7F, v0  }
0x22c: {  	s3 =	sand.u32 $0xC, s3;
	v1 =	vadd.s32 s10, v53;
	v17 =	vor.u32 v3, v2;
	v2 =	vadd.s32 v26, v2  }
0x22d: {  	v5 =	vadd.s32 s3, v53;
	s6 =	sadd.s32 $0x3, s7;
	v4 =	vshrl.u32 v1, $0x4;
	[sflag:s23] =	ssyncset.done $0x0;
	v2 =	vor.u32 v3, v2  }
0x22e: {  	s0 =	simm.s32 @!p0 $0x6;
	v7 =	vadd.s32 s6, v53;
	[sflag:s23] =	ssyncadd.s32 $0xFFFFC000;
	v3 =	vand.u32 $0xF, v5;
	v6 =	vadd.s32 v19, v17  }
0x22f: {  	v4 =	vshll.u32 v4, $0x4;
	_ =	swait.ge @!p0 [sflag:s0], $0x2000;
	v5 =	vshrl.u32 v7, $0x4;
	v41 =	vor.u32 s9, v3  }
0x230: {  	v1 =	vsub.s32 v1, v4;
	[sflag:s0] =	ssyncset.done @!p0 $0x0;
	v3 =	vshll.u32 v5, $0x4;
	v4 =	vor.u32 v26, v41  }
0x231: {  	v1 =	vadd.s32 s9, v1;
	[sflag:s0] =	ssyncadd.s32 @!p0 $0xFFFFE000;
	v3 =	vsub.s32 v7, v3;
	v5 =	vor.u32 v19, v41  }
0x232: {  	v45 =	vand.u32 $0xFFFFFF80, v1;
	v7 =	vand.u32 $0x7F, v1;
	v3 =	vadd.s32 s9, v3;
	v21 =	vld.idx.msk [tilespmem:v2+s14+$0x0], $0xffff  }
0x233: {  	v46 =	vadd.s32 v26, v45;
	v47 =	vand.u32 $0x7F, v3;
	v2 =	vand.u32 $0xFFFFFF80, v3;
	v6 =	vld.idx.msk [tilespmem:v6+s18+$0x0], $0xffff  }
0x234: {  	v27 =	vshll.u32 v0, $0x7;
	v0 =	vor.u32 v7, v46;
	v24 =	vor.u32 v47, v2  }
0x235: {  	v49 =	vor.u32 v53, v27;
	v22 =	vld.idx.msk [tilespmem:v4+s14+$0x0], $0xffff;
	v4 =	vadd.s32 v19, v24  }
0x236: {  	v51 =	vadd.s32 v48, v17;
	v2 =	vadd.s32 v26, v2;
	v5 =	vld.idx.msk [tilespmem:v5+s18+$0x0], $0xffff  }
0x237: {  	v54 =	vshll.u32 v41, $0x7;
	v23 =	vor.u32 v7, v45;
	v2 =	vor.u32 v47, v2  }
0x238: {  	v57 =	vor.u32 v53, v54;
	v7 =	vadd.s32 v19, v23;
	v6 =	vadd.f32 v6, v21  }
0x239: {  	v16 =	vld.idx.msk [tilespmem:v0+s14+$0x0], $0xffff;
	v0 =	vor.u32 v48, v41  }
0x23a: {  	v61 =	vadd.s32 v59, v23;
	v4 =	vld.idx.msk [tilespmem:v4+s18+$0x0], $0xffff;
	[tilespmem:v49+s24+$0x0] =	vst.idx.msk $0xffff, v6  }
0x23b: {  	v5 =	vadd.f32 v5, v22;
	v6 =	vld.idx.msk [tilespmem:v51+s18+$0x0], $0xffff;
	[tilespmem:$0x1FD80] =	vst v61  }
0x23c: {  	v20 =	vld.idx.msk [tilespmem:v2+s14+$0x0], $0xffff  }
0x23d: {  	v25 =	vshll.u32 v1, $0x7;
	v30 =	vshll.u32 v3, $0x7;
	v3 =	vor.u32 v29, v27;
	v2 =	vld.idx.msk [tilespmem:v7+s18+$0x0], $0xffff;
	[tilespmem:v57+s24+$0x0] =	vst.idx.msk $0xffff, v5  }
0x23e: {  	v1 =	vadd.s32 v28, v17;
	v32 =	vor.u32 v53, v25;
	v5 =	vor.u32 v53, v30;
	v0 =	vld.idx.msk [tilespmem:v0+s18+$0x0], $0xffff  }
0x23f: {  	v12 =	vor.u32 v60, v25;
	v35 =	vor.u32 v29, v54;
	v33 =	vadd.s32 v48, v24  }
0x240: {  	v13 =	vor.u32 v60, v54;
	v34 =	vadd.s32 v48, v23;
	[tilespmem:$0x1FD90] =	vst v12;
	v6 =	vadd.f32 v6, v21  }
0x241: {  	v12 =	vor.u32 v28, v41;
	[tilespmem:$0x1FDA0] =	vst v13;
	v4 =	vadd.f32 v4, v20  }
0x242: {  	v2 =	vadd.f32 v2, v16;
	[tilespmem:v3+s24+$0x0] =	vst.idx.msk $0xffff, v6  }
0x243: {  	v40 =	vor.u32 v59, v41;
	v0 =	vadd.f32 v0, v22;
	[tilespmem:v5+s24+$0x0] =	vst.idx.msk $0xffff, v4;
	v1 =	vld.idx.msk [tilespmem:v1+s18+$0x0], $0xffff  }
0x244: {  	v45 =	vadd.s32 v50, v17;
	v11 =	vor.u32 v56, v54;
	[tilespmem:v32+s24+$0x0] =	vst.idx.msk $0xffff, v2;
	v3 =	vld.idx.msk [tilespmem:v33+s18+$0x0], $0xffff  }
0x245: {  	v31 =	vor.u32 v63, v54;
	v5 =	vor.u32 v63, v27;
	v6 =	vld.idx.msk [tilespmem:v34+s18+$0x0], $0xffff;
	[tilespmem:v35+s24+$0x0] =	vst.idx.msk $0xffff, v0  }
0x246: {  	v44 =	vor.u32 v29, v30;
	v47 =	vadd.s32 v62, v24;
	v49 =	vor.u32 v15, v54;
	v46 =	vld.idx.msk [tilespmem:v12+s18+$0x0], $0xffff  }
0x247: {  	s0 =	simm.s32 $0x4;
	v51 =	vmovc v48;
	v48 =	vor.u32 v50, v41;
	v61 =	vor.u32 v63, v30;
	v13 =	vor.u32 v29, v25  }
0x248: {  	v37 =	vmovc v29;
	s7 =	sand.u32 $0xF, s0;
	v7 =	vadd.s32 v28, v23;
	v29 =	vadd.s32 v50, v23;
	v1 =	vadd.f32 v1, v21  }
0x249: {  	s8 =	sadd.s32 $0x1, s7;
	v2 =	vadd.s32 v62, v17;
	v12 =	vadd.s32 v28, v24;
	v3 =	vadd.f32 v3, v20  }
0x24a: {  	s9 =	sadd.s32 $0x2, s7;
	v52 =	vadd.s32 s8, v53;
	v0 =	vor.u32 v43, v41;
	v6 =	vadd.f32 v6, v16;
	[tilespmem:v5+s24+$0x0] =	vst.idx.msk $0xffff, v1  }
0x24b: {  	v55 =	vadd.s32 s9, v53;
	v33 =	vor.u32 v15, v27;
	v5 =	vadd.f32 v46, v22;
	[tilespmem:v44+s24+$0x0] =	vst.idx.msk $0xffff, v3  }
0x24c: {  	v57 =	vshrl.u32 v55, $0x4;
	v35 =	vadd.s32 v43, v23;
	v1 =	vld.idx.msk [tilespmem:v45+s18+$0x0], $0xffff;
	[tilespmem:v13+s24+$0x0] =	vst.idx.msk $0xffff, v6;
	v13 =	vshrl.u32 v52, $0x4  }
0x24d: {  	v3 =	vor.u32 v56, v27;
	v6 =	vor.u32 v63, v25;
	[tilespmem:v31+s24+$0x0] =	vst.idx.msk $0xffff, v5;
	v5 =	vshll.u32 v13, $0x4  }
0x24e: {  	s10 =	sand.u32 $0x30, s0;
	v63 =	vadd.s32 v50, v24;
	v8 =	vld.idx.msk [tilespmem:v12+s18+$0x0], $0xffff;
	v13 =	vshll.u32 v57, $0x4;
	v5 =	vsub.s32 v52, v5  }
0x24f: {  	v7 =	vld.idx.msk [tilespmem:v7+s18+$0x0], $0xffff;
	v12 =	vadd.s32 v43, v17;
	v45 =	vsub.s32 v55, v13;
	v5 =	vadd.s32 s10, v5  }
0x250: {  	v9 =	vadd.s32 s10, v45;
	v46 =	vand.u32 $0xFFFFFF80, v5;
	v13 =	vand.u32 $0x7F, v5  }
0x251: {  	v31 =	vld.idx.msk [tilespmem:v48+s18+$0x0], $0xffff;
	v50 =	vand.u32 $0x7F, v9;
	v42 =	vshll.u32 v5, $0x7;
	v5 =	vand.u32 $0xFFFFFF80, v9  }
0x252: {  	v45 =	vshll.u32 v9, $0x7;
	v9 =	vor.u32 v56, v30;
	v1 =	vadd.f32 v1, v21  }
0x253: {  	v48 =	vadd.s32 v26, v46;
	v46 =	vor.u32 v13, v46;
	v44 =	vor.u32 v50, v5  }
0x254: {  	s0 =	sand.u32 $0xC, s0;
	v8 =	vadd.f32 v8, v20;
	v7 =	vadd.f32 v7, v16;
	v4 =	vadd.s32 v59, v44  }
0x255: {  	s2 =	sadd.s32 $0x3, s7;
	v55 =	vadd.s32 s0, v53;
	v10 =	vadd.s32 v19, v44;
	[tilespmem:v3+s24+$0x0] =	vst.idx.msk $0xffff, v1;
	v3 =	vor.u32 v13, v48  }
0x256: {  	v1 =	vadd.s32 s2, v53;
	v52 =	vadd.f32 v31, v22;
	v13 =	vadd.s32 v26, v5;
	[tilespmem:v61+s24+$0x0] =	vst.idx.msk $0xffff, v8  }
0x257: {  	v5 =	vadd.s32 v19, v46;
	v12 =	vld.idx.msk [tilespmem:v12+s18+$0x0], $0xffff;
	[tilespmem:v6+s24+$0x0] =	vst.idx.msk $0xffff, v7;
	v6 =	vshrl.u32 v1, $0x4;
	v7 =	vand.u32 $0xF, v55  }
0x258: {  	v61 =	vadd.s32 v43, v24;
	[tilespmem:v11+s24+$0x0] =	vst.idx.msk $0xffff, v52;
	v31 =	vor.u32 s10, v7;
	v7 =	vor.u32 v50, v13  }
0x259: {  	v50 =	vadd.s32 v28, v44;
	v6 =	vshll.u32 v6, $0x4;
	[tilespmem:$0x1FDB0] =	vst v4;
	v4 =	vor.u32 v60, v45  }
0x25a: {  	v13 =	vor.u32 v26, v31;
	v39 =	vshll.u32 v31, $0x7;
	v1 =	vsub.s32 v1, v6;
	v57 =	vld.idx.msk [tilespmem:v29+s18+$0x0], $0xffff  }
0x25b: {  	v6 =	vor.u32 v62, v41;
	v43 =	vor.u32 v59, v31;
	v11 =	vld.idx.msk [tilespmem:v63+s18+$0x0], $0xffff;
	[tilespmem:$0x1FDC0] =	vst v4;
	v1 =	vadd.s32 s10, v1  }
0x25c: {  	v59 =	vadd.s32 v59, v17;
	v4 =	vor.u32 v60, v39;
	v0 =	vld.idx.msk [tilespmem:v0+s18+$0x0], $0xffff;
	v55 =	vand.u32 $0xFFFFFF80, v1  }
0x25d: {  	v5 =	vld.idx.msk [tilespmem:v5+s18+$0x0], $0xffff;
	[tilespmem:$0x1FDD0] =	vst v4;
	v52 =	vadd.f32 v12, v21;
	v12 =	vor.u32 v56, v25;
	v56 =	vand.u32 $0x7F, v1  }
0x25e: {  	v63 =	vadd.s32 v51, v46;
	v36 =	vld.idx.msk [tilespmem:v3+s14+$0x0], $0xffff;
	v3 =	vor.u32 v53, v42;
	v38 =	vor.u32 v56, v55  }
0x25f: {  	[tilespmem:v33+s24+$0x0] =	vst.idx.msk $0xffff, v52;
	v4 =	vadd.s32 v19, v38;
	v52 =	vor.u32 v14, v54  }
0x260: {  	v2 =	vld.idx.msk [tilespmem:v2+s18+$0x0], $0xffff;
	v8 =	vadd.f32 v57, v16;
	[tilespmem:$0x1FDE0] =	vst v26;
	v57 =	vadd.s32 v26, v55;
	v26 =	vmov v51  }
0x261: {  	v55 =	vadd.s32 v62, v23;
	v11 =	vadd.f32 v11, v20;
	v34 =	vld.idx.msk [tilespmem:v7+s14+$0x0], $0xffff;
	v7 =	vor.u32 v19, v31  }
0x262: {  	v0 =	vadd.f32 v0, v22;
	v10 =	vld.idx.msk [tilespmem:v10+s18+$0x0], $0xffff;
	v19 =	vadd.s32 v62, v38;
	v62 =	vor.u32 v37, v42  }
0x263: {  	v33 =	vld.idx.msk [tilespmem:v13+s14+$0x0], $0xffff;
	[tilespmem:v12+s24+$0x0] =	vst.idx.msk $0xffff, v8;
	v12 =	vor.u32 v56, v57;
	v57 =	vor.u32 v18, v27  }
0x264: {  	v8 =	vor.u32 v53, v45;
	v56 =	vadd.s32 v51, v44;
	[tilespmem:v9+s24+$0x0] =	vst.idx.msk $0xffff, v11;
	v13 =	vld.idx.msk [tilespmem:v35+s18+$0x0], $0xffff  }
0x265: {  	v51 =	vor.u32 v58, v41;
	[tilespmem:v49+s24+$0x0] =	vst.idx.msk $0xffff, v0;
	v0 =	vadd.f32 v5, v36;
	v61 =	vld.idx.msk [tilespmem:v61+s18+$0x0], $0xffff  }
0x266: {  	v35 =	vshll.u32 v1, $0x7;
	v49 =	vor.u32 v60, v27;
	v58 =	vld.idx.msk [tilespmem:v6+s18+$0x0], $0xffff;
	v1 =	vadd.f32 v2, v21  }
0x267: {  	v60 =	vor.u32 v15, v25;
	[tilespmem:v3+s24+$0x0] =	vst.idx.msk $0xffff, v0;
	v2 =	vld.idx.msk [tilespmem:v4+s18+$0x0], $0xffff;
	v5 =	vadd.f32 v10, v34  }
0x268: {  	v3 =	vld.idx.msk [tilespmem:v63+s18+$0x0], $0xffff;
	v63 =	vor.u32 v15, v30;
	[tilespmem:v57+s24+$0x0] =	vst.idx.msk $0xffff, v1;
	v1 =	vadd.s32 v28, v46  }
0x269: {  	v53 =	vld.idx.msk [tilespmem:v7+s18+$0x0], $0xffff;
	v57 =	vor.u32 v18, v54;
	v0 =	vadd.f32 v13, v16;
	v13 =	vlaneseq.u32  }
0x26a: {  	s0 =	simm.s32 $0x8;
	v41 =	vld.idx.msk [tilespmem:v12+s14+$0x0], $0xffff;
	[tilespmem:v8+s24+$0x0] =	vst.idx.msk $0xffff, v5;
	v5 =	vor.u32 v26, v31;
	v4 =	vor.u32 v13, v39  }
.LBB2_7:
0x26b: {  	v32 =	vld [tilespmem:$0x1FFB0]  }
0x26c: {  	v6 =	vld.idx.msk [tilespmem:v59+s18+$0x0], $0xffff  }
0x26d: {  	v14 =	vld [tilespmem:$0x1FF40]  }
0x26e: {  	v28 =	vld [tilespmem:$0x1FF90]  }
0x26f: {  	v15 =	vld [tilespmem:$0x1FF20]  }
0x270: {  	v18 =	vld [tilespmem:$0x1FF30]  }
0x271: {  	v9 =	vadd.f32 v53, v33;
	v53 =	vmov v19;
	v19 =	vld [tilespmem:$0x1FF50]  }
0x272: {  	v26 =	vld [tilespmem:$0x1FF60]  }
0x273: {  	v29 =	vld [tilespmem:$0x1FFA0]  }
0x274: {  	v10 =	vor.u32 v13, v35;
	v37 =	vld [tilespmem:$0x1FFD0];
	[tilespmem:v60+s24+$0x0] =	vst.idx.msk $0xffff, v0  }
0x275: {  	v60 =	vld [tilespmem:$0x1FF70];
	[tilespmem:v4+s24+$0x0] =	vst.idx.msk $0xffff, v9;
	v0 =	vadd.f32 v61, v20;
	v13 =	vor.u32 v18, v39  }
0x276: {  	v48 =	vld.idx.msk [tilespmem:v55+s18+$0x0], $0xffff;
	v12 =	vadd.f32 v58, v22;
	v11 =	vor.u32 v19, v27;
	[tilespmem:$0x1FD70] =	vst v13  }
0x277: {  	v5 =	vld.idx.msk [tilespmem:v5+s18+$0x0], $0xffff;
	v2 =	vadd.f32 v2, v41;
	[tilespmem:v63+s24+$0x0] =	vst.idx.msk $0xffff, v0  }
0x278: {  	v13 =	vor.u32 v26, v25;
	v0 =	vadd.f32 v3, v36;
	[tilespmem:v57+s24+$0x0] =	vst.idx.msk $0xffff, v12;
	v63 =	vld [tilespmem:$0x1FF80]  }
0x279: {  	v6 =	vadd.f32 v6, v21;
	v3 =	vld.idx.msk [tilespmem:v47+s18+$0x0], $0xffff;
	[tilespmem:v10+s24+$0x0] =	vst.idx.msk $0xffff, v2  }
0x27a: {  	v4 =	vadd.s32 v28, v38;
	v2 =	vld.idx.msk [tilespmem:v40+s18+$0x0], $0xffff;
	[tilespmem:v62+s24+$0x0] =	vst.idx.msk $0xffff, v0  }
0x27b: {  	v1 =	vld.idx.msk [tilespmem:v1+s18+$0x0], $0xffff;
	[tilespmem:v11+s24+$0x0] =	vst.idx.msk $0xffff, v6;
	v6 =	vadd.f32 v48, v16  }
0x27c: {  	v7 =	vadd.s32 v14, v17;
	v11 =	vld.idx.msk [tilespmem:v56+s18+$0x0], $0xffff  }
0x27d: {  	v12 =	vor.u32 v19, v25;
	v25 =	vor.u32 v63, v39;
	[tilespmem:v13+s24+$0x0] =	vst.idx.msk $0xffff, v6;
	v6 =	vld [tilespmem:$0x1FD80]  }
0x27e: {  	v10 =	vor.u32 v26, v30;
	v40 =	vor.u32 v29, v31;
	v48 =	vmov v43;
	v43 =	vld [tilespmem:$0x1FFE0]  }
0x27f: {  	v27 =	vmov v42;
	v42 =	vadd.s32 v60, v24;
	v0 =	vld.idx.msk [tilespmem:v4+s18+$0x0], $0xffff  }
0x280: {  	v61 =	vld [tilespmem:$0x1FFC0];
	v54 =	vadd.s32 v32, v46;
	v8 =	vadd.s32 v14, v23;
	v17 =	vmovc v46;
	v5 =	vadd.f32 v5, v33  }
0x281: {  	v23 =	vmovc v44;
	v57 =	vadd.s32 v29, v38;
	v62 =	vld [tilespmem:$0x1FF10];
	v44 =	vor.u32 v63, v35;
	v3 =	vadd.f32 v3, v20  }
0x282: {  	v9 =	vor.u32 v37, v27;
	v7 =	vld.idx.msk [tilespmem:v7+s18+$0x0], $0xffff;
	v2 =	vadd.f32 v2, v22;
	[tilespmem:v25+s24+$0x0] =	vst.idx.msk $0xffff, v5  }
0x283: {  	[tilespmem:v10+s24+$0x0] =	vst.idx.msk $0xffff, v3;
	v46 =	vadd.s32 v43, v17;
	v25 =	vmov v45;
	v40 =	vld.idx.msk [tilespmem:v40+s18+$0x0], $0xffff  }
0x284: {  	v0 =	vadd.f32 v0, v41;
	v45 =	vor.u32 v63, v25;
	[tilespmem:v52+s24+$0x0] =	vst.idx.msk $0xffff, v2;
	v2 =	vld.idx.msk [tilespmem:v42+s18+$0x0], $0xffff  }
0x285: {  	v1 =	vadd.f32 v1, v36;
	v6 =	vld.idx.msk [tilespmem:v6+s18+$0x0], $0xffff  }
0x286: {  	v52 =	vor.u32 v37, v39;
	[tilespmem:v44+s24+$0x0] =	vst.idx.msk $0xffff, v0;
	v0 =	vld.idx.msk [tilespmem:v51+s18+$0x0], $0xffff  }
0x287: {  	v55 =	vor.u32 v15, v30;
	v11 =	vadd.f32 v11, v34;
	[tilespmem:v9+s24+$0x0] =	vst.idx.msk $0xffff, v1;
	v1 =	vld.idx.msk [tilespmem:v57+s18+$0x0], $0xffff  }
0x288: {  	s2 =	smov.u32 s0;
	v3 =	vor.u32 v19, v30;
	v5 =	vadd.s32 v43, v23;
	v13 =	vor.u32 v43, v31;
	v9 =	vld.idx.msk [tilespmem:v46+s18+$0x0], $0xffff  }
0x289: {  	v59 =	vlaneseq.u32;
	s3 =	sand.u32 $0xF, s2;
	v46 =	vld [tilespmem:$0x1FDD0];
	[tilespmem:v45+s24+$0x0] =	vst.idx.msk $0xffff, v11;
	v11 =	vadd.s32 v14, v24;
	v24 =	vadd.f32 v40, v33  }
0x28a: {  	s6 =	sadd.s32 $0x1, s3;
	v42 =	vor.u32 v37, v35;
	v40 =	vor.u32 v37, v25;
	v37 =	vld [tilespmem:$0x1FDB0];
	v6 =	vadd.f32 v6, v16  }
0x28b: {  	v7 =	vadd.f32 v7, v21;
	v30 =	vld.idx.msk [tilespmem:v50+s18+$0x0], $0xffff;
	v50 =	vadd.s32 s6, v59;
	[tilespmem:v52+s24+$0x0] =	vst.idx.msk $0xffff, v24  }
0x28c: {  	v2 =	vadd.f32 v2, v20;
	v52 =	vshrl.u32 v50, $0x4;
	[tilespmem:v12+s24+$0x0] =	vst.idx.msk $0xffff, v6;
	v12 =	vadd.s32 v43, v38;
	v43 =	vld [tilespmem:$0x1FDE0]  }
0x28d: {  	[tilespmem:v49+s24+$0x0] =	vst.idx.msk $0xffff, v7;
	v45 =	vld [tilespmem:$0x1FDA0];
	v6 =	vshll.u32 v52, $0x4  }
0x28e: {  	s10 =	sand.u32 $0x30, s2;
	v21 =	vor.u32 v62, v27;
	[tilespmem:v3+s24+$0x0] =	vst.idx.msk $0xffff, v2;
	v2 =	vsub.s32 v50, v6  }
0x28f: {  	v7 =	vadd.s32 v61, v17;
	v22 =	vadd.f32 v0, v22;
	v13 =	vld.idx.msk [tilespmem:v13+s18+$0x0], $0xffff;
	v0 =	vmovc v46;
	v2 =	vadd.s32 s10, v2  }
0x290: {  	v4 =	vor.u32 v62, v39;
	v1 =	vadd.f32 v1, v41;
	v49 =	vmovc v37;
	[tilespmem:$0x1FDA0] =	vst v0;
	v37 =	vld [tilespmem:$0x1FFF0];
	v0 =	vand.u32 $0xFFFFFF80, v2  }
0x291: {  	s7 =	sadd.s32 $0x2, s3;
	[tilespmem:$0x1FD80] =	vst v49;
	v6 =	vadd.f32 v9, v36;
	v9 =	vld.idx.msk [tilespmem:v11+s18+$0x0], $0xffff;
	v49 =	vand.u32 $0x7F, v2;
	v50 =	vadd.s32 v43, v0  }
0x292: {  	v58 =	vor.u32 v18, v27;
	v51 =	vadd.s32 s7, v59;
	[tilespmem:v42+s24+$0x0] =	vst.idx.msk $0xffff, v1;
	v1 =	vor.u32 v49, v50;
	v50 =	vld [tilespmem:$0x1FD90]  }
0x293: {  	v47 =	vor.u32 v61, v31;
	v24 =	vshrl.u32 v51, $0x4;
	v8 =	vld.idx.msk [tilespmem:v8+s18+$0x0], $0xffff;
	[tilespmem:v21+s24+$0x0] =	vst.idx.msk $0xffff, v6  }
0x294: {  	v57 =	vmovc v39;
	v39 =	vshll.u32 v24, $0x4;
	v46 =	vor.u32 v49, v0;
	v7 =	vld.idx.msk [tilespmem:v7+s18+$0x0], $0xffff;
	v0 =	vadd.f32 v13, v33  }
0x295: {  	v56 =	vadd.s32 v61, v23;
	v3 =	vsub.s32 v51, v39;
	[tilespmem:v45+s24+$0x0] =	vst.idx.msk $0xffff, v22  }
0x296: {  	s3 =	sadd.s32 $0x3, s3;
	v3 =	vadd.s32 s10, v3;
	v6 =	vadd.f32 v30, v34;
	[tilespmem:v4+s24+$0x0] =	vst.idx.msk $0xffff, v0;
	v0 =	vadd.s32 v37, v46  }
0x297: {  	v45 =	vshll.u32 v3, $0x7;
	v21 =	vmovc v36;
	v30 =	vand.u32 $0x7F, v3;
	v36 =	vadd.s32 s3, v59  }
0x298: {  	v42 =	vshll.u32 v2, $0x7;
	v2 =	vand.u32 $0xFFFFFF80, v3;
	[tilespmem:v40+s24+$0x0] =	vst.idx.msk $0xffff, v6;
	v51 =	vadd.f32 v8, v16  }
0x299: {  	s2 =	sand.u32 $0xC, s2;
	v10 =	vor.u32 v59, v45;
	v44 =	vor.u32 v30, v2;
	v4 =	vld.idx.msk [tilespmem:v5+s18+$0x0], $0xffff;
	v3 =	vadd.f32 v7, v21  }
0x29a: {  	v52 =	vadd.s32 s2, v59;
	v16 =	vmovc v34;
	v34 =	vadd.s32 v43, v2;
	v2 =	vshrl.u32 v36, $0x4;
	[tilespmem:v50+s24+$0x0] =	vst.idx.msk $0xffff, v51;
	v51 =	vld [tilespmem:$0x1FDC0]  }
0x29b: {  	v40 =	vmov v48;
	v48 =	vor.u32 v59, v42;
	v2 =	vshll.u32 v2, $0x4;
	v0 =	vld.idx.msk [tilespmem:v0+s18+$0x0], $0xffff;
	[tilespmem:v58+s24+$0x0] =	vst.idx.msk $0xffff, v3  }
0x29c: {  	v11 =	vadd.s32 v28, v46;
	v59 =	vadd.s32 v60, v17;
	v2 =	vsub.s32 v36, v2;
	v36 =	vld.idx.msk [tilespmem:v1+s14+$0x0], $0xffff  }
0x29d: {  	v24 =	vmovc v38;
	v8 =	vand.u32 $0xF, v52;
	v49 =	vadd.s32 v60, v44;
	v5 =	vadd.f32 v9, v20  }
0x29e: {  	v52 =	vor.u32 v62, v25;
	v20 =	vmovc v41;
	v41 =	vadd.s32 v61, v24;
	v2 =	vadd.s32 s10, v2  }
0x29f: {  	[tilespmem:v55+s24+$0x0] =	vst.idx.msk $0xffff, v5;
	v7 =	vor.u32 v15, v45;
	v61 =	vand.u32 $0x7F, v2;
	v1 =	vand.u32 $0xFFFFFF80, v2;
	v6 =	vmovc v51  }
0x2a0: {  	[tilespmem:$0x1FD90] =	vst v6;
	v6 =	vor.u32 s10, v8;
	v8 =	vor.u32 v30, v34;
	v30 =	vmovc v35;
	v35 =	vshll.u32 v2, $0x7;
	v2 =	vld [tilespmem:$0x1FD70]  }
0x2a1: {  	v22 =	vmov v33;
	[tilespmem:$0x1FDC0] =	vst v7;
	v7 =	vld.idx.msk [tilespmem:v47+s18+$0x0], $0xffff;
	v0 =	vadd.f32 v0, v36;
	v55 =	vor.u32 v43, v6  }
0x2a2: {  	[tilespmem:$0x1FDB0] =	vst v49;
	v9 =	vadd.s32 v37, v44;
	v49 =	vor.u32 v15, v27;
	v5 =	vld.idx.msk [tilespmem:v12+s18+$0x0], $0xffff;
	v39 =	vshll.u32 v6, $0x7  }
0x2a3: {  	v4 =	vadd.f32 v4, v16;
	v12 =	vld.idx.msk [tilespmem:v54+s18+$0x0], $0xffff;
	[tilespmem:v48+s24+$0x0] =	vst.idx.msk $0xffff, v0;
	v3 =	vor.u32 v15, v39  }
0x2a4: {  	v50 =	vadd.s32 v29, v44;
	v38 =	vor.u32 v61, v1;
	[tilespmem:$0x1FDD0] =	vst v3;
	v3 =	vor.u32 v32, v31  }
0x2a5: {  	v13 =	vor.u32 v62, v30;
	v62 =	vadd.s32 v43, v1;
	v1 =	vor.u32 v37, v6;
	v34 =	vld.idx.msk [tilespmem:v8+s14+$0x0], $0xffff  }
0x2a6: {  	v51 =	vor.u32 v14, v31;
	[tilespmem:v52+s24+$0x0] =	vst.idx.msk $0xffff, v4;
	v4 =	vadd.f32 v7, v22;
	v33 =	vld.idx.msk [tilespmem:v55+s14+$0x0], $0xffff  }
0x2a7: {  	v37 =	vadd.s32 v37, v38;
	v43 =	vor.u32 v60, v6;
	v8 =	vor.u32 v61, v62;
	v9 =	vld.idx.msk [tilespmem:v9+s18+$0x0], $0xffff  }
0x2a8: {  	v7 =	vld.idx.msk [tilespmem:v56+s18+$0x0], $0xffff;
	[tilespmem:v2+s24+$0x0] =	vst.idx.msk $0xffff, v4;
	v4 =	vor.u32 v26, v27;
	v2 =	vadd.f32 v5, v20  }
0x2a9: {  	p0 =	slt.u32 s0, $0x3C;
	v47 =	vmovc v53;
	v60 =	vor.u32 v18, v25;
	v31 =	vmov v6;
	v52 =	vor.u32 v19, v57;
	v58 =	vld.idx.msk [tilespmem:v3+s18+$0x0], $0xffff  }
.Ltmp2:
0x2aa: {  	v19 =	vadd.s32 v32, v38;
	v62 =	vor.u32 v63, v42;
	v53 =	vld.idx.msk [tilespmem:v1+s18+$0x0], $0xffff;
	[tilespmem:v13+s24+$0x0] =	vst.idx.msk $0xffff, v2;
	(pc) =	sbr.rel @p0 .LBB2_7-.Ltmp2, $4  }
0x2ab: {  	v57 =	vor.u32 v26, v57;
	v63 =	vor.u32 v18, v30;
	v1 =	vadd.f32 v12, v21;
	v61 =	vld.idx.msk [tilespmem:v41+s18+$0x0], $0xffff  }
0x2ac: {  	v56 =	vadd.s32 v28, v44;
	v55 =	vadd.s32 v32, v23;
	v6 =	vadd.f32 v9, v34;
	v2 =	vld.idx.msk [tilespmem:v37+s18+$0x0], $0xffff  }
0x2ad: {  	v5 =	vor.u32 v28, v31;
	v13 =	vlaneseq.u32;
	v0 =	vadd.f32 v7, v16;
	v41 =	vld.idx.msk [tilespmem:v8+s14+$0x0], $0xffff;
	[tilespmem:v4+s24+$0x0] =	vst.idx.msk $0xffff, v1  }
0x2ae: {  	s0 =	sadd.s32 $0x4, s0;
	v4 =	vor.u32 v13, v39;
	v1 =	vadd.s32 v29, v46;
	[tilespmem:v10+s24+$0x0] =	vst.idx.msk $0xffff, v6;
	v3 =	vld.idx.msk [tilespmem:v11+s18+$0x0], $0xffff  }
0x2af: {  	_ = 	snop  }
0x2b0: {  	v48 =	vld [tilespmem:$0x1FF90]  }
0x2b1: {  	v6 =	vadd.f32 v53, v33;
	_ =	sdelay $0x1  }
0x2b2: {  	v7 =	vor.u32 v13, v35;
	[tilespmem:v4+s24+$0x0] =	vst.idx.msk $0xffff, v6  }
0x2b3: {  	v14 =	vld [tilespmem:$0x1FF80]  }
0x2b4: {  	v8 =	vadd.s32 v48, v38  }
0x2b5: {  	v2 =	vadd.f32 v2, v41  }
0x2b6: {  	v4 =	vld.idx.msk [tilespmem:v5+s18+$0x0], $0xffff  }
0x2b7: {  	v5 =	vld.idx.msk [tilespmem:v56+s18+$0x0], $0xffff;
	[tilespmem:v7+s24+$0x0] =	vst.idx.msk $0xffff, v2  }
0x2b8: {  	v53 =	vld [tilespmem:$0x1FFA0];
	v6 =	vor.u32 v14, v39  }
0x2b9: {  	v32 =	vadd.f32 v3, v36;
	v7 =	vld.idx.msk [tilespmem:v8+s18+$0x0], $0xffff;
	v8 =	vor.u32 v14, v45;
	_ =	sdelay $0x1  }
0x2ba: {  	[tilespmem:v62+s24+$0x0] =	vst.idx.msk $0xffff, v32;
	v62 =	vadd.f32 v4, v33  }
0x2bb: {  	v5 =	vadd.f32 v5, v34  }
0x2bc: {  	[tilespmem:v6+s24+$0x0] =	vst.idx.msk $0xffff, v62  }
0x2bd: {  	v37 =	vor.u32 v53, v31;
	v54 =	vld [tilespmem:$0x1FFD0];
	[tilespmem:v8+s24+$0x0] =	vst.idx.msk $0xffff, v5  }
0x2be: {  	v62 =	vld [tilespmem:$0x1FFE0];
	_ =	sdelay $0x1  }
0x2bf: {  	v1 =	vld.idx.msk [tilespmem:v1+s18+$0x0], $0xffff  }
0x2c0: {  	v4 =	vor.u32 v14, v35  }
0x2c1: {  	v9 =	vadd.s32 v53, v38;
	v3 =	vld.idx.msk [tilespmem:v37+s18+$0x0], $0xffff;
	v18 =	vor.u32 v54, v42  }
0x2c2: {  	v6 =	vadd.f32 v7, v41;
	v7 =	vld.idx.msk [tilespmem:v50+s18+$0x0], $0xffff;
	v5 =	vadd.s32 v62, v46  }
0x2c3: {  	v8 =	vor.u32 v54, v39  }
0x2c4: {  	v1 =	vadd.f32 v1, v36;
	v26 =	vor.u32 v54, v45  }
0x2c5: {  	[tilespmem:v4+s24+$0x0] =	vst.idx.msk $0xffff, v6  }
0x2c6: {  	v6 =	vld.idx.msk [tilespmem:v9+s18+$0x0], $0xffff;
	v28 =	vadd.f32 v3, v33;
	[tilespmem:v18+s24+$0x0] =	vst.idx.msk $0xffff, v1  }
0x2c7: {  	[tilespmem:v60+s24+$0x0] =	vst.idx.msk $0xffff, v0;
	v50 =	vadd.f32 v61, v20;
	v32 =	vld.idx.msk [tilespmem:v5+s18+$0x0], $0xffff;
	v5 =	vadd.f32 v7, v34  }
0x2c8: {  	v29 =	vor.u32 v54, v35;
	v4 =	vor.u32 v62, v31;
	[tilespmem:v8+s24+$0x0] =	vst.idx.msk $0xffff, v28  }
0x2c9: {  	[tilespmem:v26+s24+$0x0] =	vst.idx.msk $0xffff, v5  }
0x2ca: {  	v10 =	vadd.s32 v62, v44;
	v60 =	vld [tilespmem:$0x1FF10];
	[tilespmem:v63+s24+$0x0] =	vst.idx.msk $0xffff, v50  }
0x2cb: {  	v6 =	vadd.f32 v6, v41;
	v18 =	vld [tilespmem:$0x1FFC0];
	_ =	sdelay $0x1  }
0x2cc: {  	v4 =	vld.idx.msk [tilespmem:v4+s18+$0x0], $0xffff;
	[tilespmem:v29+s24+$0x0] =	vst.idx.msk $0xffff, v6  }
0x2cd: {  	v50 =	vld [tilespmem:$0x1FF50]  }
0x2ce: {  	v37 =	vadd.s32 v62, v38;
	v7 =	vld.idx.msk [tilespmem:v10+s18+$0x0], $0xffff;
	v5 =	vor.u32 v60, v42  }
0x2cf: {  	v61 =	vor.u32 v60, v39;
	v56 =	vadd.s32 v18, v46  }
0x2d0: {  	v11 =	vadd.f32 v58, v22;
	v6 =	vor.u32 v60, v45  }
0x2d1: {  	v0 =	vadd.f32 v32, v36  }
0x2d2: {  	v8 =	vld.idx.msk [tilespmem:v59+s18+$0x0], $0xffff;
	[tilespmem:v57+s24+$0x0] =	vst.idx.msk $0xffff, v11;
	v26 =	vor.u32 v50, v27;
	v27 =	vadd.f32 v4, v33  }
0x2d3: {  	v3 =	vld.idx.msk [tilespmem:v37+s18+$0x0], $0xffff;
	v7 =	vadd.f32 v7, v34;
	[tilespmem:v5+s24+$0x0] =	vst.idx.msk $0xffff, v0  }
0x2d4: {  	[tilespmem:v61+s24+$0x0] =	vst.idx.msk $0xffff, v27;
	v1 =	vld.idx.msk [tilespmem:v56+s18+$0x0], $0xffff  }
0x2d5: {  	v15 =	vld [tilespmem:$0x1FF30];
	[tilespmem:v6+s24+$0x0] =	vst.idx.msk $0xffff, v7  }
0x2d6: {  	v63 =	vor.u32 v18, v31;
	v61 =	vld [tilespmem:$0x1FFB0]  }
0x2d7: {  	v12 =	vadd.s32 v18, v44;
	v56 =	vld [tilespmem:$0x1FF60]  }
0x2d8: {  	v4 =	vor.u32 v60, v35  }
0x2d9: {  	v5 =	vadd.s32 v18, v38  }
0x2da: {  	v28 =	vld.idx.msk [tilespmem:v55+s18+$0x0], $0xffff;
	v8 =	vadd.f32 v8, v21  }
0x2db: {  	v3 =	vadd.f32 v3, v41;
	v2 =	vld.idx.msk [tilespmem:v63+s18+$0x0], $0xffff;
	v29 =	vor.u32 v15, v42  }
0x2dc: {  	[tilespmem:v26+s24+$0x0] =	vst.idx.msk $0xffff, v8;
	v8 =	vld.idx.msk [tilespmem:v12+s18+$0x0], $0xffff;
	v6 =	vadd.s32 v61, v46;
	v7 =	vor.u32 v56, v25  }
0x2dd: {  	v37 =	vld.idx.msk [tilespmem:v47+s18+$0x0], $0xffff;
	[tilespmem:v4+s24+$0x0] =	vst.idx.msk $0xffff, v3;
	v32 =	vor.u32 v15, v39  }
0x2de: {  	v5 =	vld.idx.msk [tilespmem:v5+s18+$0x0], $0xffff;
	v1 =	vadd.f32 v1, v36;
	v4 =	vor.u32 v15, v45;
	v47 =	vor.u32 v61, v31  }
0x2df: {  	v11 =	vadd.f32 v28, v16;
	v12 =	vor.u32 v56, v30;
	v13 =	vadd.s32 v61, v44  }
0x2e0: {  	v55 =	vld.idx.msk [tilespmem:v40+s18+$0x0], $0xffff;
	v59 =	vadd.f32 v2, v33;
	v63 =	vor.u32 v15, v35;
	[tilespmem:v29+s24+$0x0] =	vst.idx.msk $0xffff, v1  }
0x2e1: {  	[tilespmem:v7+s24+$0x0] =	vst.idx.msk $0xffff, v11;
	v6 =	vld.idx.msk [tilespmem:v6+s18+$0x0], $0xffff;
	v7 =	vadd.f32 v8, v34  }
0x2e2: {  	[tilespmem:v32+s24+$0x0] =	vst.idx.msk $0xffff, v59;
	v11 =	vadd.f32 v37, v20  }
0x2e3: {  	v5 =	vadd.f32 v5, v41;
	v3 =	vld.idx.msk [tilespmem:v47+s18+$0x0], $0xffff;
	[tilespmem:v4+s24+$0x0] =	vst.idx.msk $0xffff, v7;
	v4 =	vor.u32 v56, v42  }
0x2e4: {  	[tilespmem:v12+s24+$0x0] =	vst.idx.msk $0xffff, v11;
	v7 =	vld.idx.msk [tilespmem:v13+s18+$0x0], $0xffff  }
0x2e5: {  	v0 =	vadd.f32 v55, v22;
	v8 =	vor.u32 v56, v39;
	v59 =	vld [tilespmem:$0x1FF70];
	[tilespmem:v63+s24+$0x0] =	vst.idx.msk $0xffff, v5  }
0x2e6: {  	v28 =	vld.idx.msk [tilespmem:v19+s18+$0x0], $0xffff;
	v5 =	vadd.f32 v6, v36;
	v6 =	vor.u32 v56, v45  }
0x2e7: {  	[tilespmem:v52+s24+$0x0] =	vst.idx.msk $0xffff, v0  }
0x2e8: {  	v0 =	vld [tilespmem:$0x1FD80];
	v3 =	vadd.f32 v3, v33;
	[tilespmem:v4+s24+$0x0] =	vst.idx.msk $0xffff, v5;
	v4 =	vor.u32 v56, v35  }
0x2e9: {  	v7 =	vadd.f32 v7, v34  }
0x2ea: {  	[tilespmem:v8+s24+$0x0] =	vst.idx.msk $0xffff, v3  }
0x2eb: {  	v52 =	vld [tilespmem:$0x1FF40];
	[tilespmem:v6+s24+$0x0] =	vst.idx.msk $0xffff, v7;
	v6 =	vadd.f32 v28, v41;
	_ =	sdelay $0x1  }
0x2ec: {  	[tilespmem:v4+s24+$0x0] =	vst.idx.msk $0xffff, v6  }
0x2ed: {  	v26 =	vadd.s32 v59, v24;
	v11 =	vld [tilespmem:$0x1FDB0]  }
0x2ee: {  	v27 =	vadd.s32 v59, v46  }
0x2ef: {  	v0 =	vld.idx.msk [tilespmem:v0+s18+$0x0], $0xffff;
	_ =	sdelay $0x1  }
0x2f0: {  	v5 =	vor.u32 v50, v25;
	v29 =	vadd.s32 v59, v38  }
0x2f1: {  	v32 =	vadd.s32 v52, v17;
	v1 =	vld.idx.msk [tilespmem:v26+s18+$0x0], $0xffff  }
0x2f2: {  	v2 =	vld.idx.msk [tilespmem:v27+s18+$0x0], $0xffff  }
0x2f3: {  	v8 =	vor.u32 v50, v30;
	v37 =	vld.idx.msk [tilespmem:v43+s18+$0x0], $0xffff;
	v7 =	vadd.s32 v52, v23;
	v0 =	vadd.f32 v0, v16  }
0x2f4: {  	v6 =	vor.u32 v50, v42;
	v4 =	vadd.s32 v52, v24;
	v11 =	vld.idx.msk [tilespmem:v11+s18+$0x0], $0xffff  }
0x2f5: {  	v39 =	vor.u32 v50, v39;
	v10 =	vld.idx.msk [tilespmem:v29+s18+$0x0], $0xffff;
	[tilespmem:v5+s24+$0x0] =	vst.idx.msk $0xffff, v0;
	v5 =	vadd.s32 v52, v46  }
0x2f6: {  	v13 =	vor.u32 v50, v45;
	v3 =	vld.idx.msk [tilespmem:v32+s18+$0x0], $0xffff;
	v1 =	vadd.f32 v1, v20  }
0x2f7: {  	v43 =	vor.u32 v50, v35;
	v40 =	vadd.s32 v52, v44;
	v2 =	vadd.f32 v2, v36  }
0x2f8: {  	[tilespmem:v8+s24+$0x0] =	vst.idx.msk $0xffff, v1;
	v44 =	vld.idx.msk [tilespmem:v7+s18+$0x0], $0xffff;
	v7 =	vadd.f32 v37, v33;
	v8 =	vadd.s32 v52, v38  }
0x2f9: {  	[tilespmem:v6+s24+$0x0] =	vst.idx.msk $0xffff, v2;
	v45 =	vld.idx.msk [tilespmem:v4+s18+$0x0], $0xffff;
	v4 =	vadd.f32 v11, v34  }
0x2fa: {  	[tilespmem:v39+s24+$0x0] =	vst.idx.msk $0xffff, v7;
	v46 =	vld.idx.msk [tilespmem:v5+s18+$0x0], $0xffff;
	v5 =	vadd.f32 v10, v41  }
0x2fb: {  	v3 =	vadd.f32 v3, v21;
	[tilespmem:v13+s24+$0x0] =	vst.idx.msk $0xffff, v4  }
0x2fc: {  	v37 =	vld [tilespmem:$0x1FF20];
	[tilespmem:v43+s24+$0x0] =	vst.idx.msk $0xffff, v5  }
0x2fd: {  	[tilespmem:v49+s24+$0x0] =	vst.idx.msk $0xffff, v3;
	v49 =	vld.idx.msk [tilespmem:v8+s18+$0x0], $0xffff  }
0x2fe: {  	v8 =	vld [tilespmem:$0x1FDA0]  }
0x2ff: {  	v17 =	vld.idx.msk [tilespmem:v51+s18+$0x0], $0xffff;
	_ =	sdelay $0x4  }
0x300: {  	v5 =	vadd.f32 v17, v22;
	_ =	sdelay $0x1  }
0x301: {  	[tilespmem:v8+s24+$0x0] =	vst.idx.msk $0xffff, v5  }
0x302: {  	v5 =	vld [tilespmem:$0x1FD90]  }
0x303: {  	v4 =	vor.u32 v37, v30  }
0x304: {  	v7 =	vor.u32 v37, v42;
	_ =	sdelay $0x1  }
0x305: {  	v2 =	vadd.f32 v45, v20  }
0x306: {  	v12 =	vor.u32 v52, v31;
	v0 =	vadd.f32 v46, v36  }
0x307: {  	v1 =	vadd.f32 v44, v16;
	[tilespmem:v4+s24+$0x0] =	vst.idx.msk $0xffff, v2  }
0x308: {  	[tilespmem:v7+s24+$0x0] =	vst.idx.msk $0xffff, v0  }
0x309: {  	[tilespmem:v5+s24+$0x0] =	vst.idx.msk $0xffff, v1  }
0x30a: {  	v4 =	vld [tilespmem:$0x1FDD0]  }
0x30b: {  	v6 =	vld.idx.msk [tilespmem:v12+s18+$0x0], $0xffff;
	_ =	sdelay $0x4  }
0x30c: {  	v55 =	vadd.f32 v6, v33;
	_ =	sdelay $0x1  }
0x30d: {  	[tilespmem:v4+s24+$0x0] =	vst.idx.msk $0xffff, v55  }
0x30e: {  	v63 =	vld [tilespmem:$0x1FDC0]  }
0x30f: {  	v47 =	vld.idx.msk [tilespmem:v40+s18+$0x0], $0xffff  }
0x310: {  	v51 =	vor.u32 v37, v35  }
0x311: {  	s30 =	sadd.s32 $0x1, s30  }
0x312: {  	p0 =	sne.s32 s30, $0x42  }
.Ltmp3:
0x313: {  	s0 =	sshll.u32 s31, $0x12;
	v58 =	vadd.f32 v49, v41;
	(pc) =	sbr.rel @p0 .LBB2_2-.Ltmp3, $4  }
0x314: {  	s0 =	sor.u32 s5, s0;
	v57 =	vadd.f32 v47, v34  }
0x315: {  	s0 =	sshrl.u32 s0, $0x3;
	[tilespmem:v51+s24+$0x0] =	vst.idx.msk $0xffff, v58  }
0x316: {  	s0 =	sadd.s32 s1, s0;
	[tilespmem:v63+s24+$0x0] =	vst.idx.msk $0xffff, v57  }
0x317: {  	v12 =	vmovc v50;
	v13 =	vlaneseq.u32;
	v47 =	vmov v18;
	v55 =	vmov v14;
	[hbm4b:s0+s11] =	stream.strided.scatter [tilespmem:s24], [sflag:$0x6], $0x2000, s12, s11, $0x38;
	v6 =	vld [tilespmem:$0x1FFF0]  }
0x318: {  	s0 =	simm.s32 $0x0  }
0x319: {  	s2 =	sand.u32 $0xF, s0  }
0x31a: {  	s3 =	sadd.s32 $0x2, s2  }
0x31b: {  	s6 =	sadd.s32 $0x1, s2;
	v0 =	vadd.s32 s3, v13  }
0x31c: {  	v1 =	vadd.s32 s6, v13;
	v2 =	vshrl.u32 v0, $0x4  }
0x31d: {  	v3 =	vshrl.u32 v1, $0x4;
	v2 =	vshll.u32 v2, $0x4  }
0x31e: {  	s7 =	sand.u32 $0x30, s0;
	v3 =	vshll.u32 v3, $0x4;
	v0 =	vsub.s32 v0, v2  }
0x31f: {  	_ =	swait.ge [sflag:s19], $0x4000;
	s0 =	sand.u32 $0xC, s0;
	v1 =	vsub.s32 v1, v3;
	v23 =	vadd.s32 s7, v0  }
0x320: {  	[sflag:s19] =	ssyncset.done $0x0;
	s2 =	sadd.s32 $0x3, s2;
	v0 =	vadd.s32 s0, v13;
	v20 =	vadd.s32 s7, v1;
	v1 =	vadd.s32 v6, v23  }
0x321: {  	[sflag:s19] =	ssyncadd.s32 $0xFFFFC000;
	v2 =	vadd.s32 s2, v13;
	v0 =	vand.u32 $0xF, v0;
	v3 =	vadd.s32 $0x6300, v20  }
0x322: {  	_ =	swait.ge [sflag:s25], $0x2000;
	v5 =	vshrl.u32 v2, $0x4;
	v4 =	vadd.s32 v6, v20;
	v49 =	vor.u32 s7, v0  }
0x323: {  	[sflag:s25] =	ssyncset.done $0x0;
	v0 =	vshll.u32 v5, $0x4;
	v5 =	vor.u32 v6, v49  }
0x324: {  	[sflag:s25] =	ssyncadd.s32 $0xFFFFE000;
	v0 =	vsub.s32 v2, v0;
	v2 =	vor.u32 $0x6300, v49  }
0x325: {  	v32 =	vmov v6;
	v41 =	vadd.s32 $0x6300, v23;
	v29 =	vadd.s32 s7, v0;
	v0 =	vld.idx.msk [tilespmem:v1+s16+$0x0], $0xffff  }
0x326: {  	v1 =	vadd.s32 v32, v29;
	v44 =	vld.idx.msk [tilespmem:v3+s14+$0x0], $0xffff  }
0x327: {  	v3 =	vadd.s32 $0x6300, v29;
	v4 =	vld.idx.msk [tilespmem:v4+s16+$0x0], $0xffff  }
0x328: {  	v5 =	vld.idx.msk [tilespmem:v5+s16+$0x0], $0xffff  }
0x329: {  	v51 =	vshll.u32 v20, $0x7;
	v17 =	vld.idx.msk [tilespmem:v2+s14+$0x0], $0xffff  }
0x32a: {  	v7 =	vor.u32 v13, v51;
	v26 =	vshll.u32 v49, $0x7;
	v16 =	vld.idx.msk [tilespmem:v41+s14+$0x0], $0xffff  }
0x32b: {  	v36 =	vshll.u32 v23, $0x7;
	v46 =	vor.u32 v13, v26;
	v2 =	vadd.s32 v48, v20;
	v1 =	vld.idx.msk [tilespmem:v1+s16+$0x0], $0xffff  }
0x32c: {  	v8 =	vor.u32 v13, v36;
	v18 =	vld.idx.msk [tilespmem:v3+s14+$0x0], $0xffff;
	v3 =	vadd.f32 v4, v44;
	v4 =	vor.u32 v48, v49  }
0x32d: {  	v9 =	vadd.s32 v48, v23;
	v24 =	vshll.u32 v29, $0x7  }
0x32e: {  	v10 =	vor.u32 v13, v24;
	v5 =	vadd.f32 v5, v17  }
0x32f: {  	v0 =	vadd.f32 v0, v16;
	[tilespmem:v7+s20+$0x0] =	vst.idx.msk $0xffff, v3  }
0x330: {  	v2 =	vld.idx.msk [tilespmem:v2+s16+$0x0], $0xffff;
	[tilespmem:v46+s20+$0x0] =	vst.idx.msk $0xffff, v5  }
0x331: {  	v3 =	vadd.s32 v48, v29;
	[tilespmem:v8+s20+$0x0] =	vst.idx.msk $0xffff, v0;
	v0 =	vadd.f32 v1, v18;
	v1 =	vld.idx.msk [tilespmem:v4+s16+$0x0], $0xffff  }
0x332: {  	v5 =	vor.u32 v55, v51;
	v4 =	vld.idx.msk [tilespmem:v9+s16+$0x0], $0xffff  }
0x333: {  	[tilespmem:v10+s20+$0x0] =	vst.idx.msk $0xffff, v0;
	v0 =	vor.u32 v55, v26  }
0x334: {  	v50 =	vadd.s32 v53, v20;
	v58 =	vor.u32 v55, v36  }
0x335: {  	s8 =	simm.s32 $0x4;
	v57 =	vor.u32 v53, v49;
	v2 =	vadd.f32 v2, v44  }
0x336: {  	s9 =	sand.u32 $0xF, s8;
	v3 =	vld.idx.msk [tilespmem:v3+s16+$0x0], $0xffff;
	v1 =	vadd.f32 v1, v17  }
0x337: {  	v19 =	vlaneseq.u32;
	s10 =	sadd.s32 $0x2, s9;
	v63 =	vadd.s32 v53, v23;
	[tilespmem:v5+s20+$0x0] =	vst.idx.msk $0xffff, v2;
	v4 =	vadd.f32 v4, v16  }
0x338: {  	v22 =	vadd.s32 s10, v19;
	v2 =	vor.u32 v55, v24;
	[tilespmem:v0+s20+$0x0] =	vst.idx.msk $0xffff, v1  }
0x339: {  	s30 =	sadd.s32 $0x1, s9;
	v11 =	vadd.s32 v53, v29;
	v5 =	vld.idx.msk [tilespmem:v50+s16+$0x0], $0xffff;
	[tilespmem:v58+s20+$0x0] =	vst.idx.msk $0xffff, v4;
	v4 =	vor.u32 v37, v36  }
0x33a: {  	v25 =	vadd.s32 s30, v19;
	v27 =	vshrl.u32 v22, $0x4;
	v1 =	vld.idx.msk [tilespmem:v57+s16+$0x0], $0xffff;
	[tilespmem:$0x1FCE0] =	vst v4;
	v4 =	vadd.s32 v52, v29  }
0x33b: {  	v28 =	vshrl.u32 v25, $0x4;
	v33 =	vor.u32 v37, v26;
	v0 =	vadd.f32 v3, v18;
	[tilespmem:$0x1FCF0] =	vst v4  }
0x33c: {  	v27 =	vshll.u32 v27, $0x4;
	s2 =	sadd.s32 $0x3, s9;
	v45 =	vadd.s32 v59, v20;
	v3 =	vor.u32 v54, v51;
	v4 =	vld.idx.msk [tilespmem:v63+s16+$0x0], $0xffff;
	[tilespmem:$0x1FD00] =	vst v33  }
0x33d: {  	v30 =	vadd.s32 s2, v19;
	v34 =	vadd.s32 v62, v20;
	v14 =	vadd.s32 v62, v23;
	[tilespmem:v2+s20+$0x0] =	vst.idx.msk $0xffff, v0  }
0x33e: {  	v31 =	vadd.s32 v61, v23;
	v42 =	vor.u32 v60, v36;
	v35 =	vor.u32 v62, v49;
	v6 =	vld.idx.msk [tilespmem:v11+s16+$0x0], $0xffff  }
0x33f: {  	v13 =	vadd.s32 v62, v29;
	v0 =	vor.u32 v54, v26;
	v5 =	vadd.f32 v5, v44  }
0x340: {  	v21 =	vor.u32 v60, v24;
	v10 =	vor.u32 v54, v36;
	v11 =	vor.u32 v54, v24  }
0x341: {  	v46 =	vshll.u32 v28, $0x4;
	v50 =	vadd.s32 v61, v20;
	v63 =	vor.u32 v15, v51;
	[tilespmem:v3+s20+$0x0] =	vst.idx.msk $0xffff, v5  }
0x342: {  	s31 =	sand.u32 $0x30, s8;
	v2 =	vor.u32 v60, v26;
	v54 =	vsub.s32 v22, v27;
	v1 =	vadd.f32 v1, v17;
	v7 =	vld.idx.msk [tilespmem:v34+s16+$0x0], $0xffff  }
0x343: {  	s0 =	sand.u32 $0xC, s8;
	v3 =	vadd.s32 v47, v20;
	v38 =	vadd.s32 s31, v54;
	v6 =	vadd.f32 v6, v18  }
0x344: {  	v57 =	vadd.s32 s0, v19;
	v5 =	vor.u32 v60, v51;
	v58 =	vadd.s32 v32, v38;
	[tilespmem:v0+s20+$0x0] =	vst.idx.msk $0xffff, v1  }
0x345: {  	v9 =	vmovc v37;
	v22 =	vadd.s32 $0x6300, v38;
	v37 =	vshll.u32 v38, $0x7;
	[tilespmem:v11+s20+$0x0] =	vst.idx.msk $0xffff, v6;
	v6 =	vsub.s32 v25, v46  }
0x346: {  	v4 =	vadd.f32 v4, v16;
	v0 =	vand.u32 $0xF, v57;
	v8 =	vld.idx.msk [tilespmem:v35+s16+$0x0], $0xffff;
	v40 =	vadd.s32 s31, v6  }
0x347: {  	v33 =	vor.u32 s31, v0;
	v7 =	vadd.f32 v7, v44;
	v13 =	vld.idx.msk [tilespmem:v13+s16+$0x0], $0xffff;
	v43 =	vadd.s32 v59, v40  }
0x348: {  	v57 =	vor.u32 v53, v33;
	v25 =	vshrl.u32 v30, $0x4;
	v1 =	vadd.s32 $0x6300, v40;
	[tilespmem:$0x1FD10] =	vst v43  }
0x349: {  	v0 =	vshll.u32 v25, $0x4;
	v25 =	vadd.s32 v47, v29;
	v62 =	vadd.s32 v32, v40;
	[tilespmem:v5+s20+$0x0] =	vst.idx.msk $0xffff, v7  }
0x34a: {  	v39 =	vor.u32 $0x6300, v33;
	v0 =	vsub.s32 v30, v0;
	[tilespmem:v10+s20+$0x0] =	vst.idx.msk $0xffff, v4;
	v4 =	vor.u32 v9, v37  }
0x34b: {  	v34 =	vshll.u32 v40, $0x7;
	v41 =	vadd.s32 s31, v0;
	v8 =	vadd.f32 v8, v17;
	v3 =	vld.idx.msk [tilespmem:v3+s16+$0x0], $0xffff;
	[tilespmem:$0x1FD20] =	vst v4  }
0x34c: {  	v0 =	vadd.s32 v52, v23;
	v46 =	vadd.f32 v13, v18;
	v13 =	vor.u32 v32, v33;
	v54 =	vld.idx.msk [tilespmem:v14+s16+$0x0], $0xffff  }
0x34d: {  	v5 =	vadd.s32 v32, v41;
	v7 =	vor.u32 v19, v37;
	[tilespmem:v2+s20+$0x0] =	vst.idx.msk $0xffff, v8;
	v27 =	vld.idx.msk [tilespmem:v1+s14+$0x0], $0xffff  }
0x34e: {  	v10 =	vor.u32 v15, v36;
	v32 =	vadd.s32 v52, v41;
	v1 =	vld.idx.msk [tilespmem:v62+s16+$0x0], $0xffff;
	[tilespmem:v21+s20+$0x0] =	vst.idx.msk $0xffff, v46  }
0x34f: {  	v4 =	vld.idx.msk [tilespmem:v58+s16+$0x0], $0xffff;
	v58 =	vor.u32 v47, v49;
	v8 =	vadd.s32 v47, v23;
	v46 =	vadd.s32 $0x6300, v41;
	[tilespmem:$0x1FD30] =	vst v0  }
0x350: {  	v47 =	vor.u32 v15, v24;
	v62 =	vor.u32 v19, v34;
	v0 =	vor.u32 v52, v49;
	v35 =	vld.idx.msk [tilespmem:v22+s14+$0x0], $0xffff  }
0x351: {  	v21 =	vadd.s32 v48, v38;
	v43 =	vld.idx.msk [tilespmem:v13+s16+$0x0], $0xffff;
	[tilespmem:$0x1FD40] =	vst v0;
	v0 =	vor.u32 v9, v51  }
0x352: {  	v14 =	vadd.f32 v3, v44;
	v6 =	vadd.f32 v54, v16;
	v39 =	vld.idx.msk [tilespmem:v39+s14+$0x0], $0xffff;
	[tilespmem:$0x1FD50] =	vst v0  }
0x353: {  	v22 =	vadd.s32 v48, v41;
	v13 =	vadd.s32 v48, v40;
	v1 =	vadd.f32 v1, v27;
	v28 =	vld.idx.msk [tilespmem:v5+s16+$0x0], $0xffff  }
0x354: {  	[tilespmem:v42+s20+$0x0] =	vst.idx.msk $0xffff, v6;
	v42 =	vld.idx.msk [tilespmem:v46+s14+$0x0], $0xffff;
	v46 =	vshll.u32 v41, $0x7;
	v0 =	vmov v48;
	v48 =	vshll.u32 v33, $0x7  }
0x355: {  	[tilespmem:v63+s20+$0x0] =	vst.idx.msk $0xffff, v14;
	v6 =	vld.idx.msk [tilespmem:v8+s16+$0x0], $0xffff;
	v2 =	vor.u32 v19, v48;
	v4 =	vadd.f32 v4, v35  }
0x356: {  	v3 =	vmov v53;
	v53 =	vor.u32 v15, v26;
	v14 =	vor.u32 v19, v46;
	[tilespmem:v62+s20+$0x0] =	vst.idx.msk $0xffff, v1  }
0x357: {  	v8 =	vor.u32 v0, v33;
	v1 =	vor.u32 v9, v48;
	[tilespmem:v7+s20+$0x0] =	vst.idx.msk $0xffff, v4  }
0x358: {  	v15 =	vor.u32 v9, v24;
	v5 =	vmov v55;
	v11 =	vld.idx.msk [tilespmem:v25+s16+$0x0], $0xffff;
	v0 =	vadd.f32 v43, v39;
	[tilespmem:$0x1FD60] =	vst v1  }
0x359: {  	v63 =	vor.u32 v56, v51;
	v55 =	vor.u32 v61, v49;
	v1 =	vadd.f32 v28, v42;
	v4 =	vld.idx.msk [tilespmem:v50+s16+$0x0], $0xffff  }
0x35a: {  	v62 =	vld.idx.msk [tilespmem:v13+s16+$0x0], $0xffff;
	v6 =	vadd.f32 v6, v16;
	v50 =	vor.u32 v12, v36;
	[tilespmem:v2+s20+$0x0] =	vst.idx.msk $0xffff, v0  }
0x35b: {  	v19 =	vmov v17;
	v13 =	vmov v59;
	v59 =	vld.idx.msk [tilespmem:v21+s16+$0x0], $0xffff;
	v21 =	vadd.s32 v3, v40;
	[tilespmem:v14+s20+$0x0] =	vst.idx.msk $0xffff, v1  }
0x35c: {  	v1 =	vor.u32 v5, v34;
	v49 =	vor.u32 v13, v49;
	v0 =	vmovc v12;
	v12 =	vmov v56;
	v2 =	vld.idx.msk [tilespmem:v8+s16+$0x0], $0xffff  }
0x35d: {  	v56 =	vor.u32 v0, v51;
	v51 =	vadd.s32 v52, v20;
	v20 =	vld.idx.msk [tilespmem:v58+s16+$0x0], $0xffff;
	v58 =	vadd.f32 v11, v18  }
0x35e: {  	[tilespmem:v10+s20+$0x0] =	vst.idx.msk $0xffff, v6;
	v0 =	vadd.s32 v61, v29;
	v61 =	vld.idx.msk [tilespmem:v22+s16+$0x0], $0xffff;
	v52 =	vor.u32 v12, v26  }
0x35f: {  	s0 =	simm.s32 $0x8;
	v22 =	vor.u32 v5, v48;
	v3 =	vadd.f32 v4, v44;
	[tilespmem:v47+s20+$0x0] =	vst.idx.msk $0xffff, v58;
	v58 =	vld.idx.msk [tilespmem:v31+s16+$0x0], $0xffff  }
.LBB2_10:
0x360: {  	[tilespmem:$0x1FCC0] =	vst v15;
	v15 =	vld [tilespmem:$0x1FF80];
	_ =	sdelay $0x3  }
0x361: {  	v30 =	vld [tilespmem:$0x1FF60]  }
0x362: {  	v14 =	vld [tilespmem:$0x1FFA0];
	v5 =	vor.u32 v15, v37  }
0x363: {  	v31 =	vld [tilespmem:$0x1FF70];
	v2 =	vadd.f32 v2, v39  }
0x364: {  	v0 =	vld.idx.msk [tilespmem:v0+s16+$0x0], $0xffff;
	[tilespmem:v63+s20+$0x0] =	vst.idx.msk $0xffff, v3;
	v4 =	vadd.f32 v62, v27  }
0x365: {  	v6 =	vld.idx.msk [tilespmem:v45+s16+$0x0], $0xffff;
	[tilespmem:v22+s20+$0x0] =	vst.idx.msk $0xffff, v2;
	v2 =	vadd.f32 v59, v35  }
0x366: {  	v45 =	vld [tilespmem:$0x1FFD0];
	v9 =	vor.u32 v15, v46;
	[tilespmem:v1+s20+$0x0] =	vst.idx.msk $0xffff, v4  }
0x367: {  	v7 =	vor.u32 v30, v36;
	v1 =	vadd.s32 v14, v38;
	[tilespmem:v5+s20+$0x0] =	vst.idx.msk $0xffff, v2;
	v2 =	vld [tilespmem:$0x1FD10]  }
0x368: {  	v28 =	vld [tilespmem:$0x1FF50]  }
0x369: {  	v25 =	vld [tilespmem:$0x1FFE0];
	v12 =	vadd.f32 v61, v42;
	v3 =	vadd.s32 v31, v23  }
0x36a: {  	v22 =	vadd.f32 v20, v19;
	v20 =	vadd.f32 v58, v16;
	v4 =	vld.idx.msk [tilespmem:v21+s16+$0x0], $0xffff  }
0x36b: {  	v10 =	vadd.s32 v14, v41;
	v13 =	vld.idx.msk [tilespmem:v57+s16+$0x0], $0xffff;
	[tilespmem:v9+s20+$0x0] =	vst.idx.msk $0xffff, v12  }
0x36c: {  	v54 =	vmov v40;
	v21 =	vor.u32 v45, v34;
	v1 =	vld.idx.msk [tilespmem:v1+s16+$0x0], $0xffff;
	[tilespmem:v7+s20+$0x0] =	vst.idx.msk $0xffff, v20;
	v5 =	vmov v2  }
0x36d: {  	v8 =	vor.u32 v30, v24;
	v12 =	vor.u32 v28, v24;
	v24 =	vld [tilespmem:$0x1FD30];
	[tilespmem:$0x1FCD0] =	vst v5;
	v5 =	vor.u32 v45, v48  }
0x36e: {  	v11 =	vadd.s32 v31, v29;
	v29 =	vadd.s32 v25, v54;
	v3 =	vld.idx.msk [tilespmem:v3+s16+$0x0], $0xffff  }
0x36f: {  	v4 =	vadd.f32 v4, v27  }
0x370: {  	v23 =	vmov v38;
	[tilespmem:v53+s20+$0x0] =	vst.idx.msk $0xffff, v22;
	v38 =	vld.idx.msk [tilespmem:v10+s16+$0x0], $0xffff;
	v13 =	vadd.f32 v13, v39  }
0x371: {  	v43 =	vld [tilespmem:$0x1FFB0];
	[tilespmem:v21+s20+$0x0] =	vst.idx.msk $0xffff, v4;
	v2 =	vadd.f32 v6, v44  }
0x372: {  	v22 =	vor.u32 v45, v46;
	v10 =	vld.idx.msk [tilespmem:v55+s16+$0x0], $0xffff;
	[tilespmem:v5+s20+$0x0] =	vst.idx.msk $0xffff, v13  }
0x373: {  	v40 =	vadd.s32 v25, v41;
	v5 =	vld.idx.msk [tilespmem:v29+s16+$0x0], $0xffff;
	[tilespmem:v56+s20+$0x0] =	vst.idx.msk $0xffff, v2;
	v2 =	vadd.f32 v3, v16  }
0x374: {  	v17 =	vld [tilespmem:$0x1FF30];
	v0 =	vadd.f32 v0, v18;
	v47 =	vor.u32 v25, v33  }
0x375: {  	v53 =	vld [tilespmem:$0x1FFC0];
	v7 =	vadd.f32 v38, v42;
	[tilespmem:v50+s20+$0x0] =	vst.idx.msk $0xffff, v2  }
0x376: {  	v9 =	vor.u32 v45, v37;
	[tilespmem:v8+s20+$0x0] =	vst.idx.msk $0xffff, v0;
	v55 =	vld.idx.msk [tilespmem:v24+s16+$0x0], $0xffff  }
0x377: {  	v4 =	vld.idx.msk [tilespmem:v11+s16+$0x0], $0xffff;
	[tilespmem:v22+s20+$0x0] =	vst.idx.msk $0xffff, v7  }
0x378: {  	s2 =	smov.u32 s0;
	v63 =	vor.u32 v28, v26;
	v59 =	vmov v34;
	v11 =	vld.idx.msk [tilespmem:v40+s16+$0x0], $0xffff  }
0x379: {  	s3 =	sand.u32 $0xF, s2;
	v20 =	vor.u32 v60, v48;
	v8 =	vadd.s32 v25, v23;
	v1 =	vadd.f32 v1, v35;
	v6 =	vld.idx.msk [tilespmem:v47+s16+$0x0], $0xffff  }
0x37a: {  	s6 =	sadd.s32 $0x1, s3;
	v3 =	vor.u32 v60, v59;
	v13 =	vor.u32 v60, v46;
	v21 =	vld.idx.msk [tilespmem:v51+s16+$0x0], $0xffff;
	v47 =	vmovc v19;
	v19 =	vlaneseq.u32  }
0x37b: {  	s7 =	sadd.s32 $0x2, s3;
	v51 =	vmovc v39;
	v39 =	vmov v18;
	v2 =	vadd.s32 s6, v19;
	[tilespmem:v9+s20+$0x0] =	vst.idx.msk $0xffff, v1;
	v1 =	vadd.f32 v55, v16;
	v55 =	vld [tilespmem:$0x1FCE0]  }
0x37c: {  	v57 =	vadd.s32 s7, v19;
	v4 =	vadd.f32 v4, v39;
	v45 =	vshrl.u32 v2, $0x4;
	v24 =	vmovc v46;
	v46 =	vld [tilespmem:$0x1FD60]  }
0x37d: {  	s3 =	sadd.s32 $0x3, s3;
	v61 =	vmovc v33;
	v10 =	vadd.f32 v10, v47;
	v22 =	vshrl.u32 v57, $0x4;
	v7 =	vshll.u32 v45, $0x4;
	v45 =	vld [tilespmem:$0x1FFF0]  }
0x37e: {  	s31 =	sand.u32 $0xC, s2;
	v0 =	vadd.s32 v53, v54;
	v50 =	vadd.s32 s3, v19;
	v22 =	vshll.u32 v22, $0x4;
	[tilespmem:v12+s20+$0x0] =	vst.idx.msk $0xffff, v4;
	v12 =	vmovc v32;
	v32 =	vld [tilespmem:$0x1FF40]  }
0x37f: {  	s2 =	sand.u32 $0x30, s2;
	v25 =	vadd.s32 s31, v19;
	[tilespmem:v52+s20+$0x0] =	vst.idx.msk $0xffff, v10;
	v2 =	vsub.s32 v2, v7;
	v33 =	vsub.s32 v57, v22;
	v22 =	vld [tilespmem:$0x1FD00]  }
0x380: {  	v5 =	vadd.f32 v5, v27;
	v57 =	vand.u32 $0xF, v25;
	v40 =	vadd.s32 s2, v2;
	v2 =	vld.idx.msk [tilespmem:v49+s16+$0x0], $0xffff  }
0x381: {  	v26 =	vmovc v48;
	v48 =	vshrl.u32 v50, $0x4;
	v38 =	vadd.s32 s2, v33;
	v33 =	vor.u32 s2, v57;
	v57 =	vld [tilespmem:$0x1FD20]  }
0x382: {  	v49 =	vshll.u32 v48, $0x4;
	v48 =	vld [tilespmem:$0x1FD50];
	[tilespmem:v3+s20+$0x0] =	vst.idx.msk $0xffff, v5  }
0x383: {  	v3 =	vadd.s32 $0x6300, v40;
	[tilespmem:v55+s20+$0x0] =	vst.idx.msk $0xffff, v1;
	v1 =	vld [tilespmem:$0x1FCF0]  }
0x384: {  	v62 =	vor.u32 v60, v37;
	v58 =	vadd.s32 v43, v54;
	v56 =	vor.u32 v17, v59;
	v0 =	vld.idx.msk [tilespmem:v0+s16+$0x0], $0xffff  }
0x385: {  	v60 =	vadd.s32 v43, v23;
	v25 =	vmovc v46;
	v46 =	vadd.f32 v21, v44;
	v21 =	vld [tilespmem:$0x1FD40];
	v5 =	vadd.s32 v45, v40  }
0x386: {  	v36 =	vmovc v37;
	v18 =	vmov v42;
	v42 =	vadd.s32 v31, v40;
	v4 =	vsub.s32 v50, v49;
	[tilespmem:$0x1FD00] =	vst v25;
	v25 =	vld [tilespmem:$0x1FF20]  }
0x387: {  	v50 =	vld [tilespmem:$0x1FF90];
	[tilespmem:$0x1FD10] =	vst v42;
	v16 =	vmovc v35;
	v9 =	vor.u32 v45, v33;
	v35 =	vmov v57;
	v2 =	vadd.f32 v2, v47  }
0x388: {  	v29 =	vmov v41;
	v52 =	vadd.f32 v11, v18;
	v6 =	vadd.f32 v6, v51;
	[tilespmem:$0x1FCE0] =	vst v35;
	v3 =	vld.idx.msk [tilespmem:v3+s14+$0x0], $0xffff  }
0x389: {  	v34 =	vshll.u32 v40, $0x7;
	v37 =	vshll.u32 v38, $0x7;
	v44 =	vmovc v27;
	v42 =	vadd.s32 v45, v38;
	[tilespmem:v63+s20+$0x0] =	vst.idx.msk $0xffff, v2;
	v63 =	vld [tilespmem:$0x1FCC0]  }
0x38a: {  	v7 =	vmov v22;
	v22 =	vadd.s32 $0x6300, v38;
	v57 =	vor.u32 v14, v33;
	[tilespmem:v20+s20+$0x0] =	vst.idx.msk $0xffff, v6;
	v5 =	vld.idx.msk [tilespmem:v5+s16+$0x0], $0xffff  }
0x38b: {  	v0 =	vadd.f32 v0, v27;
	v41 =	vor.u32 v25, v37;
	[tilespmem:v48+s20+$0x0] =	vst.idx.msk $0xffff, v46;
	v1 =	vld.idx.msk [tilespmem:v1+s16+$0x0], $0xffff  }
0x38c: {  	v49 =	vadd.s32 v50, v40;
	v20 =	vor.u32 v19, v34;
	[tilespmem:$0x1FD20] =	vst v41;
	v41 =	vadd.s32 s2, v4;
	v6 =	vld.idx.msk [tilespmem:v9+s16+$0x0], $0xffff  }
0x38d: {  	v4 =	vadd.s32 v53, v29;
	v9 =	vadd.s32 v53, v23;
	[tilespmem:v56+s20+$0x0] =	vst.idx.msk $0xffff, v0;
	v21 =	vld.idx.msk [tilespmem:v21+s16+$0x0], $0xffff  }
0x38e: {  	v2 =	vor.u32 $0x6300, v33;
	v56 =	vor.u32 v28, v59;
	[tilespmem:$0x1FCF0] =	vst v12;
	v55 =	vor.u32 v32, v61;
	v8 =	vld.idx.msk [tilespmem:v8+s16+$0x0], $0xffff  }
0x38f: {  	v48 =	vshll.u32 v33, $0x7;
	v12 =	vadd.s32 v45, v41;
	v10 =	vld.idx.msk [tilespmem:v42+s16+$0x0], $0xffff;
	v42 =	vadd.s32 v32, v23;
	[tilespmem:$0x1FD40] =	vst v55  }
0x390: {  	v11 =	vadd.s32 $0x6300, v41;
	v45 =	vadd.s32 v32, v41;
	v27 =	vmovc v3;
	[tilespmem:$0x1FD30] =	vst v42;
	v1 =	vadd.f32 v1, v39  }
0x391: {  	v35 =	vld.idx.msk [tilespmem:v22+s14+$0x0], $0xffff;
	v22 =	vor.u32 v19, v37;
	v5 =	vadd.f32 v5, v27;
	[tilespmem:v13+s20+$0x0] =	vst.idx.msk $0xffff, v52  }
0x392: {  	v0 =	vadd.f32 v21, v47;
	v47 =	vld.idx.msk [tilespmem:v58+s16+$0x0], $0xffff;
	[tilespmem:v63+s20+$0x0] =	vst.idx.msk $0xffff, v1;
	v1 =	vor.u32 v25, v59  }
0x393: {  	v46 =	vshll.u32 v41, $0x7;
	v55 =	vor.u32 v43, v61;
	v39 =	vld.idx.msk [tilespmem:v2+s14+$0x0], $0xffff;
	[tilespmem:$0x1FD50] =	vst v1;
	v1 =	vadd.f32 v8, v16  }
0x394: {  	v3 =	vor.u32 v19, v48;
	[tilespmem:v20+s20+$0x0] =	vst.idx.msk $0xffff, v5;
	v5 =	vor.u32 v17, v36;
	v8 =	vld.idx.msk [tilespmem:v12+s16+$0x0], $0xffff  }
0x395: {  	v21 =	vadd.s32 v14, v40;
	v2 =	vadd.s32 v50, v38;
	v42 =	vld.idx.msk [tilespmem:v11+s14+$0x0], $0xffff;
	[tilespmem:v62+s20+$0x0] =	vst.idx.msk $0xffff, v1  }
0x396: {  	v10 =	vadd.f32 v10, v35;
	v13 =	vor.u32 v53, v61;
	v11 =	vor.u32 v50, v33;
	v9 =	vld.idx.msk [tilespmem:v9+s16+$0x0], $0xffff  }
0x397: {  	v52 =	vadd.s32 v50, v41;
	[tilespmem:v7+s20+$0x0] =	vst.idx.msk $0xffff, v0;
	v12 =	vor.u32 v19, v46;
	v4 =	vld.idx.msk [tilespmem:v4+s16+$0x0], $0xffff  }
0x398: {  	v19 =	vmovc v51;
	v51 =	vadd.s32 v32, v54;
	v32 =	vmov v45;
	v45 =	vld [tilespmem:$0x1FCD0];
	v0 =	vadd.f32 v6, v39  }
0x399: {  	v63 =	vor.u32 v30, v59;
	v1 =	vor.u32 v25, v48;
	v62 =	vld.idx.msk [tilespmem:v49+s16+$0x0], $0xffff;
	[tilespmem:v22+s20+$0x0] =	vst.idx.msk $0xffff, v10  }
0x39a: {  	p0 =	slt.u32 s0, $0x3C;
	v10 =	vor.u32 v17, v24;
	[tilespmem:v3+s20+$0x0] =	vst.idx.msk $0xffff, v0;
	v59 =	vld.idx.msk [tilespmem:v2+s16+$0x0], $0xffff;
	v3 =	vadd.f32 v8, v42  }
.Ltmp4:
0x39b: {  	v53 =	vor.u32 v17, v26;
	[tilespmem:$0x1FD60] =	vst v1;
	v2 =	vld.idx.msk [tilespmem:v11+s16+$0x0], $0xffff;
	v58 =	vadd.f32 v9, v16;
	(pc) =	sbr.rel @p0 .LBB2_10-.Ltmp4, $4  }
0x39c: {  	v50 =	vor.u32 v28, v36;
	v49 =	vor.u32 v31, v61;
	v20 =	vld.idx.msk [tilespmem:v13+s16+$0x0], $0xffff;
	[tilespmem:v12+s20+$0x0] =	vst.idx.msk $0xffff, v3  }
0x39d: {  	v1 =	vor.u32 v15, v34;
	v4 =	vadd.f32 v4, v18;
	v61 =	vld.idx.msk [tilespmem:v52+s16+$0x0], $0xffff;
	[tilespmem:v5+s20+$0x0] =	vst.idx.msk $0xffff, v58  }
0x39e: {  	v22 =	vor.u32 v15, v48;
	v15 =	vor.u32 v25, v24;
	v0 =	vadd.s32 v43, v29;
	v58 =	vld.idx.msk [tilespmem:v60+s16+$0x0], $0xffff  }
0x39f: {  	s0 =	sadd.s32 $0x4, s0;
	v3 =	vadd.f32 v47, v44;
	v52 =	vor.u32 v30, v26;
	[tilespmem:v10+s20+$0x0] =	vst.idx.msk $0xffff, v4;
	v60 =	vld [tilespmem:$0x1FF10]  }
0x3a0: {  	v25 =	vld [tilespmem:$0x1FF80];
	_ =	sdelay $0x3  }
0x3a1: {  	v28 =	vld [tilespmem:$0x1FFA0]  }
0x3a2: {  	v4 =	vor.u32 v25, v37  }
0x3a3: {  	v9 =	vadd.f32 v62, v27;
	v6 =	vor.u32 v25, v46  }
0x3a4: {  	v2 =	vadd.f32 v2, v39  }
0x3a5: {  	v8 =	vadd.f32 v59, v35;
	[tilespmem:v1+s20+$0x0] =	vst.idx.msk $0xffff, v9  }
0x3a6: {  	v10 =	vadd.f32 v61, v42;
	[tilespmem:v22+s20+$0x0] =	vst.idx.msk $0xffff, v2;
	v5 =	vadd.s32 v28, v38  }
0x3a7: {  	[tilespmem:v4+s20+$0x0] =	vst.idx.msk $0xffff, v8  }
0x3a8: {  	v4 =	vld.idx.msk [tilespmem:v21+s16+$0x0], $0xffff;
	[tilespmem:v6+s20+$0x0] =	vst.idx.msk $0xffff, v10  }
0x3a9: {  	v7 =	vadd.s32 v28, v41;
	v21 =	vld [tilespmem:$0x1FFD0];
	_ =	sdelay $0x1  }
0x3aa: {  	v1 =	vld.idx.msk [tilespmem:v5+s16+$0x0], $0xffff  }
0x3ab: {  	v14 =	vld [tilespmem:$0x1FFE0];
	_ =	sdelay $0x1  }
0x3ac: {  	v2 =	vld.idx.msk [tilespmem:v7+s16+$0x0], $0xffff;
	v5 =	vor.u32 v21, v37  }
0x3ad: {  	v54 =	vld.idx.msk [tilespmem:v57+s16+$0x0], $0xffff;
	v57 =	vor.u32 v21, v34  }
0x3ae: {  	v62 =	vor.u32 v21, v46  }
0x3af: {  	v59 =	vadd.s32 v14, v38;
	v11 =	vor.u32 v21, v48;
	v1 =	vadd.f32 v1, v35  }
0x3b0: {  	v4 =	vadd.f32 v4, v27  }
0x3b1: {  	v61 =	vadd.s32 v14, v40;
	[tilespmem:v5+s20+$0x0] =	vst.idx.msk $0xffff, v1;
	v1 =	vadd.f32 v2, v42  }
0x3b2: {  	v2 =	vadd.f32 v54, v39;
	[tilespmem:v57+s20+$0x0] =	vst.idx.msk $0xffff, v4  }
0x3b3: {  	v12 =	vadd.s32 v14, v41;
	[tilespmem:v62+s20+$0x0] =	vst.idx.msk $0xffff, v1  }
0x3b4: {  	v13 =	vor.u32 v14, v33;
	v4 =	vld.idx.msk [tilespmem:v59+s16+$0x0], $0xffff;
	[tilespmem:v11+s20+$0x0] =	vst.idx.msk $0xffff, v2  }
0x3b5: {  	v59 =	vld [tilespmem:$0x1FFC0]  }
0x3b6: {  	v5 =	vld.idx.msk [tilespmem:v61+s16+$0x0], $0xffff;
	[tilespmem:v63+s20+$0x0] =	vst.idx.msk $0xffff, v3  }
0x3b7: {  	v54 =	vld [tilespmem:$0x1FF60]  }
0x3b8: {  	v1 =	vor.u32 v60, v37;
	v2 =	vld.idx.msk [tilespmem:v12+s16+$0x0], $0xffff  }
0x3b9: {  	v7 =	vor.u32 v60, v34;
	v6 =	vld.idx.msk [tilespmem:v13+s16+$0x0], $0xffff  }
0x3ba: {  	v9 =	vor.u32 v60, v46;
	v43 =	vadd.s32 v59, v38  }
0x3bb: {  	v10 =	vor.u32 v60, v48;
	v4 =	vadd.f32 v4, v35  }
0x3bc: {  	v5 =	vadd.f32 v5, v27;
	v57 =	vor.u32 v54, v36  }
0x3bd: {  	[tilespmem:v1+s20+$0x0] =	vst.idx.msk $0xffff, v4;
	v2 =	vadd.f32 v2, v42  }
0x3be: {  	v61 =	vld [tilespmem:$0x1FF70];
	[tilespmem:v7+s20+$0x0] =	vst.idx.msk $0xffff, v5;
	v5 =	vadd.f32 v6, v39  }
0x3bf: {  	[tilespmem:v9+s20+$0x0] =	vst.idx.msk $0xffff, v2;
	v6 =	vld.idx.msk [tilespmem:v43+s16+$0x0], $0xffff;
	v43 =	vadd.f32 v58, v16  }
0x3c0: {  	v3 =	vadd.s32 v59, v40;
	[tilespmem:v10+s20+$0x0] =	vst.idx.msk $0xffff, v5  }
0x3c1: {  	v62 =	vld [tilespmem:$0x1FF30];
	[tilespmem:v57+s20+$0x0] =	vst.idx.msk $0xffff, v43  }
0x3c2: {  	v47 =	vadd.s32 v59, v41;
	v31 =	vld [tilespmem:$0x1FFB0]  }
0x3c3: {  	v0 =	vld.idx.msk [tilespmem:v0+s16+$0x0], $0xffff;
	v13 =	vor.u32 v59, v33  }
0x3c4: {  	v1 =	vadd.s32 v61, v23  }
0x3c5: {  	v4 =	vor.u32 v54, v24;
	v3 =	vld.idx.msk [tilespmem:v3+s16+$0x0], $0xffff  }
0x3c6: {  	v5 =	vor.u32 v62, v37  }
0x3c7: {  	v36 =	vadd.f32 v20, v19;
	v2 =	vld.idx.msk [tilespmem:v47+s16+$0x0], $0xffff;
	v47 =	vor.u32 v62, v34;
	v57 =	vadd.s32 v31, v38  }
0x3c8: {  	v0 =	vadd.f32 v0, v18;
	v10 =	vld.idx.msk [tilespmem:v13+s16+$0x0], $0xffff;
	v63 =	vadd.s32 v31, v40  }
0x3c9: {  	[tilespmem:v53+s20+$0x0] =	vst.idx.msk $0xffff, v36;
	v36 =	vor.u32 v62, v46;
	v6 =	vadd.f32 v6, v35;
	v1 =	vld.idx.msk [tilespmem:v1+s16+$0x0], $0xffff  }
0x3ca: {  	v58 =	vld.idx.msk [tilespmem:v45+s16+$0x0], $0xffff;
	[tilespmem:v4+s20+$0x0] =	vst.idx.msk $0xffff, v0;
	v43 =	vor.u32 v62, v48;
	v0 =	vadd.f32 v3, v27  }
0x3cb: {  	v4 =	vld.idx.msk [tilespmem:v55+s16+$0x0], $0xffff;
	[tilespmem:v5+s20+$0x0] =	vst.idx.msk $0xffff, v6  }
0x3cc: {  	v2 =	vadd.f32 v2, v42;
	[tilespmem:v47+s20+$0x0] =	vst.idx.msk $0xffff, v0;
	v0 =	vld.idx.msk [tilespmem:v57+s16+$0x0], $0xffff  }
0x3cd: {  	v55 =	vor.u32 v54, v37;
	v20 =	vadd.s32 v31, v41;
	v5 =	vadd.f32 v10, v39;
	v53 =	vld.idx.msk [tilespmem:v63+s16+$0x0], $0xffff  }
0x3ce: {  	v3 =	vor.u32 v31, v33;
	[tilespmem:v36+s20+$0x0] =	vst.idx.msk $0xffff, v2;
	v1 =	vadd.f32 v1, v16  }
0x3cf: {  	v47 =	vadd.f32 v58, v44;
	[tilespmem:v43+s20+$0x0] =	vst.idx.msk $0xffff, v5;
	v5 =	vor.u32 v54, v34  }
0x3d0: {  	[tilespmem:v50+s20+$0x0] =	vst.idx.msk $0xffff, v1;
	v1 =	vadd.f32 v4, v19  }
0x3d1: {  	[tilespmem:v56+s20+$0x0] =	vst.idx.msk $0xffff, v47;
	v0 =	vadd.f32 v0, v35  }
0x3d2: {  	v45 =	vadd.s32 v61, v29;
	v2 =	vld.idx.msk [tilespmem:v20+s16+$0x0], $0xffff;
	[tilespmem:v52+s20+$0x0] =	vst.idx.msk $0xffff, v1;
	v9 =	vadd.f32 v53, v27  }
0x3d3: {  	v3 =	vld.idx.msk [tilespmem:v3+s16+$0x0], $0xffff;
	[tilespmem:v55+s20+$0x0] =	vst.idx.msk $0xffff, v0  }
0x3d4: {  	v57 =	vadd.s32 v61, v38;
	v4 =	vor.u32 v54, v46;
	v22 =	vld [tilespmem:$0x1FF50];
	[tilespmem:v5+s20+$0x0] =	vst.idx.msk $0xffff, v9  }
0x3d5: {  	v58 =	vor.u32 v54, v48;
	v63 =	vadd.s32 v61, v41;
	v43 =	vld [tilespmem:$0x1FD10];
	_ =	sdelay $0x1  }
0x3d6: {  	v6 =	vld.idx.msk [tilespmem:v45+s16+$0x0], $0xffff;
	v1 =	vor.u32 v61, v33;
	v2 =	vadd.f32 v2, v42  }
0x3d7: {  	v36 =	vld.idx.msk [tilespmem:v49+s16+$0x0], $0xffff;
	v3 =	vadd.f32 v3, v39  }
0x3d8: {  	v5 =	vld.idx.msk [tilespmem:v57+s16+$0x0], $0xffff;
	[tilespmem:v4+s20+$0x0] =	vst.idx.msk $0xffff, v2;
	v0 =	vor.u32 v22, v24  }
0x3d9: {  	[tilespmem:v58+s20+$0x0] =	vst.idx.msk $0xffff, v3;
	v4 =	vld.idx.msk [tilespmem:v63+s16+$0x0], $0xffff;
	v41 =	vor.u32 v22, v26  }
0x3da: {  	v58 =	vld [tilespmem:$0x1FF40];
	v2 =	vor.u32 v22, v37  }
0x3db: {  	v3 =	vadd.f32 v6, v18;
	v1 =	vld.idx.msk [tilespmem:v1+s16+$0x0], $0xffff  }
0x3dc: {  	v49 =	vadd.f32 v36, v19;
	v52 =	vor.u32 v22, v46;
	v8 =	vld.idx.msk [tilespmem:v43+s16+$0x0], $0xffff  }
0x3dd: {  	v10 =	vld [tilespmem:$0x1FD30];
	[tilespmem:v0+s20+$0x0] =	vst.idx.msk $0xffff, v3;
	v0 =	vor.u32 v22, v48;
	v3 =	vadd.f32 v5, v35  }
0x3de: {  	v47 =	vor.u32 v22, v34;
	v5 =	vld [tilespmem:$0x1FCF0];
	[tilespmem:v41+s20+$0x0] =	vst.idx.msk $0xffff, v49  }
0x3df: {  	v11 =	vld [tilespmem:$0x1FD40];
	[tilespmem:v2+s20+$0x0] =	vst.idx.msk $0xffff, v3;
	v2 =	vadd.f32 v4, v42  }
0x3e0: {  	v1 =	vadd.f32 v1, v39  }
0x3e1: {  	v8 =	vadd.f32 v8, v27;
	[tilespmem:v52+s20+$0x0] =	vst.idx.msk $0xffff, v2  }
0x3e2: {  	[tilespmem:v0+s20+$0x0] =	vst.idx.msk $0xffff, v1  }
0x3e3: {  	[tilespmem:v47+s20+$0x0] =	vst.idx.msk $0xffff, v8  }
0x3e4: {  	v0 =	vld [tilespmem:$0x1FCE0]  }
0x3e5: {  	v10 =	vld.idx.msk [tilespmem:v10+s16+$0x0], $0xffff;
	_ =	sdelay $0x2  }
0x3e6: {  	v5 =	vld.idx.msk [tilespmem:v5+s16+$0x0], $0xffff;
	_ =	sdelay $0x1  }
0x3e7: {  	v4 =	vadd.f32 v10, v16;
	_ =	sdelay $0x1  }
0x3e8: {  	v45 =	vadd.s32 v58, v38;
	[tilespmem:v0+s20+$0x0] =	vst.idx.msk $0xffff, v4  }
0x3e9: {  	v0 =	vadd.f32 v5, v18;
	v5 =	vld [tilespmem:$0x1FD50]  }
0x3ea: {  	v20 =	vld.idx.msk [tilespmem:v51+s16+$0x0], $0xffff;
	_ =	sdelay $0x2  }
0x3eb: {  	v3 =	vld.idx.msk [tilespmem:v45+s16+$0x0], $0xffff;
	_ =	sdelay $0x1  }
0x3ec: {  	v2 =	vadd.f32 v20, v44  }
0x3ed: {  	v45 =	vld [tilespmem:$0x1FF20];
	[tilespmem:v15+s20+$0x0] =	vst.idx.msk $0xffff, v0  }
0x3ee: {  	[tilespmem:v5+s20+$0x0] =	vst.idx.msk $0xffff, v2  }
0x3ef: {  	v0 =	vadd.f32 v3, v35;
	v3 =	vld [tilespmem:$0x1FD00]  }
0x3f0: {  	v11 =	vld.idx.msk [tilespmem:v11+s16+$0x0], $0xffff;
	_ =	sdelay $0x4  }
0x3f1: {  	v50 =	vadd.s32 v58, v40;
	v2 =	vadd.f32 v11, v19;
	_ =	sdelay $0x1  }
0x3f2: {  	[tilespmem:v3+s20+$0x0] =	vst.idx.msk $0xffff, v2  }
0x3f3: {  	v3 =	vld [tilespmem:$0x1FD20];
	_ =	sdelay $0x1  }
0x3f4: {  	v55 =	vld.idx.msk [tilespmem:v50+s16+$0x0], $0xffff  }
0x3f5: {  	v56 =	vld.idx.msk [tilespmem:v32+s16+$0x0], $0xffff  }
0x3f6: {  	v1 =	vor.u32 v45, v34  }
0x3f7: {  	v5 =	vor.u32 v45, v46;
	_ =	sdelay $0x1  }
0x3f8: {  	v53 =	vor.u32 v58, v33;
	v2 =	vadd.f32 v55, v27  }
0x3f9: {  	[tilespmem:v3+s20+$0x0] =	vst.idx.msk $0xffff, v0;
	v0 =	vadd.f32 v56, v42  }
0x3fa: {  	[tilespmem:v1+s20+$0x0] =	vst.idx.msk $0xffff, v2  }
0x3fb: {  	[tilespmem:v5+s20+$0x0] =	vst.idx.msk $0xffff, v0  }
0x3fc: {  	v2 =	vld [tilespmem:$0x1FD60]  }
0x3fd: {  	v4 =	vld.idx.msk [tilespmem:v53+s16+$0x0], $0xffff;
	_ =	sdelay $0x4  }
0x3fe: {  	s0 =	simm.s32 $0x0;
	v1 =	vadd.f32 v4, v39  }
0x3ff: {  	s2 =	sand.u32 $0xF, s0  }
0x400: {  	s6 =	sadd.s32 $0x1, s2;
	v43 =	vlaneseq.u32;
	[tilespmem:v2+s20+$0x0] =	vst.idx.msk $0xffff, v1  }
0x401: {  	v1 =	vadd.s32 s6, v43;
	s6 =	rddreg [dreg:$0x6]  }
0x402: {  	[hbm4b:s6+s11] =	stream.strided.scatter [tilespmem:s20], [sflag:$0x4], $0x2000, s12, s11, $0x38;
	[tilespmem:$0x1E800] =	vst v63  }
0x403: {  	s3 =	sadd.s32 $0x2, s2;
	_ =	swait.ge [sflag:s21], $0x4000  }
0x404: {  	v0 =	vadd.s32 s3, v43;
	v3 =	vshrl.u32 v1, $0x4;
	v35 =	vld [tilespmem:$0x1FFF0]  }
0x405: {  	v2 =	vshrl.u32 v0, $0x4;
	v3 =	vshll.u32 v3, $0x4  }
0x406: {  	s7 =	sand.u32 $0x30, s0;
	s2 =	sadd.s32 $0x3, s2;
	v2 =	vshll.u32 v2, $0x4;
	v1 =	vsub.s32 v1, v3  }
0x407: {  	s0 =	sand.u32 $0xC, s0;
	v0 =	vsub.s32 v0, v2;
	v2 =	vadd.s32 s2, v43;
	v47 =	vadd.s32 s7, v1  }
0x408: {  	v23 =	vadd.s32 s7, v0;
	v0 =	vadd.s32 s0, v43;
	[sflag:s21] =	ssyncset.done $0x0;
	v3 =	vadd.s32 $0x6380, v47  }
0x409: {  	v5 =	vshrl.u32 v2, $0x4;
	v0 =	vand.u32 $0xF, v0;
	[sflag:s21] =	ssyncadd.s32 $0xFFFFC000;
	v1 =	vadd.s32 v35, v23  }
0x40a: {  	v49 =	vor.u32 s7, v0;
	v0 =	vshll.u32 v5, $0x4;
	_ =	swait.ge [sflag:s26], $0x2000;
	v4 =	vadd.s32 v35, v47  }
0x40b: {  	v0 =	vsub.s32 v2, v0;
	v2 =	vor.u32 $0x6380, v49;
	[sflag:s26] =	ssyncset.done $0x0  }
0x40c: {  	v15 =	vld [tilespmem:$0x1FF90];
	[sflag:s26] =	ssyncadd.s32 $0xFFFFE000;
	v5 =	vor.u32 v35, v49  }
0x40d: {  	v57 =	vadd.s32 $0x6380, v23;
	v29 =	vadd.s32 s7, v0;
	v19 =	vld.idx.msk [tilespmem:v3+s14+$0x0], $0xffff  }
0x40e: {  	v3 =	vadd.s32 $0x6380, v29;
	v0 =	vld.idx.msk [tilespmem:v1+s17+$0x0], $0xffff  }
0x40f: {  	v1 =	vadd.s32 v35, v29;
	v4 =	vld.idx.msk [tilespmem:v4+s17+$0x0], $0xffff  }
0x410: {  	v17 =	vld.idx.msk [tilespmem:v2+s14+$0x0], $0xffff  }
0x411: {  	v51 =	vshll.u32 v47, $0x7;
	v5 =	vld.idx.msk [tilespmem:v5+s17+$0x0], $0xffff  }
0x412: {  	v63 =	vor.u32 v43, v51;
	v26 =	vshll.u32 v49, $0x7;
	v16 =	vld.idx.msk [tilespmem:v57+s14+$0x0], $0xffff  }
0x413: {  	v36 =	vshll.u32 v23, $0x7;
	v12 =	vor.u32 v43, v26;
	v2 =	vadd.s32 v15, v47;
	v18 =	vld.idx.msk [tilespmem:v3+s14+$0x0], $0xffff  }
0x414: {  	v13 =	vor.u32 v43, v36;
	v1 =	vld.idx.msk [tilespmem:v1+s17+$0x0], $0xffff;
	v3 =	vadd.f32 v4, v19;
	v4 =	vor.u32 v15, v49  }
0x415: {  	v24 =	vshll.u32 v29, $0x7;
	v32 =	vadd.s32 v15, v23  }
0x416: {  	v33 =	vor.u32 v43, v24;
	v5 =	vadd.f32 v5, v17  }
0x417: {  	v0 =	vadd.f32 v0, v16;
	[tilespmem:v63+s22+$0x0] =	vst.idx.msk $0xffff, v3  }
0x418: {  	[tilespmem:v12+s22+$0x0] =	vst.idx.msk $0xffff, v5;
	v2 =	vld.idx.msk [tilespmem:v2+s17+$0x0], $0xffff  }
0x419: {  	[tilespmem:v13+s22+$0x0] =	vst.idx.msk $0xffff, v0;
	v0 =	vadd.f32 v1, v18;
	v1 =	vld.idx.msk [tilespmem:v4+s17+$0x0], $0xffff  }
0x41a: {  	v3 =	vadd.s32 v15, v29;
	v5 =	vor.u32 v25, v51;
	v4 =	vld.idx.msk [tilespmem:v32+s17+$0x0], $0xffff  }
0x41b: {  	[tilespmem:v33+s22+$0x0] =	vst.idx.msk $0xffff, v0;
	v0 =	vor.u32 v25, v26  }
0x41c: {  	v34 =	vadd.s32 v28, v47;
	v38 =	vor.u32 v25, v36  }
0x41d: {  	v37 =	vor.u32 v28, v49;
	v2 =	vadd.f32 v2, v19  }
0x41e: {  	v1 =	vadd.f32 v1, v17  }
0x41f: {  	v3 =	vld.idx.msk [tilespmem:v3+s17+$0x0], $0xffff;
	[tilespmem:v5+s22+$0x0] =	vst.idx.msk $0xffff, v2;
	v4 =	vadd.f32 v4, v16  }
0x420: {  	v44 =	vadd.s32 v28, v23;
	[tilespmem:v0+s22+$0x0] =	vst.idx.msk $0xffff, v1  }
0x421: {  	s8 =	simm.s32 $0x4;
	v2 =	vor.u32 v25, v24;
	v5 =	vld.idx.msk [tilespmem:v34+s17+$0x0], $0xffff;
	[tilespmem:v38+s22+$0x0] =	vst.idx.msk $0xffff, v4;
	v4 =	vadd.s32 v61, v47  }
0x422: {  	s9 =	sand.u32 $0xF, s8;
	v46 =	vadd.s32 v28, v29;
	v1 =	vld.idx.msk [tilespmem:v37+s17+$0x0], $0xffff;
	[tilespmem:$0x1FC20] =	vst v4;
	v4 =	vor.u32 v45, v36  }
0x423: {  	s30 =	sadd.s32 $0x1, s9;
	[tilespmem:$0x1FC30] =	vst v4;
	v4 =	vadd.s32 v58, v29  }
0x424: {  	v27 =	vadd.s32 s30, v43;
	v48 =	vor.u32 v45, v26;
	v0 =	vadd.f32 v3, v18;
	[tilespmem:$0x1FC40] =	vst v4  }
0x425: {  	v30 =	vshrl.u32 v27, $0x4;
	v3 =	vor.u32 v21, v51;
	v4 =	vld.idx.msk [tilespmem:v44+s17+$0x0], $0xffff;
	[tilespmem:$0x1FC50] =	vst v48  }
0x426: {  	s10 =	sadd.s32 $0x2, s9;
	v39 =	vshll.u32 v30, $0x4;
	v55 =	vadd.s32 v14, v23;
	v50 =	vadd.s32 v14, v47;
	[tilespmem:v2+s22+$0x0] =	vst.idx.msk $0xffff, v0  }
0x427: {  	v56 =	vmovc v25;
	v9 =	vadd.s32 v31, v47;
	v10 =	vor.u32 v21, v36;
	v25 =	vadd.s32 s10, v43;
	v6 =	vld.idx.msk [tilespmem:v46+s17+$0x0], $0xffff  }
0x428: {  	v41 =	vmovc v28;
	v52 =	vor.u32 v14, v49;
	v28 =	vshrl.u32 v25, $0x4;
	v5 =	vadd.f32 v5, v19  }
0x429: {  	s0 =	sand.u32 $0xC, s8;
	v20 =	vor.u32 v60, v51;
	v53 =	vor.u32 v21, v24;
	v28 =	vshll.u32 v28, $0x4  }
0x42a: {  	s31 =	sand.u32 $0x30, s8;
	v42 =	vadd.s32 s0, v43;
	v57 =	vadd.s32 v14, v29;
	v40 =	vsub.s32 v25, v28;
	[tilespmem:v3+s22+$0x0] =	vst.idx.msk $0xffff, v5  }
0x42b: {  	v14 =	vadd.s32 v31, v23;
	v38 =	vadd.s32 s31, v40;
	v0 =	vor.u32 v21, v26;
	v7 =	vld.idx.msk [tilespmem:v50+s17+$0x0], $0xffff  }
0x42c: {  	v37 =	vshll.u32 v38, $0x7;
	v44 =	vadd.s32 v35, v38;
	v6 =	vadd.f32 v6, v18  }
0x42d: {  	s2 =	sadd.s32 $0x3, s9;
	v32 =	vor.u32 v43, v37;
	v2 =	vor.u32 v60, v26;
	v21 =	vor.u32 v60, v24  }
0x42e: {  	v63 =	vadd.s32 s2, v43;
	v1 =	vadd.f32 v1, v17;
	[tilespmem:v53+s22+$0x0] =	vst.idx.msk $0xffff, v6;
	v6 =	vsub.s32 v27, v39  }
0x42f: {  	v3 =	vadd.s32 v59, v47;
	v5 =	vor.u32 v60, v36;
	v13 =	vld.idx.msk [tilespmem:v57+s17+$0x0], $0xffff;
	v39 =	vadd.s32 s31, v6  }
0x430: {  	[tilespmem:v0+s22+$0x0] =	vst.idx.msk $0xffff, v1;
	v0 =	vand.u32 $0xF, v42;
	v7 =	vadd.f32 v7, v19;
	v25 =	vadd.s32 v61, v39  }
0x431: {  	v4 =	vadd.f32 v4, v16;
	v8 =	vld.idx.msk [tilespmem:v52+s17+$0x0], $0xffff;
	v33 =	vor.u32 s31, v0;
	v1 =	vadd.s32 $0x6380, v39;
	[tilespmem:$0x1FC60] =	vst v25  }
0x432: {  	v50 =	vor.u32 v62, v51;
	v52 =	vor.u32 v35, v33;
	v25 =	vshrl.u32 v63, $0x4;
	[tilespmem:v20+s22+$0x0] =	vst.idx.msk $0xffff, v7  }
0x433: {  	v46 =	vadd.s32 v35, v39;
	v0 =	vshll.u32 v25, $0x4;
	[tilespmem:v10+s22+$0x0] =	vst.idx.msk $0xffff, v4;
	v4 =	vor.u32 v45, v37  }
0x434: {  	v30 =	vadd.s32 $0x6380, v38;
	v3 =	vld.idx.msk [tilespmem:v3+s17+$0x0], $0xffff;
	v0 =	vsub.s32 v63, v0;
	[tilespmem:$0x1FC70] =	vst v4;
	v48 =	vadd.f32 v13, v18  }
0x435: {  	v57 =	vor.u32 v41, v33;
	v34 =	vshll.u32 v39, $0x7;
	v40 =	vadd.s32 s31, v0;
	v53 =	vld.idx.msk [tilespmem:v55+s17+$0x0], $0xffff  }
0x436: {  	v8 =	vadd.f32 v8, v17;
	v27 =	vld.idx.msk [tilespmem:v1+s14+$0x0], $0xffff;
	v1 =	vadd.s32 v58, v40;
	[tilespmem:v21+s22+$0x0] =	vst.idx.msk $0xffff, v48  }
0x437: {  	v20 =	vor.u32 v59, v49;
	v25 =	vor.u32 v58, v49;
	v4 =	vld.idx.msk [tilespmem:v44+s17+$0x0], $0xffff;
	v55 =	vor.u32 $0x6380, v33;
	[tilespmem:$0x1FC80] =	vst v1  }
0x438: {  	v63 =	vor.u32 v43, v34;
	v0 =	vadd.s32 v59, v29;
	v48 =	vadd.s32 v35, v40;
	v1 =	vld.idx.msk [tilespmem:v46+s17+$0x0], $0xffff  }
0x439: {  	v44 =	vadd.s32 v58, v23;
	v59 =	vadd.s32 v59, v23;
	v10 =	vadd.s32 $0x6380, v40;
	v35 =	vld.idx.msk [tilespmem:v30+s14+$0x0], $0xffff  }
0x43a: {  	v13 =	vadd.s32 v15, v39;
	v21 =	vadd.s32 v15, v40;
	[tilespmem:v2+s22+$0x0] =	vst.idx.msk $0xffff, v8;
	v2 =	vld.idx.msk [tilespmem:v52+s17+$0x0], $0xffff  }
0x43b: {  	v3 =	vadd.f32 v3, v19;
	[tilespmem:$0x1FC90] =	vst v25;
	v6 =	vadd.f32 v53, v16;
	v25 =	vor.u32 v45, v51  }
0x43c: {  	v28 =	vmov v41;
	v52 =	vadd.s32 v15, v38;
	v53 =	vor.u32 v62, v26;
	v41 =	vld.idx.msk [tilespmem:v55+s14+$0x0], $0xffff;
	[tilespmem:$0x1FCA0] =	vst v25  }
0x43d: {  	v46 =	vshll.u32 v40, $0x7;
	v12 =	vld.idx.msk [tilespmem:v48+s17+$0x0], $0xffff;
	[tilespmem:v5+s22+$0x0] =	vst.idx.msk $0xffff, v6;
	v48 =	vshll.u32 v33, $0x7;
	v1 =	vadd.f32 v1, v27  }
0x43e: {  	v42 =	vld.idx.msk [tilespmem:v10+s14+$0x0], $0xffff;
	[tilespmem:v50+s22+$0x0] =	vst.idx.msk $0xffff, v3;
	v5 =	vor.u32 v43, v48;
	v3 =	vadd.f32 v4, v35  }
0x43f: {  	v55 =	vor.u32 v31, v49;
	v49 =	vor.u32 v61, v49;
	v6 =	vld.idx.msk [tilespmem:v59+s17+$0x0], $0xffff;
	[tilespmem:v63+s22+$0x0] =	vst.idx.msk $0xffff, v1  }
0x440: {  	v59 =	vor.u32 v43, v46;
	[tilespmem:v32+s22+$0x0] =	vst.idx.msk $0xffff, v3;
	v1 =	vor.u32 v45, v48  }
0x441: {  	v11 =	vld.idx.msk [tilespmem:v0+s17+$0x0], $0xffff;
	v4 =	vor.u32 v15, v33;
	v0 =	vadd.f32 v2, v41;
	[tilespmem:$0x1FCB0] =	vst v1  }
0x442: {  	v10 =	vor.u32 v62, v36;
	v50 =	vor.u32 v22, v36;
	v43 =	vmov v56;
	v32 =	vld.idx.msk [tilespmem:v9+s17+$0x0], $0xffff  }
0x443: {  	v1 =	vadd.f32 v12, v42;
	v3 =	vld.idx.msk [tilespmem:v13+s17+$0x0], $0xffff;
	[tilespmem:v5+s22+$0x0] =	vst.idx.msk $0xffff, v0;
	v5 =	vor.u32 v62, v24  }
0x444: {  	v63 =	vor.u32 v54, v51;
	v6 =	vadd.f32 v6, v16;
	v0 =	vor.u32 v56, v34;
	v20 =	vld.idx.msk [tilespmem:v20+s17+$0x0], $0xffff  }
0x445: {  	v56 =	vor.u32 v22, v51;
	v62 =	vadd.s32 v28, v39;
	[tilespmem:v59+s22+$0x0] =	vst.idx.msk $0xffff, v1;
	v1 =	vld.idx.msk [tilespmem:v52+s17+$0x0], $0xffff  }
0x446: {  	v51 =	vadd.s32 v58, v47;
	v47 =	vor.u32 v45, v24;
	v2 =	vld.idx.msk [tilespmem:v4+s17+$0x0], $0xffff;
	v4 =	vadd.f32 v11, v18  }
0x447: {  	v59 =	vadd.s32 v31, v29;
	v52 =	vor.u32 v54, v26;
	[tilespmem:v10+s22+$0x0] =	vst.idx.msk $0xffff, v6;
	v61 =	vld.idx.msk [tilespmem:v21+s17+$0x0], $0xffff  }
0x448: {  	s0 =	simm.s32 $0x8;
	v21 =	vor.u32 v43, v48;
	v58 =	vld.idx.msk [tilespmem:v14+s17+$0x0], $0xffff;
	v54 =	vadd.f32 v32, v19;
	[tilespmem:v5+s22+$0x0] =	vst.idx.msk $0xffff, v4  }
.LBB2_12:
0x449: {  	v7 =	vld [tilespmem:$0x1FC20]  }
0x44a: {  	v14 =	vld [tilespmem:$0x1FF80]  }
0x44b: {  	v28 =	vld [tilespmem:$0x1FF60]  }
0x44c: {  	v22 =	vld [tilespmem:$0x1FFA0]  }
0x44d: {  	v30 =	vld [tilespmem:$0x1FF70]  }
0x44e: {  	v5 =	vld.idx.msk [tilespmem:v59+s17+$0x0], $0xffff  }
0x44f: {  	v15 =	vld [tilespmem:$0x1FFE0];
	v3 =	vadd.f32 v3, v27  }
0x450: {  	v25 =	vld [tilespmem:$0x1FF50];
	[tilespmem:v63+s22+$0x0] =	vst.idx.msk $0xffff, v54;
	v2 =	vadd.f32 v2, v41;
	v6 =	vor.u32 v14, v37  }
0x451: {  	v8 =	vor.u32 v28, v36;
	v7 =	vld.idx.msk [tilespmem:v7+s17+$0x0], $0xffff;
	[tilespmem:v0+s22+$0x0] =	vst.idx.msk $0xffff, v3;
	v0 =	vadd.s32 v22, v38  }
0x452: {  	v4 =	vadd.s32 v30, v23;
	v10 =	vor.u32 v14, v46;
	v23 =	vmov v38;
	v38 =	vld [tilespmem:$0x1FFD0]  }
0x453: {  	v54 =	vmov v39;
	v39 =	vld [tilespmem:$0x1FC60];
	v1 =	vadd.f32 v1, v35;
	v11 =	vadd.s32 v22, v40;
	[tilespmem:v21+s22+$0x0] =	vst.idx.msk $0xffff, v2  }
0x454: {  	v12 =	vadd.s32 v30, v29;
	v29 =	vadd.f32 v20, v17;
	v20 =	vadd.f32 v58, v16;
	v13 =	vld.idx.msk [tilespmem:v57+s17+$0x0], $0xffff  }
0x455: {  	v2 =	vadd.f32 v61, v42;
	v3 =	vld.idx.msk [tilespmem:v62+s17+$0x0], $0xffff;
	[tilespmem:v6+s22+$0x0] =	vst.idx.msk $0xffff, v1  }
0x456: {  	v9 =	vor.u32 v28, v24;
	v0 =	vld.idx.msk [tilespmem:v0+s17+$0x0], $0xffff;
	[tilespmem:v8+s22+$0x0] =	vst.idx.msk $0xffff, v20  }
0x457: {  	[tilespmem:v10+s22+$0x0] =	vst.idx.msk $0xffff, v2;
	v21 =	vor.u32 v38, v34;
	v2 =	vld.idx.msk [tilespmem:v4+s17+$0x0], $0xffff  }
0x458: {  	v36 =	vadd.s32 v15, v54;
	[tilespmem:v53+s22+$0x0] =	vst.idx.msk $0xffff, v29;
	v45 =	vld.idx.msk [tilespmem:v11+s17+$0x0], $0xffff;
	v43 =	vor.u32 v38, v48  }
0x459: {  	v1 =	vadd.f32 v5, v18;
	v5 =	vmov v39;
	v10 =	vld.idx.msk [tilespmem:v55+s17+$0x0], $0xffff;
	v11 =	vor.u32 v25, v24  }
0x45a: {  	[tilespmem:$0x1FC20] =	vst v5;
	v24 =	vor.u32 v38, v46;
	v4 =	vor.u32 v15, v33;
	v3 =	vadd.f32 v3, v27  }
0x45b: {  	s2 =	smov.u32 s0;
	v13 =	vadd.f32 v13, v41;
	[tilespmem:v9+s22+$0x0] =	vst.idx.msk $0xffff, v1  }
0x45c: {  	v32 =	vld [tilespmem:$0x1FFB0];
	s3 =	sand.u32 $0xF, s2;
	[tilespmem:v21+s22+$0x0] =	vst.idx.msk $0xffff, v3;
	v2 =	vadd.f32 v2, v16  }
0x45d: {  	s6 =	sadd.s32 $0x1, s3;
	v5 =	vadd.f32 v7, v19;
	v7 =	vadd.f32 v45, v42;
	v45 =	vlaneseq.u32;
	v3 =	vld.idx.msk [tilespmem:v12+s17+$0x0], $0xffff;
	[tilespmem:v43+s22+$0x0] =	vst.idx.msk $0xffff, v13  }
0x45e: {  	v10 =	vadd.f32 v10, v17;
	v6 =	vld.idx.msk [tilespmem:v36+s17+$0x0], $0xffff;
	[tilespmem:v50+s22+$0x0] =	vst.idx.msk $0xffff, v2;
	v2 =	vadd.s32 s6, v45  }
0x45f: {  	v29 =	vmov v40;
	v12 =	vadd.s32 v15, v40;
	[tilespmem:v24+s22+$0x0] =	vst.idx.msk $0xffff, v7;
	v4 =	vld.idx.msk [tilespmem:v4+s17+$0x0], $0xffff;
	v40 =	vshrl.u32 v2, $0x4  }
0x460: {  	v62 =	vor.u32 v60, v37;
	[tilespmem:v52+s22+$0x0] =	vst.idx.msk $0xffff, v10;
	v52 =	vld [tilespmem:$0x1FC30];
	v7 =	vshll.u32 v40, $0x4  }
0x461: {  	s31 =	sand.u32 $0xC, s2;
	s2 =	sand.u32 $0x30, s2;
	s7 =	sadd.s32 $0x2, s3;
	v8 =	vor.u32 v38, v37;
	v36 =	vmov v37;
	v37 =	vld.idx.msk [tilespmem:v44+s17+$0x0], $0xffff;
	v2 =	vsub.s32 v2, v7  }
0x462: {  	v57 =	vadd.s32 s7, v45;
	v39 =	vadd.s32 s2, v2;
	v2 =	vld.idx.msk [tilespmem:v49+s17+$0x0], $0xffff  }
0x463: {  	v63 =	vor.u32 v25, v26;
	v53 =	vld [tilespmem:$0x1FFC0];
	v9 =	vadd.s32 v15, v23;
	v15 =	vshrl.u32 v57, $0x4;
	[tilespmem:v56+s22+$0x0] =	vst.idx.msk $0xffff, v5  }
0x464: {  	v0 =	vadd.f32 v0, v35;
	v13 =	vor.u32 v60, v46;
	v24 =	vmovc v46;
	v46 =	vshll.u32 v15, $0x4;
	v21 =	vld.idx.msk [tilespmem:v51+s17+$0x0], $0xffff  }
0x465: {  	v59 =	vmovc v34;
	v61 =	vmovc v33;
	v20 =	vor.u32 v60, v48;
	v15 =	vadd.s32 s31, v45;
	v33 =	vsub.s32 v57, v46;
	v46 =	vld [tilespmem:$0x1FFF0]  }
0x466: {  	v55 =	vand.u32 $0xF, v15;
	v15 =	vld [tilespmem:$0x1FC50];
	[tilespmem:v8+s22+$0x0] =	vst.idx.msk $0xffff, v0;
	v31 =	vadd.s32 v30, v39;
	v0 =	vadd.f32 v37, v16  }
0x467: {  	v5 =	vor.u32 v60, v59;
	v51 =	vmov v41;
	v12 =	vld.idx.msk [tilespmem:v12+s17+$0x0], $0xffff;
	[tilespmem:$0x1FC60] =	vst v31;
	v2 =	vadd.f32 v2, v17  }
0x468: {  	v1 =	vadd.s32 v53, v54;
	v4 =	vadd.f32 v4, v51;
	[tilespmem:v52+s22+$0x0] =	vst.idx.msk $0xffff, v0;
	v0 =	vld [tilespmem:$0x1FC40]  }
0x469: {  	v31 =	vld [tilespmem:$0x1FCB0];
	[tilespmem:v63+s22+$0x0] =	vst.idx.msk $0xffff, v2  }
0x46a: {  	v6 =	vadd.f32 v6, v27;
	[tilespmem:v20+s22+$0x0] =	vst.idx.msk $0xffff, v4;
	v4 =	vadd.f32 v21, v19;
	v19 =	vld [tilespmem:$0x1FC90]  }
0x46b: {  	v43 =	vld [tilespmem:$0x1FF30];
	v41 =	vmov v18  }
0x46c: {  	v38 =	vadd.s32 s2, v33;
	v33 =	vor.u32 s2, v55;
	v55 =	vld [tilespmem:$0x1FC70];
	v3 =	vadd.f32 v3, v41;
	[tilespmem:v5+s22+$0x0] =	vst.idx.msk $0xffff, v6  }
0x46d: {  	v1 =	vld.idx.msk [tilespmem:v1+s17+$0x0], $0xffff  }
0x46e: {  	v18 =	vmov v42;
	[tilespmem:v11+s22+$0x0] =	vst.idx.msk $0xffff, v3;
	v7 =	vmov v15;
	v15 =	vmov v31;
	v31 =	vld [tilespmem:$0x1FF40]  }
0x46f: {  	s3 =	sadd.s32 $0x3, s3;
	v44 =	vadd.s32 v46, v38;
	v49 =	vadd.f32 v12, v18;
	[tilespmem:$0x1FC50] =	vst v15;
	v15 =	vld [tilespmem:$0x1FF20]  }
0x470: {  	v58 =	vadd.s32 v32, v54;
	v60 =	vadd.s32 v32, v23;
	v50 =	vadd.s32 s3, v45;
	v0 =	vld.idx.msk [tilespmem:v0+s17+$0x0], $0xffff  }
0x471: {  	v42 =	vadd.s32 $0x6380, v38;
	v57 =	vshrl.u32 v50, $0x4;
	v5 =	vadd.s32 $0x6380, v39;
	[tilespmem:v13+s22+$0x0] =	vst.idx.msk $0xffff, v49;
	v49 =	vld [tilespmem:$0x1FC80]  }
0x472: {  	v26 =	vmovc v48;
	v8 =	vadd.s32 v53, v23;
	v48 =	vshll.u32 v57, $0x4;
	v6 =	vadd.s32 v46, v39;
	v21 =	vld.idx.msk [tilespmem:v19+s17+$0x0], $0xffff  }
0x473: {  	v56 =	vor.u32 v43, v59;
	v3 =	vsub.s32 v50, v48;
	v48 =	vshll.u32 v33, $0x7;
	v19 =	vld [tilespmem:$0x1FCA0]  }
0x474: {  	v34 =	vshll.u32 v39, $0x7;
	v57 =	vmovc v55;
	v40 =	vadd.s32 s2, v3;
	v3 =	vadd.s32 v53, v29;
	v10 =	vld.idx.msk [tilespmem:v44+s17+$0x0], $0xffff  }
0x475: {  	v16 =	vmovc v35;
	v37 =	vshll.u32 v38, $0x7;
	[tilespmem:$0x1FC30] =	vst v57;
	v9 =	vld.idx.msk [tilespmem:v9+s17+$0x0], $0xffff;
	v2 =	vor.u32 $0x6380, v33;
	v52 =	vadd.s32 v31, v40  }
0x476: {  	v35 =	vor.u32 v46, v33;
	v11 =	vadd.s32 $0x6380, v40;
	v5 =	vld.idx.msk [tilespmem:v5+s14+$0x0], $0xffff;
	v12 =	vor.u32 v15, v37;
	[tilespmem:$0x1FC80] =	vst v52  }
0x477: {  	v57 =	vor.u32 v22, v33;
	v6 =	vld.idx.msk [tilespmem:v6+s17+$0x0], $0xffff;
	v1 =	vadd.f32 v1, v27;
	[tilespmem:$0x1FC70] =	vst v12;
	v50 =	vmov v49  }
0x478: {  	v55 =	vor.u32 v31, v61;
	v12 =	vadd.s32 v46, v40;
	v0 =	vadd.f32 v0, v41;
	[tilespmem:$0x1FC40] =	vst v50;
	v50 =	vld [tilespmem:$0x1FF90]  }
0x479: {  	v63 =	vor.u32 v28, v59;
	v20 =	vor.u32 v45, v34;
	v13 =	vor.u32 v53, v61;
	[tilespmem:$0x1FC90] =	vst v55  }
0x47a: {  	v44 =	vadd.s32 v31, v23;
	v53 =	vor.u32 v43, v26;
	v41 =	vld.idx.msk [tilespmem:v2+s14+$0x0], $0xffff;
	[tilespmem:v47+s22+$0x0] =	vst.idx.msk $0xffff, v0  }
0x47b: {  	v55 =	vor.u32 v32, v61;
	v0 =	vor.u32 v15, v59;
	[tilespmem:v19+s22+$0x0] =	vst.idx.msk $0xffff, v4;
	v4 =	vld.idx.msk [tilespmem:v35+s17+$0x0], $0xffff  }
0x47c: {  	v46 =	vshll.u32 v40, $0x7;
	v47 =	vor.u32 v45, v37;
	[tilespmem:$0x1FCA0] =	vst v0;
	v0 =	vadd.f32 v9, v16;
	v35 =	vld.idx.msk [tilespmem:v42+s14+$0x0], $0xffff  }
0x47d: {  	v9 =	vld.idx.msk [tilespmem:v12+s17+$0x0], $0xffff;
	v12 =	vor.u32 v45, v46;
	v49 =	vadd.s32 v50, v39;
	v2 =	vadd.s32 v50, v38  }
0x47e: {  	[tilespmem:v62+s22+$0x0] =	vst.idx.msk $0xffff, v0;
	v19 =	vmov v27;
	v27 =	vmov v5;
	v5 =	vor.u32 v45, v48  }
0x47f: {  	v42 =	vld.idx.msk [tilespmem:v11+s14+$0x0], $0xffff;
	v0 =	vor.u32 v15, v48;
	[tilespmem:v56+s22+$0x0] =	vst.idx.msk $0xffff, v1;
	v1 =	vadd.f32 v21, v17  }
0x480: {  	v62 =	vor.u32 v50, v33;
	[tilespmem:$0x1FCB0] =	vst v0;
	v6 =	vadd.f32 v6, v27;
	v8 =	vld.idx.msk [tilespmem:v8+s17+$0x0], $0xffff  }
0x481: {  	v52 =	vadd.s32 v50, v40;
	v21 =	vld.idx.msk [tilespmem:v3+s17+$0x0], $0xffff;
	[tilespmem:v7+s22+$0x0] =	vst.idx.msk $0xffff, v1;
	v10 =	vadd.f32 v10, v35  }
0x482: {  	v58 =	vld.idx.msk [tilespmem:v58+s17+$0x0], $0xffff;
	[tilespmem:v20+s22+$0x0] =	vst.idx.msk $0xffff, v6;
	v1 =	vadd.f32 v4, v41;
	v4 =	vor.u32 v43, v36  }
0x483: {  	v50 =	vor.u32 v25, v36;
	v45 =	vor.u32 v43, v24;
	v3 =	vld.idx.msk [tilespmem:v49+s17+$0x0], $0xffff;
	[tilespmem:v47+s22+$0x0] =	vst.idx.msk $0xffff, v10  }
0x484: {  	p0 =	slt.u32 s0, $0x3C;
	v0 =	vor.u32 v14, v34;
	[tilespmem:v5+s22+$0x0] =	vst.idx.msk $0xffff, v1;
	v5 =	vadd.f32 v9, v42;
	v1 =	vld.idx.msk [tilespmem:v2+s17+$0x0], $0xffff  }
.Ltmp5:
0x485: {  	v17 =	vmov v51;
	v56 =	vor.u32 v25, v59;
	v47 =	vadd.f32 v8, v16;
	v2 =	vld.idx.msk [tilespmem:v62+s17+$0x0], $0xffff;
	(pc) =	sbr.rel @p0 .LBB2_12-.Ltmp5, $4  }
0x486: {  	v59 =	vadd.s32 v32, v29;
	v51 =	vadd.s32 v31, v54;
	v20 =	vld.idx.msk [tilespmem:v13+s17+$0x0], $0xffff;
	[tilespmem:v12+s22+$0x0] =	vst.idx.msk $0xffff, v5  }
0x487: {  	v49 =	vor.u32 v30, v61;
	v5 =	vadd.f32 v21, v18;
	v61 =	vld.idx.msk [tilespmem:v52+s17+$0x0], $0xffff;
	[tilespmem:v4+s22+$0x0] =	vst.idx.msk $0xffff, v47  }
0x488: {  	v54 =	vadd.f32 v58, v19;
	v62 =	vadd.s32 v22, v39;
	v21 =	vor.u32 v14, v48;
	v58 =	vld.idx.msk [tilespmem:v60+s17+$0x0], $0xffff  }
0x489: {  	s0 =	sadd.s32 $0x4, s0;
	v52 =	vor.u32 v28, v26;
	v47 =	vor.u32 v15, v24;
	v60 =	vld [tilespmem:$0x1FF10];
	[tilespmem:v45+s22+$0x0] =	vst.idx.msk $0xffff, v5  }
0x48a: {  	v15 =	vld [tilespmem:$0x1FF80];
	_ =	sdelay $0x4  }
0x48b: {  	v4 =	vor.u32 v15, v37  }
0x48c: {  	v6 =	vor.u32 v15, v46  }
0x48d: {  	v3 =	vadd.f32 v3, v27  }
0x48e: {  	v14 =	vld [tilespmem:$0x1FFA0];
	v25 =	vadd.f32 v1, v35  }
0x48f: {  	[tilespmem:v0+s22+$0x0] =	vst.idx.msk $0xffff, v3;
	v30 =	vadd.f32 v61, v42  }
0x490: {  	v28 =	vld.idx.msk [tilespmem:v62+s17+$0x0], $0xffff;
	[tilespmem:v4+s22+$0x0] =	vst.idx.msk $0xffff, v25  }
0x491: {  	v22 =	vld [tilespmem:$0x1FFD0];
	[tilespmem:v6+s22+$0x0] =	vst.idx.msk $0xffff, v30  }
0x492: {  	v62 =	vld [tilespmem:$0x1FFE0]  }
0x493: {  	v5 =	vadd.s32 v14, v38  }
0x494: {  	v7 =	vadd.s32 v14, v40;
	_ =	sdelay $0x1  }
0x495: {  	v32 =	vor.u32 v22, v34  }
0x496: {  	v31 =	vadd.f32 v2, v41;
	v43 =	vadd.s32 v62, v39  }
0x497: {  	v4 =	vld.idx.msk [tilespmem:v5+s17+$0x0], $0xffff  }
0x498: {  	v1 =	vadd.f32 v28, v27;
	v5 =	vld.idx.msk [tilespmem:v7+s17+$0x0], $0xffff;
	[tilespmem:v21+s22+$0x0] =	vst.idx.msk $0xffff, v31  }
0x499: {  	v6 =	vld.idx.msk [tilespmem:v57+s17+$0x0], $0xffff;
	v45 =	vor.u32 v22, v37  }
0x49a: {  	v7 =	vor.u32 v22, v46;
	[tilespmem:v32+s22+$0x0] =	vst.idx.msk $0xffff, v1  }
0x49b: {  	v61 =	vor.u32 v22, v48;
	v8 =	vadd.s32 v62, v38;
	v3 =	vld.idx.msk [tilespmem:v43+s17+$0x0], $0xffff  }
0x49c: {  	v10 =	vadd.f32 v4, v35  }
0x49d: {  	v21 =	vor.u32 v60, v34;
	v5 =	vadd.f32 v5, v42  }
0x49e: {  	v11 =	vadd.f32 v6, v41;
	[tilespmem:v45+s22+$0x0] =	vst.idx.msk $0xffff, v10  }
0x49f: {  	v9 =	vadd.s32 v62, v40;
	[tilespmem:v7+s22+$0x0] =	vst.idx.msk $0xffff, v5  }
0x4a0: {  	v4 =	vor.u32 v62, v33;
	[tilespmem:v61+s22+$0x0] =	vst.idx.msk $0xffff, v11;
	v5 =	vld.idx.msk [tilespmem:v8+s17+$0x0], $0xffff;
	v3 =	vadd.f32 v3, v27  }
0x4a1: {  	v25 =	vld [tilespmem:$0x1FFC0];
	[tilespmem:v63+s22+$0x0] =	vst.idx.msk $0xffff, v54  }
0x4a2: {  	v7 =	vor.u32 v60, v37;
	[tilespmem:v21+s22+$0x0] =	vst.idx.msk $0xffff, v3  }
0x4a3: {  	v21 =	vld [tilespmem:$0x1FF60]  }
0x4a4: {  	v6 =	vld.idx.msk [tilespmem:v9+s17+$0x0], $0xffff  }
0x4a5: {  	v0 =	vld.idx.msk [tilespmem:v4+s17+$0x0], $0xffff;
	v32 =	vadd.f32 v5, v35  }
0x4a6: {  	v28 =	vor.u32 v60, v46  }
0x4a7: {  	v10 =	vld.idx.msk [tilespmem:v59+s17+$0x0], $0xffff;
	v8 =	vor.u32 v60, v48;
	[tilespmem:v7+s22+$0x0] =	vst.idx.msk $0xffff, v32  }
0x4a8: {  	v59 =	vld [tilespmem:$0x1FF70];
	v5 =	vor.u32 v21, v36  }
0x4a9: {  	v6 =	vadd.f32 v6, v42  }
0x4aa: {  	v0 =	vadd.f32 v0, v41  }
0x4ab: {  	v7 =	vadd.f32 v58, v16;
	[tilespmem:v28+s22+$0x0] =	vst.idx.msk $0xffff, v6  }
0x4ac: {  	[tilespmem:v8+s22+$0x0] =	vst.idx.msk $0xffff, v0  }
0x4ad: {  	v4 =	vadd.s32 v25, v38;
	v36 =	vadd.s32 v59, v23;
	v23 =	vld [tilespmem:$0x1FF30];
	[tilespmem:v5+s22+$0x0] =	vst.idx.msk $0xffff, v7  }
0x4ae: {  	v30 =	vadd.s32 v25, v39;
	v57 =	vld [tilespmem:$0x1FC20]  }
0x4af: {  	v31 =	vadd.s32 v25, v40  }
0x4b0: {  	v11 =	vor.u32 v25, v33;
	v61 =	vld [tilespmem:$0x1FFB0];
	_ =	sdelay $0x1  }
0x4b1: {  	v43 =	vld.idx.msk [tilespmem:v4+s17+$0x0], $0xffff  }
0x4b2: {  	v9 =	vld.idx.msk [tilespmem:v30+s17+$0x0], $0xffff;
	v4 =	vor.u32 v21, v24  }
0x4b3: {  	v6 =	vadd.f32 v20, v17;
	v45 =	vld.idx.msk [tilespmem:v31+s17+$0x0], $0xffff;
	v54 =	vor.u32 v23, v37  }
0x4b4: {  	v10 =	vadd.f32 v10, v18;
	v8 =	vld.idx.msk [tilespmem:v11+s17+$0x0], $0xffff;
	v5 =	vor.u32 v23, v34;
	v7 =	vadd.s32 v61, v38  }
0x4b5: {  	[tilespmem:v53+s22+$0x0] =	vst.idx.msk $0xffff, v6;
	v6 =	vor.u32 v23, v46;
	v12 =	vadd.s32 v61, v39;
	v11 =	vld.idx.msk [tilespmem:v57+s17+$0x0], $0xffff  }
0x4b6: {  	v1 =	vadd.f32 v43, v35;
	v13 =	vor.u32 v23, v48;
	v58 =	vadd.s32 v61, v40  }
0x4b7: {  	v3 =	vld.idx.msk [tilespmem:v36+s17+$0x0], $0xffff;
	[tilespmem:v4+s22+$0x0] =	vst.idx.msk $0xffff, v10;
	v4 =	vadd.f32 v9, v27  }
0x4b8: {  	v0 =	vadd.f32 v45, v42;
	v28 =	vld.idx.msk [tilespmem:v55+s17+$0x0], $0xffff;
	[tilespmem:v54+s22+$0x0] =	vst.idx.msk $0xffff, v1  }
0x4b9: {  	[tilespmem:v5+s22+$0x0] =	vst.idx.msk $0xffff, v4;
	v4 =	vadd.f32 v8, v41;
	v2 =	vld.idx.msk [tilespmem:v7+s17+$0x0], $0xffff  }
0x4ba: {  	[tilespmem:v6+s22+$0x0] =	vst.idx.msk $0xffff, v0;
	v6 =	vld.idx.msk [tilespmem:v12+s17+$0x0], $0xffff;
	v5 =	vadd.f32 v11, v19  }
0x4bb: {  	v63 =	vor.u32 v61, v33;
	[tilespmem:v13+s22+$0x0] =	vst.idx.msk $0xffff, v4;
	v4 =	vld.idx.msk [tilespmem:v58+s17+$0x0], $0xffff;
	v7 =	vor.u32 v21, v37  }
0x4bc: {  	v3 =	vadd.f32 v3, v16;
	[tilespmem:v56+s22+$0x0] =	vst.idx.msk $0xffff, v5;
	v5 =	vor.u32 v21, v34  }
0x4bd: {  	v30 =	vor.u32 v21, v46;
	v1 =	vadd.f32 v28, v17  }
0x4be: {  	[tilespmem:v50+s22+$0x0] =	vst.idx.msk $0xffff, v3;
	v2 =	vadd.f32 v2, v35  }
0x4bf: {  	[tilespmem:v52+s22+$0x0] =	vst.idx.msk $0xffff, v1;
	v6 =	vadd.f32 v6, v27  }
0x4c0: {  	v29 =	vadd.s32 v59, v29;
	v4 =	vadd.f32 v4, v42;
	[tilespmem:v7+s22+$0x0] =	vst.idx.msk $0xffff, v2  }
0x4c1: {  	v9 =	vld.idx.msk [tilespmem:v63+s17+$0x0], $0xffff;
	[tilespmem:v5+s22+$0x0] =	vst.idx.msk $0xffff, v6  }
0x4c2: {  	v8 =	vadd.s32 v59, v38;
	v50 =	vld [tilespmem:$0x1FF50];
	[tilespmem:v30+s22+$0x0] =	vst.idx.msk $0xffff, v4  }
0x4c3: {  	v4 =	vld [tilespmem:$0x1FC60]  }
0x4c4: {  	v31 =	vor.u32 v21, v48;
	v32 =	vadd.s32 v59, v40  }
0x4c5: {  	v36 =	vor.u32 v59, v33;
	v0 =	vld.idx.msk [tilespmem:v29+s17+$0x0], $0xffff  }
0x4c6: {  	v40 =	vld.idx.msk [tilespmem:v49+s17+$0x0], $0xffff  }
0x4c7: {  	v7 =	vadd.f32 v9, v41;
	v6 =	vld.idx.msk [tilespmem:v8+s17+$0x0], $0xffff;
	v5 =	vor.u32 v50, v24  }
0x4c8: {  	v43 =	vor.u32 v50, v26  }
0x4c9: {  	v45 =	vld.idx.msk [tilespmem:v32+s17+$0x0], $0xffff;
	[tilespmem:v31+s22+$0x0] =	vst.idx.msk $0xffff, v7;
	v8 =	vor.u32 v50, v37  }
0x4ca: {  	v0 =	vadd.f32 v0, v18;
	v1 =	vld.idx.msk [tilespmem:v36+s17+$0x0], $0xffff  }
0x4cb: {  	v2 =	vadd.f32 v40, v17;
	v13 =	vor.u32 v50, v46;
	v4 =	vld.idx.msk [tilespmem:v4+s17+$0x0], $0xffff  }
0x4cc: {  	v52 =	vld [tilespmem:$0x1FF40];
	v6 =	vadd.f32 v6, v35;
	[tilespmem:v5+s22+$0x0] =	vst.idx.msk $0xffff, v0;
	v5 =	vor.u32 v50, v48  }
0x4cd: {  	v49 =	vor.u32 v50, v34;
	[tilespmem:v43+s22+$0x0] =	vst.idx.msk $0xffff, v2  }
0x4ce: {  	v2 =	vld [tilespmem:$0x1FC40];
	[tilespmem:v8+s22+$0x0] =	vst.idx.msk $0xffff, v6;
	v8 =	vadd.f32 v45, v42  }
0x4cf: {  	v1 =	vadd.f32 v1, v41  }
0x4d0: {  	v6 =	vld [tilespmem:$0x1FC90];
	[tilespmem:v13+s22+$0x0] =	vst.idx.msk $0xffff, v8;
	v4 =	vadd.f32 v4, v27  }
0x4d1: {  	[tilespmem:v5+s22+$0x0] =	vst.idx.msk $0xffff, v1  }
0x4d2: {  	[tilespmem:v49+s22+$0x0] =	vst.idx.msk $0xffff, v4  }
0x4d3: {  	v5 =	vld [tilespmem:$0x1FC30]  }
0x4d4: {  	v53 =	vld.idx.msk [tilespmem:v44+s17+$0x0], $0xffff;
	v7 =	vadd.s32 v52, v38;
	_ =	sdelay $0x4  }
0x4d5: {  	v4 =	vld.idx.msk [tilespmem:v7+s17+$0x0], $0xffff;
	v7 =	vadd.f32 v53, v16  }
0x4d6: {  	v1 =	vld [tilespmem:$0x1FC80]  }
0x4d7: {  	v2 =	vld.idx.msk [tilespmem:v2+s17+$0x0], $0xffff;
	[tilespmem:v5+s22+$0x0] =	vst.idx.msk $0xffff, v7  }
0x4d8: {  	v7 =	vld [tilespmem:$0x1FCA0]  }
0x4d9: {  	v54 =	vld.idx.msk [tilespmem:v51+s17+$0x0], $0xffff;
	_ =	sdelay $0x3  }
0x4da: {  	v2 =	vadd.f32 v2, v18  }
0x4db: {  	v0 =	vadd.f32 v54, v19  }
0x4dc: {  	v37 =	vld [tilespmem:$0x1FF20];
	[tilespmem:v47+s22+$0x0] =	vst.idx.msk $0xffff, v2  }
0x4dd: {  	[tilespmem:v7+s22+$0x0] =	vst.idx.msk $0xffff, v0  }
0x4de: {  	v57 =	vadd.f32 v4, v35;
	v4 =	vld [tilespmem:$0x1FC50]  }
0x4df: {  	v6 =	vld.idx.msk [tilespmem:v6+s17+$0x0], $0xffff  }
0x4e0: {  	v12 =	vadd.s32 v52, v39;
	_ =	sdelay $0x3  }
0x4e1: {  	v56 =	vadd.f32 v6, v17  }
0x4e2: {  	v8 =	vld.idx.msk [tilespmem:v12+s17+$0x0], $0xffff  }
0x4e3: {  	v1 =	vld.idx.msk [tilespmem:v1+s17+$0x0], $0xffff;
	[tilespmem:v4+s22+$0x0] =	vst.idx.msk $0xffff, v56  }
0x4e4: {  	v4 =	vld [tilespmem:$0x1FC70]  }
0x4e5: {  	v5 =	vor.u32 v37, v34  }
0x4e6: {  	v6 =	vor.u32 v37, v46;
	_ =	sdelay $0x1  }
0x4e7: {  	v58 =	vadd.f32 v8, v27  }
0x4e8: {  	v55 =	vor.u32 v52, v33;
	v1 =	vadd.f32 v1, v42  }
0x4e9: {  	[tilespmem:v5+s22+$0x0] =	vst.idx.msk $0xffff, v58  }
0x4ea: {  	[tilespmem:v6+s22+$0x0] =	vst.idx.msk $0xffff, v1  }
0x4eb: {  	[tilespmem:v4+s22+$0x0] =	vst.idx.msk $0xffff, v57  }
0x4ec: {  	v1 =	vld [tilespmem:$0x1FCB0]  }
0x4ed: {  	v3 =	vld.idx.msk [tilespmem:v55+s17+$0x0], $0xffff;
	_ =	sdelay $0x4  }
0x4ee: {  	v63 =	vadd.f32 v3, v41;
	_ =	sdelay $0x1  }
0x4ef: {  	[tilespmem:v1+s22+$0x0] =	vst.idx.msk $0xffff, v63  }
0x4f0: {  	s0 =	rddreg [dreg:$0x7]  }
0x4f1: {  	[hbm4b:s0+s11] =	stream.strided.scatter [tilespmem:s22], [sflag:$0x5], $0x2000, s12, s11, $0x38;
	[tilespmem:$0x1E800] =	vst v63  }
0x4f2: {  	_ =	swait.ge [sflag:s28], $0x2000  }
0x4f3: {  	[sflag:s28] =	ssyncset.done $0x0  }
0x4f4: {  	[sflag:s28] =	ssyncadd.s32 $0xFFFFE000  }
0x4f5: {  	_ =	swait.ge [sflag:s25], $0x2000  }
0x4f6: {  	[sflag:s25] =	ssyncset.done $0x0  }
0x4f7: {  	[sflag:s25] =	ssyncadd.s32 $0xFFFFE000  }
0x4f8: {  	_ =	swait.ge [sflag:s26], $0x2000  }
0x4f9: {  	s29 =	sadd.s32 $0x1, s29;
	s31 =	rddreg [dreg:$0x8]  }
0x4fa: {  	p0 =	sne.s32 s29, s31  }
.Ltmp6:
0x4fb: {  	_ = 	snop;
	(pc) =	sbr.rel @p0 .LBB2_1-.Ltmp6, $3  }
0x4fc: {  	_ =	sdelay $0x1  }
0x4fd: {  	v54 =	vmov v22;
	v13 =	vlaneseq.u32;
	v55 =	vmov v15;
	[sflag:s26] =	ssyncset.done $0x0;
	v6 =	vld [tilespmem:$0x1FFF0]  }
0x4fe: {  	v53 =	vmovc v14;
	v15 =	vmovc v23;
	v12 =	vmov v50;
	v47 =	vmov v25;
	v56 =	vmov v21;
	v48 =	vld [tilespmem:$0x1FF90];
	[sflag:s26] =	ssyncadd.s32 $0xFFFFE000  }
0x4ff: {  	_ =	sfence.sel $0x180000  }
0x500: {  	[bflag:$0x0] =	sbarrier.arrive $0xFFFF  }
0x501: {  	_ =	strace $0x90000047  }
0x502: {  	s0 =	stileid.u32;
	[bflag:$0x2] =	sbarrier.arrive $0xFFFF  }
0x503: {  	p0 =	sne.s32 s0, $0x0;
	s0 =	rddreg [dreg:$0x3]  }
0x504: {  	s0 =	sadd.s32 @!p0 $0x100000, s0  }
0x505: {  	[sflag:s0] =	ssyncadd.tile.s32 @!p0 $0x1;
	_ =	shalt  }
.Lfunc_end2:
_tile_overlayer_lowered:
.L_overlay_start_2:
0x506: {  	(tag) =	ssettag $0x2  }
0x507: {  	s0 =	rddreg [dreg:$0x0];
	s2 =	stileid.u32  }
0x508: {  	s1 =	rddreg [dreg:$0x1];
	p0 =	sne.s32 s2, $0x0  }
0x509: {  	s3 =	rddreg [dreg:$0x2];
	[bflag:$0x3] =	sbarrier.arrive $0xFFFF;
	s2 =	simm.s32 @!p0 $0x1C07  }
0x50a: {  	[timem:s3], [sflag:s2] =	dma.local @!p0 [hbm:s0], s1  }
0x50b: {  	s0 =	simm.s32 @!p0 $0x7  }
0x50c: {  	_ =	swait.ge @!p0 [sflag:s0], s1  }
0x50d: {  	s1 =	ssub.s32 @!p0 $0x0, s1;
	[sflag:s0] =	ssyncset.done @!p0 $0x0  }
0x50e: {  	[sflag:s0] =	ssyncadd.s32 @!p0 s1  }
0x50f: {  	[bflag:$0x3] =	sbarrier.arrive $0xFFFF  }
0x510: {  	_ =	shalt  }

</sc_bundles>
